<compile_context>
chip_gen: v7x
topology: tpu7x:2x2x1
jax: 0.10.2.dev20260603
libtpu: 0.0.44.dev20260713+nightly
codegen_flags: <defaults>
</compile_context>

<pallas_src>
import functools

import jax
import jax.numpy as jnp
from jax import lax
from jax.experimental import pallas as pl
from jax.experimental.pallas import tpu as pltpu
from jax.experimental.pallas import tpu_sc as plsc

_NBUF = 4
_LANES = 16
_BBLK = 128


@functools.lru_cache(maxsize=None)
def _build(batch, seq_len, vocab, d):
    info = plsc.get_sparse_core_info()
    nc, ns = info.num_cores, info.num_subcores
    nw = nc * ns
    assert batch == nw * _BBLK
    assert seq_len % 8 == 0 and seq_len % _NBUF == 0
    assert d % _LANES == 0 and 128 % d == 0
    dt8 = d // 8

    mesh = plsc.VectorSubcoreMesh(core_axis_name="c", subcore_axis_name="s")

    @functools.partial(
        pl.kernel,
        mesh=mesh,
        compiler_params=pltpu.CompilerParams(use_tc_tiling_on_sc=False,
                                             needs_layout_passes=False),
        out_type=jax.ShapeDtypeStruct((seq_len, dt8, nw, 8, _BBLK), jnp.float32),
        scratch_types=[
            pltpu.VMEM((_NBUF, _BBLK), jnp.int32),
            pltpu.VMEM((_NBUF, _BBLK, d), jnp.float32),
            pltpu.VMEM((_NBUF, dt8, 8, _BBLK + 1), jnp.float32),
            pltpu.VMEM((seq_len, d), jnp.float32),
            [pltpu.SemaphoreType.DMA] * _NBUF,
            [pltpu.SemaphoreType.DMA] * _NBUF,
            [pltpu.SemaphoreType.DMA] * _NBUF,
        ],
    )
    def emb(x4_hbm, tok_hbm, pos_hbm, out_hbm, idx_v, rows_v, tbuf_v, pos_v,
            gsems, ssems, isems):
        w = lax.axis_index("s") * nc + lax.axis_index("c")
        pltpu.sync_copy(pos_hbm, pos_v)

        def fire_idx(p, b):
            pltpu.async_copy(x4_hbm.at[p // 8, w, p % 8, :], idx_v.at[b],
                             isems[b])

        def wait_idx(b):
            pltpu.make_async_copy(x4_hbm.at[0, 0, 0, :], idx_v.at[b],
                                  isems[b]).wait()

        def fire_gather(b):
            for k in range(_BBLK // _LANES):
                sl = pl.ds(k * _LANES, _LANES)
                idx_v[b, sl] = idx_v[b, sl] + idx_v[b, sl]
            pltpu.async_copy(tok_hbm.at[idx_v.at[b]], rows_v.at[b], gsems[b])

        def wait_gather(b):
            pltpu.make_async_copy(tok_hbm.at[idx_v.at[b]], rows_v.at[b],
                                  gsems[b]).wait()

        def fire_store(p, b):
            pltpu.async_copy(tbuf_v.at[b, :, :, pl.ds(0, _BBLK)],
                             out_hbm.at[p, :, w, :, :], ssems[b])

        def wait_store(b):
            pltpu.make_async_copy(tbuf_v.at[b, :, :, pl.ds(0, _BBLK)],
                                  out_hbm.at[0, :, 0, :, :], ssems[b]).wait()

        iota16 = lax.iota(jnp.int32, _LANES)
        dt_idxs = [iota16 // 8 + k * 2 for k in range(d // _LANES)]
        ds_idx = iota16 % 8

        fire_idx(0, 0)
        fire_idx(1, 1)
        fire_idx(2, 2)
        fire_idx(3, 3)
        wait_idx(0)
        fire_gather(0)
        wait_idx(1)
        fire_gather(1)
        wait_idx(2)
        fire_gather(2)

        def super_body(t, carry):
            for b in range(_NBUF):
                p = t * _NBUF + b
                b3 = (b + 3) % _NBUF

                wait_gather(b)

                @pl.when(p + 4 < seq_len)
                def _():
                    fire_idx(p + 4, b)

                @pl.when(p + 3 < seq_len)
                def _():
                    wait_idx(b3)
                    fire_gather(b3)

                @pl.when(p >= _NBUF)
                def _():
                    wait_store(b)

                pos_ks = [pos_v[p, pl.ds(k * _LANES, _LANES)]
                          for k in range(d // _LANES)]

                @plsc.parallel_loop(0, _BBLK, step=1, unroll=4)
                def row_body(r):
                    rvec = jnp.full((_LANES,), r, dtype=jnp.int32)
                    for k in range(d // _LANES):
                        vec = rows_v[b, r, pl.ds(k * _LANES, _LANES)]
                        plsc.store_scatter(tbuf_v.at[b],
                                           [dt_idxs[k], ds_idx, rvec],
                                           vec + pos_ks[k])

                fire_store(p, b)
            return carry

        lax.fori_loop(0, seq_len // _NBUF, super_body, 0)
        for b in range(_NBUF):
            wait_store(b)

    return emb


def kernel(x, token_table, pos_table):
    batch, seq_len = x.shape
    vocab, d = token_table.shape
    x4 = jnp.transpose(
        jnp.transpose(x.astype(jnp.int32)).reshape(seq_len // 8, 8,
                                                   batch // 128, 128),
        (0, 2, 1, 3))
    tabp = jnp.pad(token_table.astype(jnp.float32),
                   ((0, 0), (0, 128 - d))).reshape(2 * vocab, d)
    emb = _build(batch, seq_len, vocab, d)
    out5 = emb(x4, tabp, pos_table.astype(jnp.float32))
    return jnp.transpose(out5, (2, 4, 0, 1, 3)).reshape(batch, seq_len, d)

# --- scband reference (transcript-rebuilt; emitter-appended) ---
"""Pipeline reference for scband-token-and-position-embedding-24103356465761 (READ-ONLY COPY).

The authoritative reference and input builder live on the scoring server;
editing this copy changes nothing except your own understanding.
"""

import jax, jax.numpy as jnp
import numpy as np

VOCAB = 100000
MAX_LEN = 200
EMBED_DIM = 64
BATCH = 4096


def setup_inputs(seed: int = 0) -> dict:
    key = jax.random.key(seed)
    k1, k2, k3 = jax.random.split(key, 3)
    x = jax.random.randint(k1, (BATCH, MAX_LEN), 0, VOCAB, dtype=jnp.int64 if jax.config.jax_enable_x64 else jnp.int32)
    token_table = jax.random.normal(k2, (VOCAB, EMBED_DIM), dtype=jnp.float32) * 0.05
    pos_table = jax.random.normal(k3, (MAX_LEN, EMBED_DIM), dtype=jnp.float32) * 0.05
    return {"x": x, "token_table": token_table, "pos_table": pos_table}


def reference(x, token_table, pos_table):
    # maxlen = x.shape[-1]; positions = range(maxlen)
    maxlen = x.shape[-1]
    positions = jnp.arange(maxlen)
    pos_emb = jnp.take(pos_table, positions, axis=0)          # [maxlen, d]
    tok_emb = jnp.take(token_table, x, axis=0)                # [B, maxlen, d]
    return tok_emb + pos_emb[None, :, :]

if __name__ == "__main__":
    import jax
    _d = setup_inputs()
    print(jax.jit(kernel)(*tuple(_d.values())))

</pallas_src>

<mosaic_0001>
#map = affine_map<(d0, d1) -> (0, 0, 0, 0)>
#map1 = affine_map<(d0, d1) -> (0, 0)>
#map2 = affine_map<(d0, d1) -> (0, 0, 0, 0, 0)>
module attributes {stable_mosaic.version = 14 : i64} {
  func.func @emb(%arg0: i32, %arg1: i32, %arg2: memref<25x32x8x128xi32, #tpu.memory_space<hbm>>, %arg3: memref<200000x64xf32, #tpu.memory_space<hbm>>, %arg4: memref<200x64xf32, #tpu.memory_space<hbm>>, %arg5: memref<200x8x32x8x128xf32, #tpu.memory_space<hbm>>, %arg6: memref<4x128xi32, #tpu.memory_space<vmem>>, %arg7: memref<4x128x64xf32, #tpu.memory_space<vmem>>, %arg8: memref<4x8x8x129xf32, #tpu.memory_space<vmem>>, %arg9: memref<200x64xf32, #tpu.memory_space<vmem>>, %arg10: memref<!tpu.dma_semaphore, #tpu.memory_space<semaphore_mem>>, %arg11: memref<!tpu.dma_semaphore, #tpu.memory_space<semaphore_mem>>, %arg12: memref<!tpu.dma_semaphore, #tpu.memory_space<semaphore_mem>>, %arg13: memref<!tpu.dma_semaphore, #tpu.memory_space<semaphore_mem>>, %arg14: memref<!tpu.dma_semaphore, #tpu.memory_space<semaphore_mem>>, %arg15: memref<!tpu.dma_semaphore, #tpu.memory_space<semaphore_mem>>, %arg16: memref<!tpu.dma_semaphore, #tpu.memory_space<semaphore_mem>>, %arg17: memref<!tpu.dma_semaphore, #tpu.memory_space<semaphore_mem>>, %arg18: memref<!tpu.dma_semaphore, #tpu.memory_space<semaphore_mem>>, %arg19: memref<!tpu.dma_semaphore, #tpu.memory_space<semaphore_mem>>, %arg20: memref<!tpu.dma_semaphore, #tpu.memory_space<semaphore_mem>>, %arg21: memref<!tpu.dma_semaphore, #tpu.memory_space<semaphore_mem>>) attributes {dimension_semantics = [#tpu.dimension_semantics<core_parallel>, #tpu.dimension_semantics<subcore_parallel>], iteration_bounds = array<i64: 2, 16>, scalar_prefetch = 0 : i64, scratch_operands = 16 : i64, tpu.core_type = #tpu.core_type<sc_vector_subcore>, window_params = [{transform_indices = #map}, {transform_indices = #map1}, {transform_indices = #map1}, {transform_indices = #map2}]} {
    %mul3A = arith.constant 2 : i32
    %mul3A_0 = arith.muli %arg1, %mul3A : i32
    %add3A = arith.addi %mul3A_0, %arg0 : i32
    "tpu.region"() ({
      %run_scoped3A = tpu.sem_alloc : memref<!tpu.dma_semaphore, #tpu.memory_space<semaphore_mem>>
      tpu.enqueue_dma source(%arg4 : memref<200x64xf32, #tpu.memory_space<hbm>>) target(%arg9 : memref<200x64xf32, #tpu.memory_space<vmem>>) target_semaphore(%run_scoped3A : memref<!tpu.dma_semaphore, #tpu.memory_space<semaphore_mem>>)
      tpu.wait_dma2 semaphore(%run_scoped3A : memref<!tpu.dma_semaphore, #tpu.memory_space<semaphore_mem>>) src(%arg4 : memref<200x64xf32, #tpu.memory_space<hbm>>) dst(%arg9 : memref<200x64xf32, #tpu.memory_space<vmem>>)
      tpu.yield
    }) : () -> ()
    %iota3A = tpu.iota {dimensions = array<i32: 0>} : vector<16xi32>
    %jit3A = arith.constant 8 : i32
    %div3A = vector.broadcast %jit3A : i32 to vector<16xi32>
    %div3A_1 = arith.divsi %iota3A, %div3A : vector<16xi32>
    %sign3A = arith.constant 0 : i32
    %sign3A_2 = vector.broadcast %sign3A : i32 to vector<16xi32>
    %sign3A_3 = arith.cmpi sgt, %iota3A, %sign3A_2 : vector<16xi32>
    %sign3A_4 = arith.extui %sign3A_3 : vector<16xi1> to vector<16xi32>
    %sign3A_5 = arith.constant 0 : i32
    %sign3A_6 = vector.broadcast %sign3A_5 : i32 to vector<16xi32>
    %sign3A_7 = arith.cmpi slt, %iota3A, %sign3A_6 : vector<16xi32>
    %sign3A_8 = arith.extui %sign3A_7 : vector<16xi1> to vector<16xi32>
    %sign3A_9 = arith.subi %sign3A_4, %sign3A_8 : vector<16xi32>
    %sign3A_10 = arith.constant 0 : i32
    %sign3A_11 = arith.cmpi sgt, %jit3A, %sign3A_10 : i32
    %sign3A_12 = arith.extui %sign3A_11 : i1 to i32
    %sign3A_13 = arith.constant 0 : i32
    %sign3A_14 = arith.cmpi slt, %jit3A, %sign3A_13 : i32
    %sign3A_15 = arith.extui %sign3A_14 : i1 to i32
    %sign3A_16 = arith.subi %sign3A_12, %sign3A_15 : i32
    %ne3A = vector.broadcast %sign3A_16 : i32 to vector<16xi32>
    %ne3A_17 = arith.cmpi ne, %sign3A_9, %ne3A : vector<16xi32>
    %rem3A = vector.broadcast %jit3A : i32 to vector<16xi32>
    %rem3A_18 = arith.remsi %iota3A, %rem3A : vector<16xi32>
    %ne3A_19 = arith.constant 0 : i32
    %ne3A_20 = vector.broadcast %ne3A_19 : i32 to vector<16xi32>
    %ne3A_21 = arith.cmpi ne, %rem3A_18, %ne3A_20 : vector<16xi32>
    %and3A = arith.andi %ne3A_17, %ne3A_21 : vector<16xi1>
    %sub3A = arith.constant 1 : i32
    %sub3A_22 = vector.broadcast %sub3A : i32 to vector<16xi32>
    %sub3A_23 = arith.subi %div3A_1, %sub3A_22 : vector<16xi32>
    %select_n3A = arith.select %and3A, %sub3A_23, %div3A_1 : vector<16xi1>, vector<16xi32>
    %add3A_24 = arith.constant 0 : i32
    %add3A_25 = vector.broadcast %add3A_24 : i32 to vector<16xi32>
    %add3A_26 = arith.addi %select_n3A, %add3A_25 : vector<16xi32>
    %jit3A_27 = arith.constant 8 : i32
    %div3A_28 = vector.broadcast %jit3A_27 : i32 to vector<16xi32>
    %div3A_29 = arith.divsi %iota3A, %div3A_28 : vector<16xi32>
    %sign3A_30 = arith.constant 0 : i32
    %sign3A_31 = vector.broadcast %sign3A_30 : i32 to vector<16xi32>
    %sign3A_32 = arith.cmpi sgt, %iota3A, %sign3A_31 : vector<16xi32>
    %sign3A_33 = arith.extui %sign3A_32 : vector<16xi1> to vector<16xi32>
    %sign3A_34 = arith.constant 0 : i32
    %sign3A_35 = vector.broadcast %sign3A_34 : i32 to vector<16xi32>
    %sign3A_36 = arith.cmpi slt, %iota3A, %sign3A_35 : vector<16xi32>
    %sign3A_37 = arith.extui %sign3A_36 : vector<16xi1> to vector<16xi32>
    %sign3A_38 = arith.subi %sign3A_33, %sign3A_37 : vector<16xi32>
    %sign3A_39 = arith.constant 0 : i32
    %sign3A_40 = arith.cmpi sgt, %jit3A_27, %sign3A_39 : i32
    %sign3A_41 = arith.extui %sign3A_40 : i1 to i32
    %sign3A_42 = arith.constant 0 : i32
    %sign3A_43 = arith.cmpi slt, %jit3A_27, %sign3A_42 : i32
    %sign3A_44 = arith.extui %sign3A_43 : i1 to i32
    %sign3A_45 = arith.subi %sign3A_41, %sign3A_44 : i32
    %ne3A_46 = vector.broadcast %sign3A_45 : i32 to vector<16xi32>
    %ne3A_47 = arith.cmpi ne, %sign3A_38, %ne3A_46 : vector<16xi32>
    %rem3A_48 = vector.broadcast %jit3A_27 : i32 to vector<16xi32>
    %rem3A_49 = arith.remsi %iota3A, %rem3A_48 : vector<16xi32>
    %ne3A_50 = arith.constant 0 : i32
    %ne3A_51 = vector.broadcast %ne3A_50 : i32 to vector<16xi32>
    %ne3A_52 = arith.cmpi ne, %rem3A_49, %ne3A_51 : vector<16xi32>
    %and3A_53 = arith.andi %ne3A_47, %ne3A_52 : vector<16xi1>
    %sub3A_54 = arith.constant 1 : i32
    %sub3A_55 = vector.broadcast %sub3A_54 : i32 to vector<16xi32>
    %sub3A_56 = arith.subi %div3A_29, %sub3A_55 : vector<16xi32>
    %select_n3A_57 = arith.select %and3A_53, %sub3A_56, %div3A_29 : vector<16xi1>, vector<16xi32>
    %add3A_58 = arith.constant 2 : i32
    %add3A_59 = vector.broadcast %add3A_58 : i32 to vector<16xi32>
    %add3A_60 = arith.addi %select_n3A_57, %add3A_59 : vector<16xi32>
    %jit3A_61 = arith.constant 8 : i32
    %div3A_62 = vector.broadcast %jit3A_61 : i32 to vector<16xi32>
    %div3A_63 = arith.divsi %iota3A, %div3A_62 : vector<16xi32>
    %sign3A_64 = arith.constant 0 : i32
    %sign3A_65 = vector.broadcast %sign3A_64 : i32 to vector<16xi32>
    %sign3A_66 = arith.cmpi sgt, %iota3A, %sign3A_65 : vector<16xi32>
    %sign3A_67 = arith.extui %sign3A_66 : vector<16xi1> to vector<16xi32>
    %sign3A_68 = arith.constant 0 : i32
    %sign3A_69 = vector.broadcast %sign3A_68 : i32 to vector<16xi32>
    %sign3A_70 = arith.cmpi slt, %iota3A, %sign3A_69 : vector<16xi32>
    %sign3A_71 = arith.extui %sign3A_70 : vector<16xi1> to vector<16xi32>
    %sign3A_72 = arith.subi %sign3A_67, %sign3A_71 : vector<16xi32>
    %sign3A_73 = arith.constant 0 : i32
    %sign3A_74 = arith.cmpi sgt, %jit3A_61, %sign3A_73 : i32
    %sign3A_75 = arith.extui %sign3A_74 : i1 to i32
    %sign3A_76 = arith.constant 0 : i32
    %sign3A_77 = arith.cmpi slt, %jit3A_61, %sign3A_76 : i32
    %sign3A_78 = arith.extui %sign3A_77 : i1 to i32
    %sign3A_79 = arith.subi %sign3A_75, %sign3A_78 : i32
    %ne3A_80 = vector.broadcast %sign3A_79 : i32 to vector<16xi32>
    %ne3A_81 = arith.cmpi ne, %sign3A_72, %ne3A_80 : vector<16xi32>
    %rem3A_82 = vector.broadcast %jit3A_61 : i32 to vector<16xi32>
    %rem3A_83 = arith.remsi %iota3A, %rem3A_82 : vector<16xi32>
    %ne3A_84 = arith.constant 0 : i32
    %ne3A_85 = vector.broadcast %ne3A_84 : i32 to vector<16xi32>
    %ne3A_86 = arith.cmpi ne, %rem3A_83, %ne3A_85 : vector<16xi32>
    %and3A_87 = arith.andi %ne3A_81, %ne3A_86 : vector<16xi1>
    %sub3A_88 = arith.constant 1 : i32
    %sub3A_89 = vector.broadcast %sub3A_88 : i32 to vector<16xi32>
    %sub3A_90 = arith.subi %div3A_63, %sub3A_89 : vector<16xi32>
    %select_n3A_91 = arith.select %and3A_87, %sub3A_90, %div3A_63 : vector<16xi1>, vector<16xi32>
    %add3A_92 = arith.constant 4 : i32
    %add3A_93 = vector.broadcast %add3A_92 : i32 to vector<16xi32>
    %add3A_94 = arith.addi %select_n3A_91, %add3A_93 : vector<16xi32>
    %jit3A_95 = arith.constant 8 : i32
    %div3A_96 = vector.broadcast %jit3A_95 : i32 to vector<16xi32>
    %div3A_97 = arith.divsi %iota3A, %div3A_96 : vector<16xi32>
    %sign3A_98 = arith.constant 0 : i32
    %sign3A_99 = vector.broadcast %sign3A_98 : i32 to vector<16xi32>
    %sign3A_100 = arith.cmpi sgt, %iota3A, %sign3A_99 : vector<16xi32>
    %sign3A_101 = arith.extui %sign3A_100 : vector<16xi1> to vector<16xi32>
    %sign3A_102 = arith.constant 0 : i32
    %sign3A_103 = vector.broadcast %sign3A_102 : i32 to vector<16xi32>
    %sign3A_104 = arith.cmpi slt, %iota3A, %sign3A_103 : vector<16xi32>
    %sign3A_105 = arith.extui %sign3A_104 : vector<16xi1> to vector<16xi32>
    %sign3A_106 = arith.subi %sign3A_101, %sign3A_105 : vector<16xi32>
    %sign3A_107 = arith.constant 0 : i32
    %sign3A_108 = arith.cmpi sgt, %jit3A_95, %sign3A_107 : i32
    %sign3A_109 = arith.extui %sign3A_108 : i1 to i32
    %sign3A_110 = arith.constant 0 : i32
    %sign3A_111 = arith.cmpi slt, %jit3A_95, %sign3A_110 : i32
    %sign3A_112 = arith.extui %sign3A_111 : i1 to i32
    %sign3A_113 = arith.subi %sign3A_109, %sign3A_112 : i32
    %ne3A_114 = vector.broadcast %sign3A_113 : i32 to vector<16xi32>
    %ne3A_115 = arith.cmpi ne, %sign3A_106, %ne3A_114 : vector<16xi32>
    %rem3A_116 = vector.broadcast %jit3A_95 : i32 to vector<16xi32>
    %rem3A_117 = arith.remsi %iota3A, %rem3A_116 : vector<16xi32>
    %ne3A_118 = arith.constant 0 : i32
    %ne3A_119 = vector.broadcast %ne3A_118 : i32 to vector<16xi32>
    %ne3A_120 = arith.cmpi ne, %rem3A_117, %ne3A_119 : vector<16xi32>
    %and3A_121 = arith.andi %ne3A_115, %ne3A_120 : vector<16xi1>
    %sub3A_122 = arith.constant 1 : i32
    %sub3A_123 = vector.broadcast %sub3A_122 : i32 to vector<16xi32>
    %sub3A_124 = arith.subi %div3A_97, %sub3A_123 : vector<16xi32>
    %select_n3A_125 = arith.select %and3A_121, %sub3A_124, %div3A_97 : vector<16xi1>, vector<16xi32>
    %add3A_126 = arith.constant 6 : i32
    %add3A_127 = vector.broadcast %add3A_126 : i32 to vector<16xi32>
    %add3A_128 = arith.addi %select_n3A_125, %add3A_127 : vector<16xi32>
    %jit3A_129 = arith.constant 8 : i32
    %eq3A = arith.constant 0 : i32
    %eq3A_130 = arith.cmpi eq, %jit3A_129, %eq3A : i32
    %jit3A_131 = arith.constant 1 : i32
    %select_n3A_132 = arith.select %eq3A_130, %jit3A_131, %jit3A_129 : i32
    %rem3A_133 = vector.broadcast %select_n3A_132 : i32 to vector<16xi32>
    %rem3A_134 = arith.remsi %iota3A, %rem3A_133 : vector<16xi32>
    %ne3A_135 = arith.constant 0 : i32
    %ne3A_136 = vector.broadcast %ne3A_135 : i32 to vector<16xi32>
    %ne3A_137 = arith.cmpi ne, %rem3A_134, %ne3A_136 : vector<16xi32>
    %lt3A = arith.constant 0 : i32
    %lt3A_138 = vector.broadcast %lt3A : i32 to vector<16xi32>
    %lt3A_139 = arith.cmpi slt, %rem3A_134, %lt3A_138 : vector<16xi32>
    %lt3A_140 = arith.constant 0 : i32
    %lt3A_141 = arith.cmpi slt, %select_n3A_132, %lt3A_140 : i32
    %ne3A_142 = vector.broadcast %lt3A_141 : i1 to vector<16xi1>
    %ne3A_143 = vector.broadcast %ne3A_142 : vector<16xi1> to vector<16xi1>
    %ne3A_144 = arith.xori %lt3A_139, %ne3A_143 : vector<16xi1>
    %and3A_145 = arith.andi %ne3A_144, %ne3A_137 : vector<16xi1>
    %add3A_146 = vector.broadcast %select_n3A_132 : i32 to vector<16xi32>
    %add3A_147 = arith.addi %rem3A_134, %add3A_146 : vector<16xi32>
    %select_n3A_148 = arith.select %and3A_145, %add3A_147, %rem3A_134 : vector<16xi1>, vector<16xi32>
    %dma_start3A = arith.constant 0 : i32
    %dma_start3A_149 = arith.constant 0 : i32
    %dma_start3A_150 = arith.constant 0 : i32
    %dma_start3A_151 = arith.constant 0 : i32
    %dma_start3A_152 = tpu.memref_slice %arg6[%dma_start3A_150, %dma_start3A_151] : memref<4x128xi32, #tpu.memory_space<vmem>> -> memref<1x128xi32, #tpu.memory_space<vmem>>
    %dma_start3A_153 = tpu.memref_squeeze %dma_start3A_152 : memref<1x128xi32, #tpu.memory_space<vmem>> -> memref<128xi32, #tpu.memory_space<vmem>>
    %dma_start3A_154 = arith.constant 0 : i32
    %dma_start3A_155 = tpu.memref_slice %arg2[%dma_start3A, %add3A, %dma_start3A_149, %dma_start3A_154] : memref<25x32x8x128xi32, #tpu.memory_space<hbm>> -> memref<1x1x1x128xi32, #tpu.memory_space<hbm>>
    %dma_start3A_156 = tpu.memref_squeeze %dma_start3A_155 : memref<1x1x1x128xi32, #tpu.memory_space<hbm>> -> memref<128xi32, #tpu.memory_space<hbm>>
    %dma_start3A_157 = arith.constant 0 : i32
    %dma_start3A_158 = tpu.memref_slice %arg6[%dma_start3A_150, %dma_start3A_157] : memref<4x128xi32, #tpu.memory_space<vmem>> -> memref<1x128xi32, #tpu.memory_space<vmem>>
    %dma_start3A_159 = tpu.memref_squeeze %dma_start3A_158 : memref<1x128xi32, #tpu.memory_space<vmem>> -> memref<128xi32, #tpu.memory_space<vmem>>
    %dma_start3A_160 = arith.constant 0 : i32
    %dma_start3A_161 = tpu.memref_slice %arg2[%dma_start3A, %add3A, %dma_start3A_149, %dma_start3A_160] : memref<25x32x8x128xi32, #tpu.memory_space<hbm>> -> memref<1x1x1x128xi32, #tpu.memory_space<hbm>>
    %dma_start3A_162 = tpu.memref_squeeze %dma_start3A_161 : memref<1x1x1x128xi32, #tpu.memory_space<hbm>> -> memref<128xi32, #tpu.memory_space<hbm>>
    tpu.enqueue_dma source(%dma_start3A_162 : memref<128xi32, #tpu.memory_space<hbm>>) target(%dma_start3A_159 : memref<128xi32, #tpu.memory_space<vmem>>) target_semaphore(%arg18 : memref<!tpu.dma_semaphore, #tpu.memory_space<semaphore_mem>>)
    %dma_start3A_163 = arith.constant 0 : i32
    %dma_start3A_164 = arith.constant 1 : i32
    %dma_start3A_165 = arith.constant 1 : i32
    %dma_start3A_166 = arith.constant 0 : i32
    %dma_start3A_167 = tpu.memref_slice %arg6[%dma_start3A_165, %dma_start3A_166] : memref<4x128xi32, #tpu.memory_space<vmem>> -> memref<1x128xi32, #tpu.memory_space<vmem>>
    %dma_start3A_168 = tpu.memref_squeeze %dma_start3A_167 : memref<1x128xi32, #tpu.memory_space<vmem>> -> memref<128xi32, #tpu.memory_space<vmem>>
    %dma_start3A_169 = arith.constant 0 : i32
    %dma_start3A_170 = tpu.memref_slice %arg2[%dma_start3A_163, %add3A, %dma_start3A_164, %dma_start3A_169] : memref<25x32x8x128xi32, #tpu.memory_space<hbm>> -> memref<1x1x1x128xi32, #tpu.memory_space<hbm>>
    %dma_start3A_171 = tpu.memref_squeeze %dma_start3A_170 : memref<1x1x1x128xi32, #tpu.memory_space<hbm>> -> memref<128xi32, #tpu.memory_space<hbm>>
    %dma_start3A_172 = arith.constant 0 : i32
    %dma_start3A_173 = tpu.memref_slice %arg6[%dma_start3A_165, %dma_start3A_172] : memref<4x128xi32, #tpu.memory_space<vmem>> -> memref<1x128xi32, #tpu.memory_space<vmem>>
    %dma_start3A_174 = tpu.memref_squeeze %dma_start3A_173 : memref<1x128xi32, #tpu.memory_space<vmem>> -> memref<128xi32, #tpu.memory_space<vmem>>
    %dma_start3A_175 = arith.constant 0 : i32
    %dma_start3A_176 = tpu.memref_slice %arg2[%dma_start3A_163, %add3A, %dma_start3A_164, %dma_start3A_175] : memref<25x32x8x128xi32, #tpu.memory_space<hbm>> -> memref<1x1x1x128xi32, #tpu.memory_space<hbm>>
    %dma_start3A_177 = tpu.memref_squeeze %dma_start3A_176 : memref<1x1x1x128xi32, #tpu.memory_space<hbm>> -> memref<128xi32, #tpu.memory_space<hbm>>
    tpu.enqueue_dma source(%dma_start3A_177 : memref<128xi32, #tpu.memory_space<hbm>>) target(%dma_start3A_174 : memref<128xi32, #tpu.memory_space<vmem>>) target_semaphore(%arg19 : memref<!tpu.dma_semaphore, #tpu.memory_space<semaphore_mem>>)
    %dma_start3A_178 = arith.constant 0 : i32
    %dma_start3A_179 = arith.constant 2 : i32
    %dma_start3A_180 = arith.constant 2 : i32
    %dma_start3A_181 = arith.constant 0 : i32
    %dma_start3A_182 = tpu.memref_slice %arg6[%dma_start3A_180, %dma_start3A_181] : memref<4x128xi32, #tpu.memory_space<vmem>> -> memref<1x128xi32, #tpu.memory_space<vmem>>
    %dma_start3A_183 = tpu.memref_squeeze %dma_start3A_182 : memref<1x128xi32, #tpu.memory_space<vmem>> -> memref<128xi32, #tpu.memory_space<vmem>>
    %dma_start3A_184 = arith.constant 0 : i32
    %dma_start3A_185 = tpu.memref_slice %arg2[%dma_start3A_178, %add3A, %dma_start3A_179, %dma_start3A_184] : memref<25x32x8x128xi32, #tpu.memory_space<hbm>> -> memref<1x1x1x128xi32, #tpu.memory_space<hbm>>
    %dma_start3A_186 = tpu.memref_squeeze %dma_start3A_185 : memref<1x1x1x128xi32, #tpu.memory_space<hbm>> -> memref<128xi32, #tpu.memory_space<hbm>>
    %dma_start3A_187 = arith.constant 0 : i32
    %dma_start3A_188 = tpu.memref_slice %arg6[%dma_start3A_180, %dma_start3A_187] : memref<4x128xi32, #tpu.memory_space<vmem>> -> memref<1x128xi32, #tpu.memory_space<vmem>>
    %dma_start3A_189 = tpu.memref_squeeze %dma_start3A_188 : memref<1x128xi32, #tpu.memory_space<vmem>> -> memref<128xi32, #tpu.memory_space<vmem>>
    %dma_start3A_190 = arith.constant 0 : i32
    %dma_start3A_191 = tpu.memref_slice %arg2[%dma_start3A_178, %add3A, %dma_start3A_179, %dma_start3A_190] : memref<25x32x8x128xi32, #tpu.memory_space<hbm>> -> memref<1x1x1x128xi32, #tpu.memory_space<hbm>>
    %dma_start3A_192 = tpu.memref_squeeze %dma_start3A_191 : memref<1x1x1x128xi32, #tpu.memory_space<hbm>> -> memref<128xi32, #tpu.memory_space<hbm>>
    tpu.enqueue_dma source(%dma_start3A_192 : memref<128xi32, #tpu.memory_space<hbm>>) target(%dma_start3A_189 : memref<128xi32, #tpu.memory_space<vmem>>) target_semaphore(%arg20 : memref<!tpu.dma_semaphore, #tpu.memory_space<semaphore_mem>>)
    %dma_start3A_193 = arith.constant 0 : i32
    %dma_start3A_194 = arith.constant 3 : i32
    %dma_start3A_195 = arith.constant 3 : i32
    %dma_start3A_196 = arith.constant 0 : i32
    %dma_start3A_197 = tpu.memref_slice %arg6[%dma_start3A_195, %dma_start3A_196] : memref<4x128xi32, #tpu.memory_space<vmem>> -> memref<1x128xi32, #tpu.memory_space<vmem>>
    %dma_start3A_198 = tpu.memref_squeeze %dma_start3A_197 : memref<1x128xi32, #tpu.memory_space<vmem>> -> memref<128xi32, #tpu.memory_space<vmem>>
    %dma_start3A_199 = arith.constant 0 : i32
    %dma_start3A_200 = tpu.memref_slice %arg2[%dma_start3A_193, %add3A, %dma_start3A_194, %dma_start3A_199] : memref<25x32x8x128xi32, #tpu.memory_space<hbm>> -> memref<1x1x1x128xi32, #tpu.memory_space<hbm>>
    %dma_start3A_201 = tpu.memref_squeeze %dma_start3A_200 : memref<1x1x1x128xi32, #tpu.memory_space<hbm>> -> memref<128xi32, #tpu.memory_space<hbm>>
    %dma_start3A_202 = arith.constant 0 : i32
    %dma_start3A_203 = tpu.memref_slice %arg6[%dma_start3A_195, %dma_start3A_202] : memref<4x128xi32, #tpu.memory_space<vmem>> -> memref<1x128xi32, #tpu.memory_space<vmem>>
    %dma_start3A_204 = tpu.memref_squeeze %dma_start3A_203 : memref<1x128xi32, #tpu.memory_space<vmem>> -> memref<128xi32, #tpu.memory_space<vmem>>
    %dma_start3A_205 = arith.constant 0 : i32
    %dma_start3A_206 = tpu.memref_slice %arg2[%dma_start3A_193, %add3A, %dma_start3A_194, %dma_start3A_205] : memref<25x32x8x128xi32, #tpu.memory_space<hbm>> -> memref<1x1x1x128xi32, #tpu.memory_space<hbm>>
    %dma_start3A_207 = tpu.memref_squeeze %dma_start3A_206 : memref<1x1x1x128xi32, #tpu.memory_space<hbm>> -> memref<128xi32, #tpu.memory_space<hbm>>
    tpu.enqueue_dma source(%dma_start3A_207 : memref<128xi32, #tpu.memory_space<hbm>>) target(%dma_start3A_204 : memref<128xi32, #tpu.memory_space<vmem>>) target_semaphore(%arg21 : memref<!tpu.dma_semaphore, #tpu.memory_space<semaphore_mem>>)
    %dma_wait3A = arith.constant 0 : i32
    %dma_wait3A_208 = arith.constant 0 : i32
    %dma_wait3A_209 = arith.constant 0 : i32
    %dma_wait3A_210 = arith.constant 0 : i32
    %dma_wait3A_211 = arith.constant 0 : i32
    %dma_wait3A_212 = tpu.memref_slice %arg6[%dma_wait3A_210, %dma_wait3A_211] : memref<4x128xi32, #tpu.memory_space<vmem>> -> memref<1x128xi32, #tpu.memory_space<vmem>>
    %dma_wait3A_213 = tpu.memref_squeeze %dma_wait3A_212 : memref<1x128xi32, #tpu.memory_space<vmem>> -> memref<128xi32, #tpu.memory_space<vmem>>
    %dma_wait3A_214 = arith.constant 0 : i32
    %dma_wait3A_215 = tpu.memref_slice %arg2[%dma_wait3A, %dma_wait3A_208, %dma_wait3A_209, %dma_wait3A_214] : memref<25x32x8x128xi32, #tpu.memory_space<hbm>> -> memref<1x1x1x128xi32, #tpu.memory_space<hbm>>
    %dma_wait3A_216 = tpu.memref_squeeze %dma_wait3A_215 : memref<1x1x1x128xi32, #tpu.memory_space<hbm>> -> memref<128xi32, #tpu.memory_space<hbm>>
    %dma_wait3A_217 = arith.constant 0 : i32
    %dma_wait3A_218 = tpu.memref_slice %arg6[%dma_wait3A_210, %dma_wait3A_217] : memref<4x128xi32, #tpu.memory_space<vmem>> -> memref<1x128xi32, #tpu.memory_space<vmem>>
    %dma_wait3A_219 = tpu.memref_squeeze %dma_wait3A_218 : memref<1x128xi32, #tpu.memory_space<vmem>> -> memref<128xi32, #tpu.memory_space<vmem>>
    %dma_wait3A_220 = arith.constant 0 : i32
    %dma_wait3A_221 = tpu.memref_slice %arg2[%dma_wait3A, %dma_wait3A_208, %dma_wait3A_209, %dma_wait3A_220] : memref<25x32x8x128xi32, #tpu.memory_space<hbm>> -> memref<1x1x1x128xi32, #tpu.memory_space<hbm>>
    %dma_wait3A_222 = tpu.memref_squeeze %dma_wait3A_221 : memref<1x1x1x128xi32, #tpu.memory_space<hbm>> -> memref<128xi32, #tpu.memory_space<hbm>>
    tpu.wait_dma2 semaphore(%arg18 : memref<!tpu.dma_semaphore, #tpu.memory_space<semaphore_mem>>) src(%dma_wait3A_222 : memref<128xi32, #tpu.memory_space<hbm>>) dst(%dma_wait3A_219 : memref<128xi32, #tpu.memory_space<vmem>>)
    %get3A = arith.constant 0 : i32
    %get3A_223 = arith.index_cast %get3A : i32 to index
    %get3A_224 = arith.constant 0 : index
    %get3A_225 = tpu.vector_load %arg6[%get3A_223, %get3A_224] {strides = array<i32>} : memref<4x128xi32, #tpu.memory_space<vmem>>, vector<16xi32>,
    %get3A_226 = arith.constant 0 : i32
    %get3A_227 = arith.index_cast %get3A_226 : i32 to index
    %get3A_228 = arith.constant 0 : index
    %get3A_229 = tpu.vector_load %arg6[%get3A_227, %get3A_228] {strides = array<i32>} : memref<4x128xi32, #tpu.memory_space<vmem>>, vector<16xi32>,
    %add3A_230 = arith.addi %get3A_225, %get3A_229 : vector<16xi32>
    %swap3A = arith.constant 0 : i32
    %swap3A_231 = arith.index_cast %swap3A : i32 to index
    %swap3A_232 = arith.constant 0 : index
    %swap3A_233 = tpu.vector_load %arg6[%swap3A_231, %swap3A_232] {strides = array<i32>} : memref<4x128xi32, #tpu.memory_space<vmem>>, vector<16xi32>,
    tpu.vector_store %arg6[%swap3A_231, %swap3A_232], %add3A_230 {strides = array<i32>} : memref<4x128xi32, #tpu.memory_space<vmem>>, vector<16xi32>,
    %get3A_234 = arith.constant 0 : i32
    %get3A_235 = arith.index_cast %get3A_234 : i32 to index
    %get3A_236 = arith.constant 16 : index
    %get3A_237 = tpu.vector_load %arg6[%get3A_235, %get3A_236] {strides = array<i32>} : memref<4x128xi32, #tpu.memory_space<vmem>>, vector<16xi32>,
    %get3A_238 = arith.constant 0 : i32
    %get3A_239 = arith.index_cast %get3A_238 : i32 to index
    %get3A_240 = arith.constant 16 : index
    %get3A_241 = tpu.vector_load %arg6[%get3A_239, %get3A_240] {strides = array<i32>} : memref<4x128xi32, #tpu.memory_space<vmem>>, vector<16xi32>,
    %add3A_242 = arith.addi %get3A_237, %get3A_241 : vector<16xi32>
    %swap3A_243 = arith.constant 0 : i32
    %swap3A_244 = arith.index_cast %swap3A_243 : i32 to index
    %swap3A_245 = arith.constant 16 : index
    %swap3A_246 = tpu.vector_load %arg6[%swap3A_244, %swap3A_245] {strides = array<i32>} : memref<4x128xi32, #tpu.memory_space<vmem>>, vector<16xi32>,
    tpu.vector_store %arg6[%swap3A_244, %swap3A_245], %add3A_242 {strides = array<i32>} : memref<4x128xi32, #tpu.memory_space<vmem>>, vector<16xi32>,
    %get3A_247 = arith.constant 0 : i32
    %get3A_248 = arith.index_cast %get3A_247 : i32 to index
    %get3A_249 = arith.constant 32 : index
    %get3A_250 = tpu.vector_load %arg6[%get3A_248, %get3A_249] {strides = array<i32>} : memref<4x128xi32, #tpu.memory_space<vmem>>, vector<16xi32>,
    %get3A_251 = arith.constant 0 : i32
    %get3A_252 = arith.index_cast %get3A_251 : i32 to index
    %get3A_253 = arith.constant 32 : index
    %get3A_254 = tpu.vector_load %arg6[%get3A_252, %get3A_253] {strides = array<i32>} : memref<4x128xi32, #tpu.memory_space<vmem>>, vector<16xi32>,
    %add3A_255 = arith.addi %get3A_250, %get3A_254 : vector<16xi32>
    %swap3A_256 = arith.constant 0 : i32
    %swap3A_257 = arith.index_cast %swap3A_256 : i32 to index
    %swap3A_258 = arith.constant 32 : index
    %swap3A_259 = tpu.vector_load %arg6[%swap3A_257, %swap3A_258] {strides = array<i32>} : memref<4x128xi32, #tpu.memory_space<vmem>>, vector<16xi32>,
    tpu.vector_store %arg6[%swap3A_257, %swap3A_258], %add3A_255 {strides = array<i32>} : memref<4x128xi32, #tpu.memory_space<vmem>>, vector<16xi32>,
    %get3A_260 = arith.constant 0 : i32
    %get3A_261 = arith.index_cast %get3A_260 : i32 to index
    %get3A_262 = arith.constant 48 : index
    %get3A_263 = tpu.vector_load %arg6[%get3A_261, %get3A_262] {strides = array<i32>} : memref<4x128xi32, #tpu.memory_space<vmem>>, vector<16xi32>,
    %get3A_264 = arith.constant 0 : i32
    %get3A_265 = arith.index_cast %get3A_264 : i32 to index
    %get3A_266 = arith.constant 48 : index
    %get3A_267 = tpu.vector_load %arg6[%get3A_265, %get3A_266] {strides = array<i32>} : memref<4x128xi32, #tpu.memory_space<vmem>>, vector<16xi32>,
    %add3A_268 = arith.addi %get3A_263, %get3A_267 : vector<16xi32>
    %swap3A_269 = arith.constant 0 : i32
    %swap3A_270 = arith.index_cast %swap3A_269 : i32 to index
    %swap3A_271 = arith.constant 48 : index
    %swap3A_272 = tpu.vector_load %arg6[%swap3A_270, %swap3A_271] {strides = array<i32>} : memref<4x128xi32, #tpu.memory_space<vmem>>, vector<16xi32>,
    tpu.vector_store %arg6[%swap3A_270, %swap3A_271], %add3A_268 {strides = array<i32>} : memref<4x128xi32, #tpu.memory_space<vmem>>, vector<16xi32>,
    %get3A_273 = arith.constant 0 : i32
    %get3A_274 = arith.index_cast %get3A_273 : i32 to index
    %get3A_275 = arith.constant 64 : index
    %get3A_276 = tpu.vector_load %arg6[%get3A_274, %get3A_275] {strides = array<i32>} : memref<4x128xi32, #tpu.memory_space<vmem>>, vector<16xi32>,
    %get3A_277 = arith.constant 0 : i32
    %get3A_278 = arith.index_cast %get3A_277 : i32 to index
    %get3A_279 = arith.constant 64 : index
    %get3A_280 = tpu.vector_load %arg6[%get3A_278, %get3A_279] {strides = array<i32>} : memref<4x128xi32, #tpu.memory_space<vmem>>, vector<16xi32>,
    %add3A_281 = arith.addi %get3A_276, %get3A_280 : vector<16xi32>
    %swap3A_282 = arith.constant 0 : i32
    %swap3A_283 = arith.index_cast %swap3A_282 : i32 to index
    %swap3A_284 = arith.constant 64 : index
    %swap3A_285 = tpu.vector_load %arg6[%swap3A_283, %swap3A_284] {strides = array<i32>} : memref<4x128xi32, #tpu.memory_space<vmem>>, vector<16xi32>,
    tpu.vector_store %arg6[%swap3A_283, %swap3A_284], %add3A_281 {strides = array<i32>} : memref<4x128xi32, #tpu.memory_space<vmem>>, vector<16xi32>,
    %get3A_286 = arith.constant 0 : i32
    %get3A_287 = arith.index_cast %get3A_286 : i32 to index
    %get3A_288 = arith.constant 80 : index
    %get3A_289 = tpu.vector_load %arg6[%get3A_287, %get3A_288] {strides = array<i32>} : memref<4x128xi32, #tpu.memory_space<vmem>>, vector<16xi32>,
    %get3A_290 = arith.constant 0 : i32
    %get3A_291 = arith.index_cast %get3A_290 : i32 to index
    %get3A_292 = arith.constant 80 : index
    %get3A_293 = tpu.vector_load %arg6[%get3A_291, %get3A_292] {strides = array<i32>} : memref<4x128xi32, #tpu.memory_space<vmem>>, vector<16xi32>,
    %add3A_294 = arith.addi %get3A_289, %get3A_293 : vector<16xi32>
    %swap3A_295 = arith.constant 0 : i32
    %swap3A_296 = arith.index_cast %swap3A_295 : i32 to index
    %swap3A_297 = arith.constant 80 : index
    %swap3A_298 = tpu.vector_load %arg6[%swap3A_296, %swap3A_297] {strides = array<i32>} : memref<4x128xi32, #tpu.memory_space<vmem>>, vector<16xi32>,
    tpu.vector_store %arg6[%swap3A_296, %swap3A_297], %add3A_294 {strides = array<i32>} : memref<4x128xi32, #tpu.memory_space<vmem>>, vector<16xi32>,
    %get3A_299 = arith.constant 0 : i32
    %get3A_300 = arith.index_cast %get3A_299 : i32 to index
    %get3A_301 = arith.constant 96 : index
    %get3A_302 = tpu.vector_load %arg6[%get3A_300, %get3A_301] {strides = array<i32>} : memref<4x128xi32, #tpu.memory_space<vmem>>, vector<16xi32>,
    %get3A_303 = arith.constant 0 : i32
    %get3A_304 = arith.index_cast %get3A_303 : i32 to index
    %get3A_305 = arith.constant 96 : index
    %get3A_306 = tpu.vector_load %arg6[%get3A_304, %get3A_305] {strides = array<i32>} : memref<4x128xi32, #tpu.memory_space<vmem>>, vector<16xi32>,
    %add3A_307 = arith.addi %get3A_302, %get3A_306 : vector<16xi32>
    %swap3A_308 = arith.constant 0 : i32
    %swap3A_309 = arith.index_cast %swap3A_308 : i32 to index
    %swap3A_310 = arith.constant 96 : index
    %swap3A_311 = tpu.vector_load %arg6[%swap3A_309, %swap3A_310] {strides = array<i32>} : memref<4x128xi32, #tpu.memory_space<vmem>>, vector<16xi32>,
    tpu.vector_store %arg6[%swap3A_309, %swap3A_310], %add3A_307 {strides = array<i32>} : memref<4x128xi32, #tpu.memory_space<vmem>>, vector<16xi32>,
    %get3A_312 = arith.constant 0 : i32
    %get3A_313 = arith.index_cast %get3A_312 : i32 to index
    %get3A_314 = arith.constant 112 : index
    %get3A_315 = tpu.vector_load %arg6[%get3A_313, %get3A_314] {strides = array<i32>} : memref<4x128xi32, #tpu.memory_space<vmem>>, vector<16xi32>,
    %get3A_316 = arith.constant 0 : i32
    %get3A_317 = arith.index_cast %get3A_316 : i32 to index
    %get3A_318 = arith.constant 112 : index
    %get3A_319 = tpu.vector_load %arg6[%get3A_317, %get3A_318] {strides = array<i32>} : memref<4x128xi32, #tpu.memory_space<vmem>>, vector<16xi32>,
    %add3A_320 = arith.addi %get3A_315, %get3A_319 : vector<16xi32>
    %swap3A_321 = arith.constant 0 : i32
    %swap3A_322 = arith.index_cast %swap3A_321 : i32 to index
    %swap3A_323 = arith.constant 112 : index
    %swap3A_324 = tpu.vector_load %arg6[%swap3A_322, %swap3A_323] {strides = array<i32>} : memref<4x128xi32, #tpu.memory_space<vmem>>, vector<16xi32>,
    tpu.vector_store %arg6[%swap3A_322, %swap3A_323], %add3A_320 {strides = array<i32>} : memref<4x128xi32, #tpu.memory_space<vmem>>, vector<16xi32>,
    %dma_start3A_325 = arith.constant 0 : i32
    %dma_start3A_326 = arith.constant 0 : i32
    %dma_start3A_327 = arith.constant 0 : i32
    %dma_start3A_328 = arith.constant 0 : i32
    %dma_start3A_329 = tpu.memref_slice %arg7[%dma_start3A_326, %dma_start3A_327, %dma_start3A_328] : memref<4x128x64xf32, #tpu.memory_space<vmem>> -> memref<1x128x64xf32, #tpu.memory_space<vmem>>
    %dma_start3A_330 = tpu.memref_squeeze %dma_start3A_329 : memref<1x128x64xf32, #tpu.memory_space<vmem>> -> memref<128x64xf32, #tpu.memory_space<vmem>>
    %dma_start3A_331 = arith.constant 0 : i32
    %dma_start3A_332 = tpu.memref_slice %arg6[%dma_start3A_325, %dma_start3A_331] : memref<4x128xi32, #tpu.memory_space<vmem>> -> memref<1x128xi32, #tpu.memory_space<vmem>>
    %dma_start3A_333 = tpu.memref_squeeze %dma_start3A_332 : memref<1x128xi32, #tpu.memory_space<vmem>> -> memref<128xi32, #tpu.memory_space<vmem>>
    %dma_start3A_334 = arith.constant 0 : i32
    %dma_start3A_335 = arith.constant 0 : i32
    %dma_start3A_336 = tpu.memref_slice %arg3[%dma_start3A_334, %dma_start3A_335] : memref<200000x64xf32, #tpu.memory_space<hbm>> -> memref<200000x64xf32, #tpu.memory_space<hbm>>
    tpu.enqueue_indirect_dma source(%dma_start3A_336 : memref<200000x64xf32, #tpu.memory_space<hbm>>) target(%dma_start3A_330 : memref<128x64xf32, #tpu.memory_space<vmem>>) offsets(%dma_start3A_333 : memref<128xi32, #tpu.memory_space<vmem>>) semaphore(%arg10 : memref<!tpu.dma_semaphore, #tpu.memory_space<semaphore_mem>>)
    %dma_wait3A_337 = arith.constant 0 : i32
    %dma_wait3A_338 = arith.constant 0 : i32
    %dma_wait3A_339 = arith.constant 0 : i32
    %dma_wait3A_340 = arith.constant 1 : i32
    %dma_wait3A_341 = arith.constant 0 : i32
    %dma_wait3A_342 = tpu.memref_slice %arg6[%dma_wait3A_340, %dma_wait3A_341] : memref<4x128xi32, #tpu.memory_space<vmem>> -> memref<1x128xi32, #tpu.memory_space<vmem>>
    %dma_wait3A_343 = tpu.memref_squeeze %dma_wait3A_342 : memref<1x128xi32, #tpu.memory_space<vmem>> -> memref<128xi32, #tpu.memory_space<vmem>>
    %dma_wait3A_344 = arith.constant 0 : i32
    %dma_wait3A_345 = tpu.memref_slice %arg2[%dma_wait3A_337, %dma_wait3A_338, %dma_wait3A_339, %dma_wait3A_344] : memref<25x32x8x128xi32, #tpu.memory_space<hbm>> -> memref<1x1x1x128xi32, #tpu.memory_space<hbm>>
    %dma_wait3A_346 = tpu.memref_squeeze %dma_wait3A_345 : memref<1x1x1x128xi32, #tpu.memory_space<hbm>> -> memref<128xi32, #tpu.memory_space<hbm>>
    %dma_wait3A_347 = arith.constant 0 : i32
    %dma_wait3A_348 = tpu.memref_slice %arg6[%dma_wait3A_340, %dma_wait3A_347] : memref<4x128xi32, #tpu.memory_space<vmem>> -> memref<1x128xi32, #tpu.memory_space<vmem>>
    %dma_wait3A_349 = tpu.memref_squeeze %dma_wait3A_348 : memref<1x128xi32, #tpu.memory_space<vmem>> -> memref<128xi32, #tpu.memory_space<vmem>>
    %dma_wait3A_350 = arith.constant 0 : i32
    %dma_wait3A_351 = tpu.memref_slice %arg2[%dma_wait3A_337, %dma_wait3A_338, %dma_wait3A_339, %dma_wait3A_350] : memref<25x32x8x128xi32, #tpu.memory_space<hbm>> -> memref<1x1x1x128xi32, #tpu.memory_space<hbm>>
    %dma_wait3A_352 = tpu.memref_squeeze %dma_wait3A_351 : memref<1x1x1x128xi32, #tpu.memory_space<hbm>> -> memref<128xi32, #tpu.memory_space<hbm>>
    tpu.wait_dma2 semaphore(%arg19 : memref<!tpu.dma_semaphore, #tpu.memory_space<semaphore_mem>>) src(%dma_wait3A_352 : memref<128xi32, #tpu.memory_space<hbm>>) dst(%dma_wait3A_349 : memref<128xi32, #tpu.memory_space<vmem>>)
    %get3A_353 = arith.constant 1 : i32
    %get3A_354 = arith.index_cast %get3A_353 : i32 to index
    %get3A_355 = arith.constant 0 : index
    %get3A_356 = tpu.vector_load %arg6[%get3A_354, %get3A_355] {strides = array<i32>} : memref<4x128xi32, #tpu.memory_space<vmem>>, vector<16xi32>,
    %get3A_357 = arith.constant 1 : i32
    %get3A_358 = arith.index_cast %get3A_357 : i32 to index
    %get3A_359 = arith.constant 0 : index
    %get3A_360 = tpu.vector_load %arg6[%get3A_358, %get3A_359] {strides = array<i32>} : memref<4x128xi32, #tpu.memory_space<vmem>>, vector<16xi32>,
    %add3A_361 = arith.addi %get3A_356, %get3A_360 : vector<16xi32>
    %swap3A_362 = arith.constant 1 : i32
    %swap3A_363 = arith.index_cast %swap3A_362 : i32 to index
    %swap3A_364 = arith.constant 0 : index
    %swap3A_365 = tpu.vector_load %arg6[%swap3A_363, %swap3A_364] {strides = array<i32>} : memref<4x128xi32, #tpu.memory_space<vmem>>, vector<16xi32>,
    tpu.vector_store %arg6[%swap3A_363, %swap3A_364], %add3A_361 {strides = array<i32>} : memref<4x128xi32, #tpu.memory_space<vmem>>, vector<16xi32>,
    %get3A_366 = arith.constant 1 : i32
    %get3A_367 = arith.index_cast %get3A_366 : i32 to index
    %get3A_368 = arith.constant 16 : index
    %get3A_369 = tpu.vector_load %arg6[%get3A_367, %get3A_368] {strides = array<i32>} : memref<4x128xi32, #tpu.memory_space<vmem>>, vector<16xi32>,
    %get3A_370 = arith.constant 1 : i32
    %get3A_371 = arith.index_cast %get3A_370 : i32 to index
    %get3A_372 = arith.constant 16 : index
    %get3A_373 = tpu.vector_load %arg6[%get3A_371, %get3A_372] {strides = array<i32>} : memref<4x128xi32, #tpu.memory_space<vmem>>, vector<16xi32>,
    %add3A_374 = arith.addi %get3A_369, %get3A_373 : vector<16xi32>
    %swap3A_375 = arith.constant 1 : i32
    %swap3A_376 = arith.index_cast %swap3A_375 : i32 to index
    %swap3A_377 = arith.constant 16 : index
    %swap3A_378 = tpu.vector_load %arg6[%swap3A_376, %swap3A_377] {strides = array<i32>} : memref<4x128xi32, #tpu.memory_space<vmem>>, vector<16xi32>,
    tpu.vector_store %arg6[%swap3A_376, %swap3A_377], %add3A_374 {strides = array<i32>} : memref<4x128xi32, #tpu.memory_space<vmem>>, vector<16xi32>,
    %get3A_379 = arith.constant 1 : i32
    %get3A_380 = arith.index_cast %get3A_379 : i32 to index
    %get3A_381 = arith.constant 32 : index
    %get3A_382 = tpu.vector_load %arg6[%get3A_380, %get3A_381] {strides = array<i32>} : memref<4x128xi32, #tpu.memory_space<vmem>>, vector<16xi32>,
    %get3A_383 = arith.constant 1 : i32
    %get3A_384 = arith.index_cast %get3A_383 : i32 to index
    %get3A_385 = arith.constant 32 : index
    %get3A_386 = tpu.vector_load %arg6[%get3A_384, %get3A_385] {strides = array<i32>} : memref<4x128xi32, #tpu.memory_space<vmem>>, vector<16xi32>,
    %add3A_387 = arith.addi %get3A_382, %get3A_386 : vector<16xi32>
    %swap3A_388 = arith.constant 1 : i32
    %swap3A_389 = arith.index_cast %swap3A_388 : i32 to index
    %swap3A_390 = arith.constant 32 : index
    %swap3A_391 = tpu.vector_load %arg6[%swap3A_389, %swap3A_390] {strides = array<i32>} : memref<4x128xi32, #tpu.memory_space<vmem>>, vector<16xi32>,
    tpu.vector_store %arg6[%swap3A_389, %swap3A_390], %add3A_387 {strides = array<i32>} : memref<4x128xi32, #tpu.memory_space<vmem>>, vector<16xi32>,
    %get3A_392 = arith.constant 1 : i32
    %get3A_393 = arith.index_cast %get3A_392 : i32 to index
    %get3A_394 = arith.constant 48 : index
    %get3A_395 = tpu.vector_load %arg6[%get3A_393, %get3A_394] {strides = array<i32>} : memref<4x128xi32, #tpu.memory_space<vmem>>, vector<16xi32>,
    %get3A_396 = arith.constant 1 : i32
    %get3A_397 = arith.index_cast %get3A_396 : i32 to index
    %get3A_398 = arith.constant 48 : index
    %get3A_399 = tpu.vector_load %arg6[%get3A_397, %get3A_398] {strides = array<i32>} : memref<4x128xi32, #tpu.memory_space<vmem>>, vector<16xi32>,
    %add3A_400 = arith.addi %get3A_395, %get3A_399 : vector<16xi32>
    %swap3A_401 = arith.constant 1 : i32
    %swap3A_402 = arith.index_cast %swap3A_401 : i32 to index
    %swap3A_403 = arith.constant 48 : index
    %swap3A_404 = tpu.vector_load %arg6[%swap3A_402, %swap3A_403] {strides = array<i32>} : memref<4x128xi32, #tpu.memory_space<vmem>>, vector<16xi32>,
    tpu.vector_store %arg6[%swap3A_402, %swap3A_403], %add3A_400 {strides = array<i32>} : memref<4x128xi32, #tpu.memory_space<vmem>>, vector<16xi32>,
    %get3A_405 = arith.constant 1 : i32
    %get3A_406 = arith.index_cast %get3A_405 : i32 to index
    %get3A_407 = arith.constant 64 : index
    %get3A_408 = tpu.vector_load %arg6[%get3A_406, %get3A_407] {strides = array<i32>} : memref<4x128xi32, #tpu.memory_space<vmem>>, vector<16xi32>,
    %get3A_409 = arith.constant 1 : i32
    %get3A_410 = arith.index_cast %get3A_409 : i32 to index
    %get3A_411 = arith.constant 64 : index
    %get3A_412 = tpu.vector_load %arg6[%get3A_410, %get3A_411] {strides = array<i32>} : memref<4x128xi32, #tpu.memory_space<vmem>>, vector<16xi32>,
    %add3A_413 = arith.addi %get3A_408, %get3A_412 : vector<16xi32>
    %swap3A_414 = arith.constant 1 : i32
    %swap3A_415 = arith.index_cast %swap3A_414 : i32 to index
    %swap3A_416 = arith.constant 64 : index
    %swap3A_417 = tpu.vector_load %arg6[%swap3A_415, %swap3A_416] {strides = array<i32>} : memref<4x128xi32, #tpu.memory_space<vmem>>, vector<16xi32>,
    tpu.vector_store %arg6[%swap3A_415, %swap3A_416], %add3A_413 {strides = array<i32>} : memref<4x128xi32, #tpu.memory_space<vmem>>, vector<16xi32>,
    %get3A_418 = arith.constant 1 : i32
    %get3A_419 = arith.index_cast %get3A_418 : i32 to index
    %get3A_420 = arith.constant 80 : index
    %get3A_421 = tpu.vector_load %arg6[%get3A_419, %get3A_420] {strides = array<i32>} : memref<4x128xi32, #tpu.memory_space<vmem>>, vector<16xi32>,
    %get3A_422 = arith.constant 1 : i32
    %get3A_423 = arith.index_cast %get3A_422 : i32 to index
    %get3A_424 = arith.constant 80 : index
    %get3A_425 = tpu.vector_load %arg6[%get3A_423, %get3A_424] {strides = array<i32>} : memref<4x128xi32, #tpu.memory_space<vmem>>, vector<16xi32>,
    %add3A_426 = arith.addi %get3A_421, %get3A_425 : vector<16xi32>
    %swap3A_427 = arith.constant 1 : i32
    %swap3A_428 = arith.index_cast %swap3A_427 : i32 to index
    %swap3A_429 = arith.constant 80 : index
    %swap3A_430 = tpu.vector_load %arg6[%swap3A_428, %swap3A_429] {strides = array<i32>} : memref<4x128xi32, #tpu.memory_space<vmem>>, vector<16xi32>,
    tpu.vector_store %arg6[%swap3A_428, %swap3A_429], %add3A_426 {strides = array<i32>} : memref<4x128xi32, #tpu.memory_space<vmem>>, vector<16xi32>,
    %get3A_431 = arith.constant 1 : i32
    %get3A_432 = arith.index_cast %get3A_431 : i32 to index
    %get3A_433 = arith.constant 96 : index
    %get3A_434 = tpu.vector_load %arg6[%get3A_432, %get3A_433] {strides = array<i32>} : memref<4x128xi32, #tpu.memory_space<vmem>>, vector<16xi32>,
    %get3A_435 = arith.constant 1 : i32
    %get3A_436 = arith.index_cast %get3A_435 : i32 to index
    %get3A_437 = arith.constant 96 : index
    %get3A_438 = tpu.vector_load %arg6[%get3A_436, %get3A_437] {strides = array<i32>} : memref<4x128xi32, #tpu.memory_space<vmem>>, vector<16xi32>,
    %add3A_439 = arith.addi %get3A_434, %get3A_438 : vector<16xi32>
    %swap3A_440 = arith.constant 1 : i32
    %swap3A_441 = arith.index_cast %swap3A_440 : i32 to index
    %swap3A_442 = arith.constant 96 : index
    %swap3A_443 = tpu.vector_load %arg6[%swap3A_441, %swap3A_442] {strides = array<i32>} : memref<4x128xi32, #tpu.memory_space<vmem>>, vector<16xi32>,
    tpu.vector_store %arg6[%swap3A_441, %swap3A_442], %add3A_439 {strides = array<i32>} : memref<4x128xi32, #tpu.memory_space<vmem>>, vector<16xi32>,
    %get3A_444 = arith.constant 1 : i32
    %get3A_445 = arith.index_cast %get3A_444 : i32 to index
    %get3A_446 = arith.constant 112 : index
    %get3A_447 = tpu.vector_load %arg6[%get3A_445, %get3A_446] {strides = array<i32>} : memref<4x128xi32, #tpu.memory_space<vmem>>, vector<16xi32>,
    %get3A_448 = arith.constant 1 : i32
    %get3A_449 = arith.index_cast %get3A_448 : i32 to index
    %get3A_450 = arith.constant 112 : index
    %get3A_451 = tpu.vector_load %arg6[%get3A_449, %get3A_450] {strides = array<i32>} : memref<4x128xi32, #tpu.memory_space<vmem>>, vector<16xi32>,
    %add3A_452 = arith.addi %get3A_447, %get3A_451 : vector<16xi32>
    %swap3A_453 = arith.constant 1 : i32
    %swap3A_454 = arith.index_cast %swap3A_453 : i32 to index
    %swap3A_455 = arith.constant 112 : index
    %swap3A_456 = tpu.vector_load %arg6[%swap3A_454, %swap3A_455] {strides = array<i32>} : memref<4x128xi32, #tpu.memory_space<vmem>>, vector<16xi32>,
    tpu.vector_store %arg6[%swap3A_454, %swap3A_455], %add3A_452 {strides = array<i32>} : memref<4x128xi32, #tpu.memory_space<vmem>>, vector<16xi32>,
    %dma_start3A_457 = arith.constant 1 : i32
    %dma_start3A_458 = arith.constant 1 : i32
    %dma_start3A_459 = arith.constant 0 : i32
    %dma_start3A_460 = arith.constant 0 : i32
    %dma_start3A_461 = tpu.memref_slice %arg7[%dma_start3A_458, %dma_start3A_459, %dma_start3A_460] : memref<4x128x64xf32, #tpu.memory_space<vmem>> -> memref<1x128x64xf32, #tpu.memory_space<vmem>>
    %dma_start3A_462 = tpu.memref_squeeze %dma_start3A_461 : memref<1x128x64xf32, #tpu.memory_space<vmem>> -> memref<128x64xf32, #tpu.memory_space<vmem>>
    %dma_start3A_463 = arith.constant 0 : i32
    %dma_start3A_464 = tpu.memref_slice %arg6[%dma_start3A_457, %dma_start3A_463] : memref<4x128xi32, #tpu.memory_space<vmem>> -> memref<1x128xi32, #tpu.memory_space<vmem>>
    %dma_start3A_465 = tpu.memref_squeeze %dma_start3A_464 : memref<1x128xi32, #tpu.memory_space<vmem>> -> memref<128xi32, #tpu.memory_space<vmem>>
    %dma_start3A_466 = arith.constant 0 : i32
    %dma_start3A_467 = arith.constant 0 : i32
    %dma_start3A_468 = tpu.memref_slice %arg3[%dma_start3A_466, %dma_start3A_467] : memref<200000x64xf32, #tpu.memory_space<hbm>> -> memref<200000x64xf32, #tpu.memory_space<hbm>>
    tpu.enqueue_indirect_dma source(%dma_start3A_468 : memref<200000x64xf32, #tpu.memory_space<hbm>>) target(%dma_start3A_462 : memref<128x64xf32, #tpu.memory_space<vmem>>) offsets(%dma_start3A_465 : memref<128xi32, #tpu.memory_space<vmem>>) semaphore(%arg11 : memref<!tpu.dma_semaphore, #tpu.memory_space<semaphore_mem>>)
    %dma_wait3A_469 = arith.constant 0 : i32
    %dma_wait3A_470 = arith.constant 0 : i32
    %dma_wait3A_471 = arith.constant 0 : i32
    %dma_wait3A_472 = arith.constant 2 : i32
    %dma_wait3A_473 = arith.constant 0 : i32
    %dma_wait3A_474 = tpu.memref_slice %arg6[%dma_wait3A_472, %dma_wait3A_473] : memref<4x128xi32, #tpu.memory_space<vmem>> -> memref<1x128xi32, #tpu.memory_space<vmem>>
    %dma_wait3A_475 = tpu.memref_squeeze %dma_wait3A_474 : memref<1x128xi32, #tpu.memory_space<vmem>> -> memref<128xi32, #tpu.memory_space<vmem>>
    %dma_wait3A_476 = arith.constant 0 : i32
    %dma_wait3A_477 = tpu.memref_slice %arg2[%dma_wait3A_469, %dma_wait3A_470, %dma_wait3A_471, %dma_wait3A_476] : memref<25x32x8x128xi32, #tpu.memory_space<hbm>> -> memref<1x1x1x128xi32, #tpu.memory_space<hbm>>
    %dma_wait3A_478 = tpu.memref_squeeze %dma_wait3A_477 : memref<1x1x1x128xi32, #tpu.memory_space<hbm>> -> memref<128xi32, #tpu.memory_space<hbm>>
    %dma_wait3A_479 = arith.constant 0 : i32
    %dma_wait3A_480 = tpu.memref_slice %arg6[%dma_wait3A_472, %dma_wait3A_479] : memref<4x128xi32, #tpu.memory_space<vmem>> -> memref<1x128xi32, #tpu.memory_space<vmem>>
    %dma_wait3A_481 = tpu.memref_squeeze %dma_wait3A_480 : memref<1x128xi32, #tpu.memory_space<vmem>> -> memref<128xi32, #tpu.memory_space<vmem>>
    %dma_wait3A_482 = arith.constant 0 : i32
    %dma_wait3A_483 = tpu.memref_slice %arg2[%dma_wait3A_469, %dma_wait3A_470, %dma_wait3A_471, %dma_wait3A_482] : memref<25x32x8x128xi32, #tpu.memory_space<hbm>> -> memref<1x1x1x128xi32, #tpu.memory_space<hbm>>
    %dma_wait3A_484 = tpu.memref_squeeze %dma_wait3A_483 : memref<1x1x1x128xi32, #tpu.memory_space<hbm>> -> memref<128xi32, #tpu.memory_space<hbm>>
    tpu.wait_dma2 semaphore(%arg20 : memref<!tpu.dma_semaphore, #tpu.memory_space<semaphore_mem>>) src(%dma_wait3A_484 : memref<128xi32, #tpu.memory_space<hbm>>) dst(%dma_wait3A_481 : memref<128xi32, #tpu.memory_space<vmem>>)
    %get3A_485 = arith.constant 2 : i32
    %get3A_486 = arith.index_cast %get3A_485 : i32 to index
    %get3A_487 = arith.constant 0 : index
    %get3A_488 = tpu.vector_load %arg6[%get3A_486, %get3A_487] {strides = array<i32>} : memref<4x128xi32, #tpu.memory_space<vmem>>, vector<16xi32>,
    %get3A_489 = arith.constant 2 : i32
    %get3A_490 = arith.index_cast %get3A_489 : i32 to index
    %get3A_491 = arith.constant 0 : index
    %get3A_492 = tpu.vector_load %arg6[%get3A_490, %get3A_491] {strides = array<i32>} : memref<4x128xi32, #tpu.memory_space<vmem>>, vector<16xi32>,
    %add3A_493 = arith.addi %get3A_488, %get3A_492 : vector<16xi32>
    %swap3A_494 = arith.constant 2 : i32
    %swap3A_495 = arith.index_cast %swap3A_494 : i32 to index
    %swap3A_496 = arith.constant 0 : index
    %swap3A_497 = tpu.vector_load %arg6[%swap3A_495, %swap3A_496] {strides = array<i32>} : memref<4x128xi32, #tpu.memory_space<vmem>>, vector<16xi32>,
    tpu.vector_store %arg6[%swap3A_495, %swap3A_496], %add3A_493 {strides = array<i32>} : memref<4x128xi32, #tpu.memory_space<vmem>>, vector<16xi32>,
    %get3A_498 = arith.constant 2 : i32
    %get3A_499 = arith.index_cast %get3A_498 : i32 to index
    %get3A_500 = arith.constant 16 : index
    %get3A_501 = tpu.vector_load %arg6[%get3A_499, %get3A_500] {strides = array<i32>} : memref<4x128xi32, #tpu.memory_space<vmem>>, vector<16xi32>,
    %get3A_502 = arith.constant 2 : i32
    %get3A_503 = arith.index_cast %get3A_502 : i32 to index
    %get3A_504 = arith.constant 16 : index
    %get3A_505 = tpu.vector_load %arg6[%get3A_503, %get3A_504] {strides = array<i32>} : memref<4x128xi32, #tpu.memory_space<vmem>>, vector<16xi32>,
    %add3A_506 = arith.addi %get3A_501, %get3A_505 : vector<16xi32>
    %swap3A_507 = arith.constant 2 : i32
    %swap3A_508 = arith.index_cast %swap3A_507 : i32 to index
    %swap3A_509 = arith.constant 16 : index
    %swap3A_510 = tpu.vector_load %arg6[%swap3A_508, %swap3A_509] {strides = array<i32>} : memref<4x128xi32, #tpu.memory_space<vmem>>, vector<16xi32>,
    tpu.vector_store %arg6[%swap3A_508, %swap3A_509], %add3A_506 {strides = array<i32>} : memref<4x128xi32, #tpu.memory_space<vmem>>, vector<16xi32>,
    %get3A_511 = arith.constant 2 : i32
    %get3A_512 = arith.index_cast %get3A_511 : i32 to index
    %get3A_513 = arith.constant 32 : index
    %get3A_514 = tpu.vector_load %arg6[%get3A_512, %get3A_513] {strides = array<i32>} : memref<4x128xi32, #tpu.memory_space<vmem>>, vector<16xi32>,
    %get3A_515 = arith.constant 2 : i32
    %get3A_516 = arith.index_cast %get3A_515 : i32 to index
    %get3A_517 = arith.constant 32 : index
    %get3A_518 = tpu.vector_load %arg6[%get3A_516, %get3A_517] {strides = array<i32>} : memref<4x128xi32, #tpu.memory_space<vmem>>, vector<16xi32>,
    %add3A_519 = arith.addi %get3A_514, %get3A_518 : vector<16xi32>
    %swap3A_520 = arith.constant 2 : i32
    %swap3A_521 = arith.index_cast %swap3A_520 : i32 to index
    %swap3A_522 = arith.constant 32 : index
    %swap3A_523 = tpu.vector_load %arg6[%swap3A_521, %swap3A_522] {strides = array<i32>} : memref<4x128xi32, #tpu.memory_space<vmem>>, vector<16xi32>,
    tpu.vector_store %arg6[%swap3A_521, %swap3A_522], %add3A_519 {strides = array<i32>} : memref<4x128xi32, #tpu.memory_space<vmem>>, vector<16xi32>,
    %get3A_524 = arith.constant 2 : i32
    %get3A_525 = arith.index_cast %get3A_524 : i32 to index
    %get3A_526 = arith.constant 48 : index
    %get3A_527 = tpu.vector_load %arg6[%get3A_525, %get3A_526] {strides = array<i32>} : memref<4x128xi32, #tpu.memory_space<vmem>>, vector<16xi32>,
    %get3A_528 = arith.constant 2 : i32
    %get3A_529 = arith.index_cast %get3A_528 : i32 to index
    %get3A_530 = arith.constant 48 : index
    %get3A_531 = tpu.vector_load %arg6[%get3A_529, %get3A_530] {strides = array<i32>} : memref<4x128xi32, #tpu.memory_space<vmem>>, vector<16xi32>,
    %add3A_532 = arith.addi %get3A_527, %get3A_531 : vector<16xi32>
    %swap3A_533 = arith.constant 2 : i32
    %swap3A_534 = arith.index_cast %swap3A_533 : i32 to index
    %swap3A_535 = arith.constant 48 : index
    %swap3A_536 = tpu.vector_load %arg6[%swap3A_534, %swap3A_535] {strides = array<i32>} : memref<4x128xi32, #tpu.memory_space<vmem>>, vector<16xi32>,
    tpu.vector_store %arg6[%swap3A_534, %swap3A_535], %add3A_532 {strides = array<i32>} : memref<4x128xi32, #tpu.memory_space<vmem>>, vector<16xi32>,
    %get3A_537 = arith.constant 2 : i32
    %get3A_538 = arith.index_cast %get3A_537 : i32 to index
    %get3A_539 = arith.constant 64 : index
    %get3A_540 = tpu.vector_load %arg6[%get3A_538, %get3A_539] {strides = array<i32>} : memref<4x128xi32, #tpu.memory_space<vmem>>, vector<16xi32>,
    %get3A_541 = arith.constant 2 : i32
    %get3A_542 = arith.index_cast %get3A_541 : i32 to index
    %get3A_543 = arith.constant 64 : index
    %get3A_544 = tpu.vector_load %arg6[%get3A_542, %get3A_543] {strides = array<i32>} : memref<4x128xi32, #tpu.memory_space<vmem>>, vector<16xi32>,
    %add3A_545 = arith.addi %get3A_540, %get3A_544 : vector<16xi32>
    %swap3A_546 = arith.constant 2 : i32
    %swap3A_547 = arith.index_cast %swap3A_546 : i32 to index
    %swap3A_548 = arith.constant 64 : index
    %swap3A_549 = tpu.vector_load %arg6[%swap3A_547, %swap3A_548] {strides = array<i32>} : memref<4x128xi32, #tpu.memory_space<vmem>>, vector<16xi32>,
    tpu.vector_store %arg6[%swap3A_547, %swap3A_548], %add3A_545 {strides = array<i32>} : memref<4x128xi32, #tpu.memory_space<vmem>>, vector<16xi32>,
    %get3A_550 = arith.constant 2 : i32
    %get3A_551 = arith.index_cast %get3A_550 : i32 to index
    %get3A_552 = arith.constant 80 : index
    %get3A_553 = tpu.vector_load %arg6[%get3A_551, %get3A_552] {strides = array<i32>} : memref<4x128xi32, #tpu.memory_space<vmem>>, vector<16xi32>,
    %get3A_554 = arith.constant 2 : i32
    %get3A_555 = arith.index_cast %get3A_554 : i32 to index
    %get3A_556 = arith.constant 80 : index
    %get3A_557 = tpu.vector_load %arg6[%get3A_555, %get3A_556] {strides = array<i32>} : memref<4x128xi32, #tpu.memory_space<vmem>>, vector<16xi32>,
    %add3A_558 = arith.addi %get3A_553, %get3A_557 : vector<16xi32>
    %swap3A_559 = arith.constant 2 : i32
    %swap3A_560 = arith.index_cast %swap3A_559 : i32 to index
    %swap3A_561 = arith.constant 80 : index
    %swap3A_562 = tpu.vector_load %arg6[%swap3A_560, %swap3A_561] {strides = array<i32>} : memref<4x128xi32, #tpu.memory_space<vmem>>, vector<16xi32>,
    tpu.vector_store %arg6[%swap3A_560, %swap3A_561], %add3A_558 {strides = array<i32>} : memref<4x128xi32, #tpu.memory_space<vmem>>, vector<16xi32>,
    %get3A_563 = arith.constant 2 : i32
    %get3A_564 = arith.index_cast %get3A_563 : i32 to index
    %get3A_565 = arith.constant 96 : index
    %get3A_566 = tpu.vector_load %arg6[%get3A_564, %get3A_565] {strides = array<i32>} : memref<4x128xi32, #tpu.memory_space<vmem>>, vector<16xi32>,
    %get3A_567 = arith.constant 2 : i32
    %get3A_568 = arith.index_cast %get3A_567 : i32 to index
    %get3A_569 = arith.constant 96 : index
    %get3A_570 = tpu.vector_load %arg6[%get3A_568, %get3A_569] {strides = array<i32>} : memref<4x128xi32, #tpu.memory_space<vmem>>, vector<16xi32>,
    %add3A_571 = arith.addi %get3A_566, %get3A_570 : vector<16xi32>
    %swap3A_572 = arith.constant 2 : i32
    %swap3A_573 = arith.index_cast %swap3A_572 : i32 to index
    %swap3A_574 = arith.constant 96 : index
    %swap3A_575 = tpu.vector_load %arg6[%swap3A_573, %swap3A_574] {strides = array<i32>} : memref<4x128xi32, #tpu.memory_space<vmem>>, vector<16xi32>,
    tpu.vector_store %arg6[%swap3A_573, %swap3A_574], %add3A_571 {strides = array<i32>} : memref<4x128xi32, #tpu.memory_space<vmem>>, vector<16xi32>,
    %get3A_576 = arith.constant 2 : i32
    %get3A_577 = arith.index_cast %get3A_576 : i32 to index
    %get3A_578 = arith.constant 112 : index
    %get3A_579 = tpu.vector_load %arg6[%get3A_577, %get3A_578] {strides = array<i32>} : memref<4x128xi32, #tpu.memory_space<vmem>>, vector<16xi32>,
    %get3A_580 = arith.constant 2 : i32
    %get3A_581 = arith.index_cast %get3A_580 : i32 to index
    %get3A_582 = arith.constant 112 : index
    %get3A_583 = tpu.vector_load %arg6[%get3A_581, %get3A_582] {strides = array<i32>} : memref<4x128xi32, #tpu.memory_space<vmem>>, vector<16xi32>,
    %add3A_584 = arith.addi %get3A_579, %get3A_583 : vector<16xi32>
    %swap3A_585 = arith.constant 2 : i32
    %swap3A_586 = arith.index_cast %swap3A_585 : i32 to index
    %swap3A_587 = arith.constant 112 : index
    %swap3A_588 = tpu.vector_load %arg6[%swap3A_586, %swap3A_587] {strides = array<i32>} : memref<4x128xi32, #tpu.memory_space<vmem>>, vector<16xi32>,
    tpu.vector_store %arg6[%swap3A_586, %swap3A_587], %add3A_584 {strides = array<i32>} : memref<4x128xi32, #tpu.memory_space<vmem>>, vector<16xi32>,
    %dma_start3A_589 = arith.constant 2 : i32
    %dma_start3A_590 = arith.constant 2 : i32
    %dma_start3A_591 = arith.constant 0 : i32
    %dma_start3A_592 = arith.constant 0 : i32
    %dma_start3A_593 = tpu.memref_slice %arg7[%dma_start3A_590, %dma_start3A_591, %dma_start3A_592] : memref<4x128x64xf32, #tpu.memory_space<vmem>> -> memref<1x128x64xf32, #tpu.memory_space<vmem>>
    %dma_start3A_594 = tpu.memref_squeeze %dma_start3A_593 : memref<1x128x64xf32, #tpu.memory_space<vmem>> -> memref<128x64xf32, #tpu.memory_space<vmem>>
    %dma_start3A_595 = arith.constant 0 : i32
    %dma_start3A_596 = tpu.memref_slice %arg6[%dma_start3A_589, %dma_start3A_595] : memref<4x128xi32, #tpu.memory_space<vmem>> -> memref<1x128xi32, #tpu.memory_space<vmem>>
    %dma_start3A_597 = tpu.memref_squeeze %dma_start3A_596 : memref<1x128xi32, #tpu.memory_space<vmem>> -> memref<128xi32, #tpu.memory_space<vmem>>
    %dma_start3A_598 = arith.constant 0 : i32
    %dma_start3A_599 = arith.constant 0 : i32
    %dma_start3A_600 = tpu.memref_slice %arg3[%dma_start3A_598, %dma_start3A_599] : memref<200000x64xf32, #tpu.memory_space<hbm>> -> memref<200000x64xf32, #tpu.memory_space<hbm>>
    tpu.enqueue_indirect_dma source(%dma_start3A_600 : memref<200000x64xf32, #tpu.memory_space<hbm>>) target(%dma_start3A_594 : memref<128x64xf32, #tpu.memory_space<vmem>>) offsets(%dma_start3A_597 : memref<128xi32, #tpu.memory_space<vmem>>) semaphore(%arg12 : memref<!tpu.dma_semaphore, #tpu.memory_space<semaphore_mem>>)
    %scan3A = arith.constant 0 : i32
    %scan3A_601 = arith.constant 0 : i32
    %scan3A_602 = arith.constant 50 : i32
    %scan3A_603 = arith.addi %scan3A_601, %scan3A_602 : i32
    %scan3A_604 = arith.constant 1 : i32
    scf.for %scan3A_698 = %scan3A_601 to %scan3A_603 step %scan3A_604  : i32 {
      %mul3A_699 = arith.constant 4 : i32
      %mul3A_700 = arith.muli %scan3A_698, %mul3A_699 : i32
      %add3A_701 = arith.constant 0 : i32
      %add3A_702 = arith.addi %mul3A_700, %add3A_701 : i32
      %dma_wait3A_703 = arith.constant 0 : i32
      %dma_wait3A_704 = arith.constant 0 : i32
      %dma_wait3A_705 = arith.constant 0 : i32
      %dma_wait3A_706 = arith.constant 0 : i32
      %dma_wait3A_707 = tpu.memref_slice %arg7[%dma_wait3A_704, %dma_wait3A_705, %dma_wait3A_706] : memref<4x128x64xf32, #tpu.memory_space<vmem>> -> memref<1x128x64xf32, #tpu.memory_space<vmem>>
      %dma_wait3A_708 = tpu.memref_squeeze %dma_wait3A_707 : memref<1x128x64xf32, #tpu.memory_space<vmem>> -> memref<128x64xf32, #tpu.memory_space<vmem>>
      %dma_wait3A_709 = arith.constant 0 : i32
      %dma_wait3A_710 = tpu.memref_slice %arg6[%dma_wait3A_703, %dma_wait3A_709] : memref<4x128xi32, #tpu.memory_space<vmem>> -> memref<1x128xi32, #tpu.memory_space<vmem>>
      %dma_wait3A_711 = tpu.memref_squeeze %dma_wait3A_710 : memref<1x128xi32, #tpu.memory_space<vmem>> -> memref<128xi32, #tpu.memory_space<vmem>>
      %dma_wait3A_712 = arith.constant 0 : i32
      %dma_wait3A_713 = arith.constant 0 : i32
      %dma_wait3A_714 = tpu.memref_slice %arg3[%dma_wait3A_712, %dma_wait3A_713] : memref<200000x64xf32, #tpu.memory_space<hbm>> -> memref<200000x64xf32, #tpu.memory_space<hbm>>
      tpu.wait_indirect_dma semaphore(%arg10 : memref<!tpu.dma_semaphore, #tpu.memory_space<semaphore_mem>>) src(%dma_wait3A_714 : memref<200000x64xf32, #tpu.memory_space<hbm>>) dst(%dma_wait3A_708 : memref<128x64xf32, #tpu.memory_space<vmem>>)
      %add3A_715 = arith.constant 4 : i32
      %add3A_716 = arith.addi %add3A_702, %add3A_715 : i32
      %lt3A_717 = arith.constant 200 : i32
      %lt3A_718 = arith.cmpi slt, %add3A_716, %lt3A_717 : i32
      %convert_element_type3A = arith.extui %lt3A_718 : i1 to i32
      %cond3A = arith.constant 0 : i32
      %cond3A_719 = arith.cmpi ne, %convert_element_type3A, %cond3A : i32
      scf.if %cond3A_719 {
        %add3A_979 = arith.constant 4 : i32
        %add3A_980 = arith.addi %add3A_702, %add3A_979 : i32
        %jit3A_981 = arith.constant 8 : i32
        %div3A_982 = arith.divsi %add3A_980, %jit3A_981 : i32
        %sign3A_983 = arith.constant 0 : i32
        %sign3A_984 = arith.cmpi sgt, %add3A_980, %sign3A_983 : i32
        %sign3A_985 = arith.extui %sign3A_984 : i1 to i32
        %sign3A_986 = arith.constant 0 : i32
        %sign3A_987 = arith.cmpi slt, %add3A_980, %sign3A_986 : i32
        %sign3A_988 = arith.extui %sign3A_987 : i1 to i32
        %sign3A_989 = arith.subi %sign3A_985, %sign3A_988 : i32
        %sign3A_990 = arith.constant 0 : i32
        %sign3A_991 = arith.cmpi sgt, %jit3A_981, %sign3A_990 : i32
        %sign3A_992 = arith.extui %sign3A_991 : i1 to i32
        %sign3A_993 = arith.constant 0 : i32
        %sign3A_994 = arith.cmpi slt, %jit3A_981, %sign3A_993 : i32
        %sign3A_995 = arith.extui %sign3A_994 : i1 to i32
        %sign3A_996 = arith.subi %sign3A_992, %sign3A_995 : i32
        %ne3A_997 = arith.cmpi ne, %sign3A_989, %sign3A_996 : i32
        %rem3A_998 = arith.remsi %add3A_980, %jit3A_981 : i32
        %ne3A_999 = arith.constant 0 : i32
        %ne3A_1000 = arith.cmpi ne, %rem3A_998, %ne3A_999 : i32
        %and3A_1001 = arith.andi %ne3A_997, %ne3A_1000 : i1
        %sub3A_1002 = arith.constant 1 : i32
        %sub3A_1003 = arith.subi %div3A_982, %sub3A_1002 : i32
        %select_n3A_1004 = arith.select %and3A_1001, %sub3A_1003, %div3A_982 : i32
        %jit3A_1005 = arith.constant 8 : i32
        %eq3A_1006 = arith.constant 0 : i32
        %eq3A_1007 = arith.cmpi eq, %jit3A_1005, %eq3A_1006 : i32
        %jit3A_1008 = arith.constant 1 : i32
        %select_n3A_1009 = arith.select %eq3A_1007, %jit3A_1008, %jit3A_1005 : i32
        %rem3A_1010 = arith.remsi %add3A_980, %select_n3A_1009 : i32
        %ne3A_1011 = arith.constant 0 : i32
        %ne3A_1012 = arith.cmpi ne, %rem3A_1010, %ne3A_1011 : i32
        %lt3A_1013 = arith.constant 0 : i32
        %lt3A_1014 = arith.cmpi slt, %rem3A_1010, %lt3A_1013 : i32
        %lt3A_1015 = arith.constant 0 : i32
        %lt3A_1016 = arith.cmpi slt, %select_n3A_1009, %lt3A_1015 : i32
        %ne3A_1017 = arith.xori %lt3A_1014, %lt3A_1016 : i1
        %and3A_1018 = arith.andi %ne3A_1017, %ne3A_1012 : i1
        %add3A_1019 = arith.addi %rem3A_1010, %select_n3A_1009 : i32
        %select_n3A_1020 = arith.select %and3A_1018, %add3A_1019, %rem3A_1010 : i32
        %dma_start3A_1021 = arith.constant 0 : i32
        %dma_start3A_1022 = arith.constant 0 : i32
        %dma_start3A_1023 = tpu.memref_slice %arg6[%dma_start3A_1021, %dma_start3A_1022] : memref<4x128xi32, #tpu.memory_space<vmem>> -> memref<1x128xi32, #tpu.memory_space<vmem>>
        %dma_start3A_1024 = tpu.memref_squeeze %dma_start3A_1023 : memref<1x128xi32, #tpu.memory_space<vmem>> -> memref<128xi32, #tpu.memory_space<vmem>>
        %dma_start3A_1025 = arith.constant 0 : i32
        %dma_start3A_1026 = tpu.memref_slice %arg2[%select_n3A_1004, %add3A, %select_n3A_1020, %dma_start3A_1025] : memref<25x32x8x128xi32, #tpu.memory_space<hbm>> -> memref<1x1x1x128xi32, #tpu.memory_space<hbm>>
        %dma_start3A_1027 = tpu.memref_squeeze %dma_start3A_1026 : memref<1x1x1x128xi32, #tpu.memory_space<hbm>> -> memref<128xi32, #tpu.memory_space<hbm>>
        %dma_start3A_1028 = arith.constant 0 : i32
        %dma_start3A_1029 = tpu.memref_slice %arg6[%dma_start3A_1021, %dma_start3A_1028] : memref<4x128xi32, #tpu.memory_space<vmem>> -> memref<1x128xi32, #tpu.memory_space<vmem>>
        %dma_start3A_1030 = tpu.memref_squeeze %dma_start3A_1029 : memref<1x128xi32, #tpu.memory_space<vmem>> -> memref<128xi32, #tpu.memory_space<vmem>>
        %dma_start3A_1031 = arith.constant 0 : i32
        %dma_start3A_1032 = tpu.memref_slice %arg2[%select_n3A_1004, %add3A, %select_n3A_1020, %dma_start3A_1031] : memref<25x32x8x128xi32, #tpu.memory_space<hbm>> -> memref<1x1x1x128xi32, #tpu.memory_space<hbm>>
        %dma_start3A_1033 = tpu.memref_squeeze %dma_start3A_1032 : memref<1x1x1x128xi32, #tpu.memory_space<hbm>> -> memref<128xi32, #tpu.memory_space<hbm>>
        tpu.enqueue_dma source(%dma_start3A_1033 : memref<128xi32, #tpu.memory_space<hbm>>) target(%dma_start3A_1030 : memref<128xi32, #tpu.memory_space<vmem>>) target_semaphore(%arg18 : memref<!tpu.dma_semaphore, #tpu.memory_space<semaphore_mem>>)
      } else {
      }
      %add3A_720 = arith.constant 3 : i32
      %add3A_721 = arith.addi %add3A_702, %add3A_720 : i32
      %lt3A_722 = arith.constant 200 : i32
      %lt3A_723 = arith.cmpi slt, %add3A_721, %lt3A_722 : i32
      %convert_element_type3A_724 = arith.extui %lt3A_723 : i1 to i32
      %cond3A_725 = arith.constant 0 : i32
      %cond3A_726 = arith.cmpi ne, %convert_element_type3A_724, %cond3A_725 : i32
      scf.if %cond3A_726 {
        %dma_wait3A_979 = arith.constant 0 : i32
        %dma_wait3A_980 = arith.constant 0 : i32
        %dma_wait3A_981 = arith.constant 0 : i32
        %dma_wait3A_982 = arith.constant 3 : i32
        %dma_wait3A_983 = arith.constant 0 : i32
        %dma_wait3A_984 = tpu.memref_slice %arg6[%dma_wait3A_982, %dma_wait3A_983] : memref<4x128xi32, #tpu.memory_space<vmem>> -> memref<1x128xi32, #tpu.memory_space<vmem>>
        %dma_wait3A_985 = tpu.memref_squeeze %dma_wait3A_984 : memref<1x128xi32, #tpu.memory_space<vmem>> -> memref<128xi32, #tpu.memory_space<vmem>>
        %dma_wait3A_986 = arith.constant 0 : i32
        %dma_wait3A_987 = tpu.memref_slice %arg2[%dma_wait3A_979, %dma_wait3A_980, %dma_wait3A_981, %dma_wait3A_986] : memref<25x32x8x128xi32, #tpu.memory_space<hbm>> -> memref<1x1x1x128xi32, #tpu.memory_space<hbm>>
        %dma_wait3A_988 = tpu.memref_squeeze %dma_wait3A_987 : memref<1x1x1x128xi32, #tpu.memory_space<hbm>> -> memref<128xi32, #tpu.memory_space<hbm>>
        %dma_wait3A_989 = arith.constant 0 : i32
        %dma_wait3A_990 = tpu.memref_slice %arg6[%dma_wait3A_982, %dma_wait3A_989] : memref<4x128xi32, #tpu.memory_space<vmem>> -> memref<1x128xi32, #tpu.memory_space<vmem>>
        %dma_wait3A_991 = tpu.memref_squeeze %dma_wait3A_990 : memref<1x128xi32, #tpu.memory_space<vmem>> -> memref<128xi32, #tpu.memory_space<vmem>>
        %dma_wait3A_992 = arith.constant 0 : i32
        %dma_wait3A_993 = tpu.memref_slice %arg2[%dma_wait3A_979, %dma_wait3A_980, %dma_wait3A_981, %dma_wait3A_992] : memref<25x32x8x128xi32, #tpu.memory_space<hbm>> -> memref<1x1x1x128xi32, #tpu.memory_space<hbm>>
        %dma_wait3A_994 = tpu.memref_squeeze %dma_wait3A_993 : memref<1x1x1x128xi32, #tpu.memory_space<hbm>> -> memref<128xi32, #tpu.memory_space<hbm>>
        tpu.wait_dma2 semaphore(%arg21 : memref<!tpu.dma_semaphore, #tpu.memory_space<semaphore_mem>>) src(%dma_wait3A_994 : memref<128xi32, #tpu.memory_space<hbm>>) dst(%dma_wait3A_991 : memref<128xi32, #tpu.memory_space<vmem>>)
        %get3A_995 = arith.constant 3 : i32
        %get3A_996 = arith.index_cast %get3A_995 : i32 to index
        %get3A_997 = arith.constant 0 : index
        %get3A_998 = tpu.vector_load %arg6[%get3A_996, %get3A_997] {strides = array<i32>} : memref<4x128xi32, #tpu.memory_space<vmem>>, vector<16xi32>,
        %get3A_999 = arith.constant 3 : i32
        %get3A_1000 = arith.index_cast %get3A_999 : i32 to index
        %get3A_1001 = arith.constant 0 : index
        %get3A_1002 = tpu.vector_load %arg6[%get3A_1000, %get3A_1001] {strides = array<i32>} : memref<4x128xi32, #tpu.memory_space<vmem>>, vector<16xi32>,
        %add3A_1003 = arith.addi %get3A_998, %get3A_1002 : vector<16xi32>
        %swap3A_1004 = arith.constant 3 : i32
        %swap3A_1005 = arith.index_cast %swap3A_1004 : i32 to index
        %swap3A_1006 = arith.constant 0 : index
        %swap3A_1007 = tpu.vector_load %arg6[%swap3A_1005, %swap3A_1006] {strides = array<i32>} : memref<4x128xi32, #tpu.memory_space<vmem>>, vector<16xi32>,
        tpu.vector_store %arg6[%swap3A_1005, %swap3A_1006], %add3A_1003 {strides = array<i32>} : memref<4x128xi32, #tpu.memory_space<vmem>>, vector<16xi32>,
        %get3A_1008 = arith.constant 3 : i32
        %get3A_1009 = arith.index_cast %get3A_1008 : i32 to index
        %get3A_1010 = arith.constant 16 : index
        %get3A_1011 = tpu.vector_load %arg6[%get3A_1009, %get3A_1010] {strides = array<i32>} : memref<4x128xi32, #tpu.memory_space<vmem>>, vector<16xi32>,
        %get3A_1012 = arith.constant 3 : i32
        %get3A_1013 = arith.index_cast %get3A_1012 : i32 to index
        %get3A_1014 = arith.constant 16 : index
        %get3A_1015 = tpu.vector_load %arg6[%get3A_1013, %get3A_1014] {strides = array<i32>} : memref<4x128xi32, #tpu.memory_space<vmem>>, vector<16xi32>,
        %add3A_1016 = arith.addi %get3A_1011, %get3A_1015 : vector<16xi32>
        %swap3A_1017 = arith.constant 3 : i32
        %swap3A_1018 = arith.index_cast %swap3A_1017 : i32 to index
        %swap3A_1019 = arith.constant 16 : index
        %swap3A_1020 = tpu.vector_load %arg6[%swap3A_1018, %swap3A_1019] {strides = array<i32>} : memref<4x128xi32, #tpu.memory_space<vmem>>, vector<16xi32>,
        tpu.vector_store %arg6[%swap3A_1018, %swap3A_1019], %add3A_1016 {strides = array<i32>} : memref<4x128xi32, #tpu.memory_space<vmem>>, vector<16xi32>,
        %get3A_1021 = arith.constant 3 : i32
        %get3A_1022 = arith.index_cast %get3A_1021 : i32 to index
        %get3A_1023 = arith.constant 32 : index
        %get3A_1024 = tpu.vector_load %arg6[%get3A_1022, %get3A_1023] {strides = array<i32>} : memref<4x128xi32, #tpu.memory_space<vmem>>, vector<16xi32>,
        %get3A_1025 = arith.constant 3 : i32
        %get3A_1026 = arith.index_cast %get3A_1025 : i32 to index
        %get3A_1027 = arith.constant 32 : index
        %get3A_1028 = tpu.vector_load %arg6[%get3A_1026, %get3A_1027] {strides = array<i32>} : memref<4x128xi32, #tpu.memory_space<vmem>>, vector<16xi32>,
        %add3A_1029 = arith.addi %get3A_1024, %get3A_1028 : vector<16xi32>
        %swap3A_1030 = arith.constant 3 : i32
        %swap3A_1031 = arith.index_cast %swap3A_1030 : i32 to index
        %swap3A_1032 = arith.constant 32 : index
        %swap3A_1033 = tpu.vector_load %arg6[%swap3A_1031, %swap3A_1032] {strides = array<i32>} : memref<4x128xi32, #tpu.memory_space<vmem>>, vector<16xi32>,
        tpu.vector_store %arg6[%swap3A_1031, %swap3A_1032], %add3A_1029 {strides = array<i32>} : memref<4x128xi32, #tpu.memory_space<vmem>>, vector<16xi32>,
        %get3A_1034 = arith.constant 3 : i32
        %get3A_1035 = arith.index_cast %get3A_1034 : i32 to index
        %get3A_1036 = arith.constant 48 : index
        %get3A_1037 = tpu.vector_load %arg6[%get3A_1035, %get3A_1036] {strides = array<i32>} : memref<4x128xi32, #tpu.memory_space<vmem>>, vector<16xi32>,
        %get3A_1038 = arith.constant 3 : i32
        %get3A_1039 = arith.index_cast %get3A_1038 : i32 to index
        %get3A_1040 = arith.constant 48 : index
        %get3A_1041 = tpu.vector_load %arg6[%get3A_1039, %get3A_1040] {strides = array<i32>} : memref<4x128xi32, #tpu.memory_space<vmem>>, vector<16xi32>,
        %add3A_1042 = arith.addi %get3A_1037, %get3A_1041 : vector<16xi32>
        %swap3A_1043 = arith.constant 3 : i32
        %swap3A_1044 = arith.index_cast %swap3A_1043 : i32 to index
        %swap3A_1045 = arith.constant 48 : index
        %swap3A_1046 = tpu.vector_load %arg6[%swap3A_1044, %swap3A_1045] {strides = array<i32>} : memref<4x128xi32, #tpu.memory_space<vmem>>, vector<16xi32>,
        tpu.vector_store %arg6[%swap3A_1044, %swap3A_1045], %add3A_1042 {strides = array<i32>} : memref<4x128xi32, #tpu.memory_space<vmem>>, vector<16xi32>,
        %get3A_1047 = arith.constant 3 : i32
        %get3A_1048 = arith.index_cast %get3A_1047 : i32 to index
        %get3A_1049 = arith.constant 64 : index
        %get3A_1050 = tpu.vector_load %arg6[%get3A_1048, %get3A_1049] {strides = array<i32>} : memref<4x128xi32, #tpu.memory_space<vmem>>, vector<16xi32>,
        %get3A_1051 = arith.constant 3 : i32
        %get3A_1052 = arith.index_cast %get3A_1051 : i32 to index
        %get3A_1053 = arith.constant 64 : index
        %get3A_1054 = tpu.vector_load %arg6[%get3A_1052, %get3A_1053] {strides = array<i32>} : memref<4x128xi32, #tpu.memory_space<vmem>>, vector<16xi32>,
        %add3A_1055 = arith.addi %get3A_1050, %get3A_1054 : vector<16xi32>
        %swap3A_1056 = arith.constant 3 : i32
        %swap3A_1057 = arith.index_cast %swap3A_1056 : i32 to index
        %swap3A_1058 = arith.constant 64 : index
        %swap3A_1059 = tpu.vector_load %arg6[%swap3A_1057, %swap3A_1058] {strides = array<i32>} : memref<4x128xi32, #tpu.memory_space<vmem>>, vector<16xi32>,
        tpu.vector_store %arg6[%swap3A_1057, %swap3A_1058], %add3A_1055 {strides = array<i32>} : memref<4x128xi32, #tpu.memory_space<vmem>>, vector<16xi32>,
        %get3A_1060 = arith.constant 3 : i32
        %get3A_1061 = arith.index_cast %get3A_1060 : i32 to index
        %get3A_1062 = arith.constant 80 : index
        %get3A_1063 = tpu.vector_load %arg6[%get3A_1061, %get3A_1062] {strides = array<i32>} : memref<4x128xi32, #tpu.memory_space<vmem>>, vector<16xi32>,
        %get3A_1064 = arith.constant 3 : i32
        %get3A_1065 = arith.index_cast %get3A_1064 : i32 to index
        %get3A_1066 = arith.constant 80 : index
        %get3A_1067 = tpu.vector_load %arg6[%get3A_1065, %get3A_1066] {strides = array<i32>} : memref<4x128xi32, #tpu.memory_space<vmem>>, vector<16xi32>,
        %add3A_1068 = arith.addi %get3A_1063, %get3A_1067 : vector<16xi32>
        %swap3A_1069 = arith.constant 3 : i32
        %swap3A_1070 = arith.index_cast %swap3A_1069 : i32 to index
        %swap3A_1071 = arith.constant 80 : index
        %swap3A_1072 = tpu.vector_load %arg6[%swap3A_1070, %swap3A_1071] {strides = array<i32>} : memref<4x128xi32, #tpu.memory_space<vmem>>, vector<16xi32>,
        tpu.vector_store %arg6[%swap3A_1070, %swap3A_1071], %add3A_1068 {strides = array<i32>} : memref<4x128xi32, #tpu.memory_space<vmem>>, vector<16xi32>,
        %get3A_1073 = arith.constant 3 : i32
        %get3A_1074 = arith.index_cast %get3A_1073 : i32 to index
        %get3A_1075 = arith.constant 96 : index
        %get3A_1076 = tpu.vector_load %arg6[%get3A_1074, %get3A_1075] {strides = array<i32>} : memref<4x128xi32, #tpu.memory_space<vmem>>, vector<16xi32>,
        %get3A_1077 = arith.constant 3 : i32
        %get3A_1078 = arith.index_cast %get3A_1077 : i32 to index
        %get3A_1079 = arith.constant 96 : index
        %get3A_1080 = tpu.vector_load %arg6[%get3A_1078, %get3A_1079] {strides = array<i32>} : memref<4x128xi32, #tpu.memory_space<vmem>>, vector<16xi32>,
        %add3A_1081 = arith.addi %get3A_1076, %get3A_1080 : vector<16xi32>
        %swap3A_1082 = arith.constant 3 : i32
        %swap3A_1083 = arith.index_cast %swap3A_1082 : i32 to index
        %swap3A_1084 = arith.constant 96 : index
        %swap3A_1085 = tpu.vector_load %arg6[%swap3A_1083, %swap3A_1084] {strides = array<i32>} : memref<4x128xi32, #tpu.memory_space<vmem>>, vector<16xi32>,
        tpu.vector_store %arg6[%swap3A_1083, %swap3A_1084], %add3A_1081 {strides = array<i32>} : memref<4x128xi32, #tpu.memory_space<vmem>>, vector<16xi32>,
        %get3A_1086 = arith.constant 3 : i32
        %get3A_1087 = arith.index_cast %get3A_1086 : i32 to index
        %get3A_1088 = arith.constant 112 : index
        %get3A_1089 = tpu.vector_load %arg6[%get3A_1087, %get3A_1088] {strides = array<i32>} : memref<4x128xi32, #tpu.memory_space<vmem>>, vector<16xi32>,
        %get3A_1090 = arith.constant 3 : i32
        %get3A_1091 = arith.index_cast %get3A_1090 : i32 to index
        %get3A_1092 = arith.constant 112 : index
        %get3A_1093 = tpu.vector_load %arg6[%get3A_1091, %get3A_1092] {strides = array<i32>} : memref<4x128xi32, #tpu.memory_space<vmem>>, vector<16xi32>,
        %add3A_1094 = arith.addi %get3A_1089, %get3A_1093 : vector<16xi32>
        %swap3A_1095 = arith.constant 3 : i32
        %swap3A_1096 = arith.index_cast %swap3A_1095 : i32 to index
        %swap3A_1097 = arith.constant 112 : index
        %swap3A_1098 = tpu.vector_load %arg6[%swap3A_1096, %swap3A_1097] {strides = array<i32>} : memref<4x128xi32, #tpu.memory_space<vmem>>, vector<16xi32>,
        tpu.vector_store %arg6[%swap3A_1096, %swap3A_1097], %add3A_1094 {strides = array<i32>} : memref<4x128xi32, #tpu.memory_space<vmem>>, vector<16xi32>,
        %dma_start3A_1099 = arith.constant 3 : i32
        %dma_start3A_1100 = arith.constant 3 : i32
        %dma_start3A_1101 = arith.constant 0 : i32
        %dma_start3A_1102 = arith.constant 0 : i32
        %dma_start3A_1103 = tpu.memref_slice %arg7[%dma_start3A_1100, %dma_start3A_1101, %dma_start3A_1102] : memref<4x128x64xf32, #tpu.memory_space<vmem>> -> memref<1x128x64xf32, #tpu.memory_space<vmem>>
        %dma_start3A_1104 = tpu.memref_squeeze %dma_start3A_1103 : memref<1x128x64xf32, #tpu.memory_space<vmem>> -> memref<128x64xf32, #tpu.memory_space<vmem>>
        %dma_start3A_1105 = arith.constant 0 : i32
        %dma_start3A_1106 = tpu.memref_slice %arg6[%dma_start3A_1099, %dma_start3A_1105] : memref<4x128xi32, #tpu.memory_space<vmem>> -> memref<1x128xi32, #tpu.memory_space<vmem>>
        %dma_start3A_1107 = tpu.memref_squeeze %dma_start3A_1106 : memref<1x128xi32, #tpu.memory_space<vmem>> -> memref<128xi32, #tpu.memory_space<vmem>>
        %dma_start3A_1108 = arith.constant 0 : i32
        %dma_start3A_1109 = arith.constant 0 : i32
        %dma_start3A_1110 = tpu.memref_slice %arg3[%dma_start3A_1108, %dma_start3A_1109] : memref<200000x64xf32, #tpu.memory_space<hbm>> -> memref<200000x64xf32, #tpu.memory_space<hbm>>
        tpu.enqueue_indirect_dma source(%dma_start3A_1110 : memref<200000x64xf32, #tpu.memory_space<hbm>>) target(%dma_start3A_1104 : memref<128x64xf32, #tpu.memory_space<vmem>>) offsets(%dma_start3A_1107 : memref<128xi32, #tpu.memory_space<vmem>>) semaphore(%arg13 : memref<!tpu.dma_semaphore, #tpu.memory_space<semaphore_mem>>)
      } else {
      }
      %ge3A = arith.constant 4 : i32
      %ge3A_727 = arith.cmpi sge, %add3A_702, %ge3A : i32
      %convert_element_type3A_728 = arith.extui %ge3A_727 : i1 to i32
      %cond3A_729 = arith.constant 0 : i32
      %cond3A_730 = arith.cmpi ne, %convert_element_type3A_728, %cond3A_729 : i32
      scf.if %cond3A_730 {
        %dma_wait3A_979 = arith.constant 0 : i32
        %dma_wait3A_980 = arith.constant 0 : i32
        %dma_wait3A_981 = arith.constant 0 : i32
        %dma_wait3A_982 = arith.constant 0 : i32
        %dma_wait3A_983 = arith.constant 0 : i32
        %dma_wait3A_984 = arith.constant 0 : i32
        %dma_wait3A_985 = tpu.memref_slice %arg8[%dma_wait3A_979, %dma_wait3A_982, %dma_wait3A_983, %dma_wait3A_984] : memref<4x8x8x129xf32, #tpu.memory_space<vmem>> -> memref<1x8x8x128xf32, #tpu.memory_space<vmem>>
        %dma_wait3A_986 = tpu.memref_squeeze %dma_wait3A_985 : memref<1x8x8x128xf32, #tpu.memory_space<vmem>> -> memref<8x8x128xf32, #tpu.memory_space<vmem>>
        %dma_wait3A_987 = arith.constant 0 : i32
        %dma_wait3A_988 = arith.constant 0 : i32
        %dma_wait3A_989 = arith.constant 0 : i32
        %dma_wait3A_990 = tpu.memref_slice %arg5[%dma_wait3A_980, %dma_wait3A_987, %dma_wait3A_981, %dma_wait3A_988, %dma_wait3A_989] : memref<200x8x32x8x128xf32, #tpu.memory_space<hbm>> -> memref<1x8x1x8x128xf32, #tpu.memory_space<hbm>>
        %dma_wait3A_991 = tpu.memref_squeeze %dma_wait3A_990 : memref<1x8x1x8x128xf32, #tpu.memory_space<hbm>> -> memref<8x8x128xf32, #tpu.memory_space<hbm>>
        %dma_wait3A_992 = arith.constant 0 : i32
        %dma_wait3A_993 = arith.constant 0 : i32
        %dma_wait3A_994 = arith.constant 0 : i32
        %dma_wait3A_995 = tpu.memref_slice %arg5[%dma_wait3A_980, %dma_wait3A_992, %dma_wait3A_981, %dma_wait3A_993, %dma_wait3A_994] : memref<200x8x32x8x128xf32, #tpu.memory_space<hbm>> -> memref<1x8x1x8x128xf32, #tpu.memory_space<hbm>>
        %dma_wait3A_996 = tpu.memref_squeeze %dma_wait3A_995 : memref<1x8x1x8x128xf32, #tpu.memory_space<hbm>> -> memref<8x8x128xf32, #tpu.memory_space<hbm>>
        %dma_wait3A_997 = arith.constant 0 : i32
        %dma_wait3A_998 = arith.constant 0 : i32
        %dma_wait3A_999 = arith.constant 0 : i32
        %dma_wait3A_1000 = tpu.memref_slice %arg8[%dma_wait3A_979, %dma_wait3A_997, %dma_wait3A_998, %dma_wait3A_999] : memref<4x8x8x129xf32, #tpu.memory_space<vmem>> -> memref<1x8x8x128xf32, #tpu.memory_space<vmem>>
        %dma_wait3A_1001 = tpu.memref_squeeze %dma_wait3A_1000 : memref<1x8x8x128xf32, #tpu.memory_space<vmem>> -> memref<8x8x128xf32, #tpu.memory_space<vmem>>
        tpu.wait_dma2 semaphore(%arg14 : memref<!tpu.dma_semaphore, #tpu.memory_space<semaphore_mem>>) src(%dma_wait3A_1001 : memref<8x8x128xf32, #tpu.memory_space<vmem>>) dst(%dma_wait3A_996 : memref<8x8x128xf32, #tpu.memory_space<hbm>>)
      } else {
      }
      %get3A_731 = arith.index_cast %add3A_702 : i32 to index
      %get3A_732 = arith.constant 0 : index
      %get3A_733 = tpu.vector_load %arg9[%get3A_731, %get3A_732] {strides = array<i32>} : memref<200x64xf32, #tpu.memory_space<vmem>>, vector<16xf32>,
      %get3A_734 = arith.index_cast %add3A_702 : i32 to index
      %get3A_735 = arith.constant 16 : index
      %get3A_736 = tpu.vector_load %arg9[%get3A_734, %get3A_735] {strides = array<i32>} : memref<200x64xf32, #tpu.memory_space<vmem>>, vector<16xf32>,
      %get3A_737 = arith.index_cast %add3A_702 : i32 to index
      %get3A_738 = arith.constant 32 : index
      %get3A_739 = tpu.vector_load %arg9[%get3A_737, %get3A_738] {strides = array<i32>} : memref<200x64xf32, #tpu.memory_space<vmem>>, vector<16xf32>,
      %get3A_740 = arith.index_cast %add3A_702 : i32 to index
      %get3A_741 = arith.constant 48 : index
      %get3A_742 = tpu.vector_load %arg9[%get3A_740, %get3A_741] {strides = array<i32>} : memref<200x64xf32, #tpu.memory_space<vmem>>, vector<16xf32>,
      %parallel_loop3A = arith.constant 0 : i32
      %parallel_loop3A_743 = arith.constant 128 : i32
      %parallel_loop3A_744 = arith.constant 1 : i32
      scf.for %parallel_loop3A_979 = %parallel_loop3A to %parallel_loop3A_743 step %parallel_loop3A_744  : i32 {
        %parallel_loop3A_980 = vector.broadcast %parallel_loop3A_979 : i32 to vector<16xi32>
        %parallel_loop3A_981 = arith.constant 0 : i32
        %parallel_loop3A_982 = arith.index_cast %parallel_loop3A_981 : i32 to index
        %parallel_loop3A_983 = arith.index_cast %parallel_loop3A_979 : i32 to index
        %parallel_loop3A_984 = arith.constant 0 : index
        %parallel_loop3A_985 = tpu.vector_load %arg7[%parallel_loop3A_982, %parallel_loop3A_983, %parallel_loop3A_984] {strides = array<i32>} : memref<4x128x64xf32, #tpu.memory_space<vmem>>, vector<16xf32>,
        %parallel_loop3A_986 = arith.addf %parallel_loop3A_985, %get3A_733 : vector<16xf32>
        %parallel_loop3A_987 = arith.constant 0 : i32
        %parallel_loop3A_988 = arith.constant 0 : i32
        %parallel_loop3A_989 = arith.constant 0 : i32
        %parallel_loop3A_990 = arith.constant 0 : i32
        %parallel_loop3A_991 = tpu.memref_slice %arg8[%parallel_loop3A_987, %parallel_loop3A_988, %parallel_loop3A_989, %parallel_loop3A_990] : memref<4x8x8x129xf32, #tpu.memory_space<vmem>> -> memref<1x8x8x129xf32, #tpu.memory_space<vmem>>
        %parallel_loop3A_992 = tpu.memref_squeeze %parallel_loop3A_991 : memref<1x8x8x129xf32, #tpu.memory_space<vmem>> -> memref<8x8x129xf32, #tpu.memory_space<vmem>>
        tpu.vector_store_idx %parallel_loop3A_992[%add3A_26, %select_n3A_148, %parallel_loop3A_980], %parallel_loop3A_986 : memref<8x8x129xf32, #tpu.memory_space<vmem>>[vector<16xi32>, vector<16xi32>, vector<16xi32>], vector<16xf32>,
        %parallel_loop3A_993 = arith.constant 0 : i32
        %parallel_loop3A_994 = arith.index_cast %parallel_loop3A_993 : i32 to index
        %parallel_loop3A_995 = arith.index_cast %parallel_loop3A_979 : i32 to index
        %parallel_loop3A_996 = arith.constant 16 : index
        %parallel_loop3A_997 = tpu.vector_load %arg7[%parallel_loop3A_994, %parallel_loop3A_995, %parallel_loop3A_996] {strides = array<i32>} : memref<4x128x64xf32, #tpu.memory_space<vmem>>, vector<16xf32>,
        %parallel_loop3A_998 = arith.addf %parallel_loop3A_997, %get3A_736 : vector<16xf32>
        %parallel_loop3A_999 = arith.constant 0 : i32
        %parallel_loop3A_1000 = arith.constant 0 : i32
        %parallel_loop3A_1001 = arith.constant 0 : i32
        %parallel_loop3A_1002 = arith.constant 0 : i32
        %parallel_loop3A_1003 = tpu.memref_slice %arg8[%parallel_loop3A_999, %parallel_loop3A_1000, %parallel_loop3A_1001, %parallel_loop3A_1002] : memref<4x8x8x129xf32, #tpu.memory_space<vmem>> -> memref<1x8x8x129xf32, #tpu.memory_space<vmem>>
        %parallel_loop3A_1004 = tpu.memref_squeeze %parallel_loop3A_1003 : memref<1x8x8x129xf32, #tpu.memory_space<vmem>> -> memref<8x8x129xf32, #tpu.memory_space<vmem>>
        tpu.vector_store_idx %parallel_loop3A_1004[%add3A_60, %select_n3A_148, %parallel_loop3A_980], %parallel_loop3A_998 : memref<8x8x129xf32, #tpu.memory_space<vmem>>[vector<16xi32>, vector<16xi32>, vector<16xi32>], vector<16xf32>,
        %parallel_loop3A_1005 = arith.constant 0 : i32
        %parallel_loop3A_1006 = arith.index_cast %parallel_loop3A_1005 : i32 to index
        %parallel_loop3A_1007 = arith.index_cast %parallel_loop3A_979 : i32 to index
        %parallel_loop3A_1008 = arith.constant 32 : index
        %parallel_loop3A_1009 = tpu.vector_load %arg7[%parallel_loop3A_1006, %parallel_loop3A_1007, %parallel_loop3A_1008] {strides = array<i32>} : memref<4x128x64xf32, #tpu.memory_space<vmem>>, vector<16xf32>,
        %parallel_loop3A_1010 = arith.addf %parallel_loop3A_1009, %get3A_739 : vector<16xf32>
        %parallel_loop3A_1011 = arith.constant 0 : i32
        %parallel_loop3A_1012 = arith.constant 0 : i32
        %parallel_loop3A_1013 = arith.constant 0 : i32
        %parallel_loop3A_1014 = arith.constant 0 : i32
        %parallel_loop3A_1015 = tpu.memref_slice %arg8[%parallel_loop3A_1011, %parallel_loop3A_1012, %parallel_loop3A_1013, %parallel_loop3A_1014] : memref<4x8x8x129xf32, #tpu.memory_space<vmem>> -> memref<1x8x8x129xf32, #tpu.memory_space<vmem>>
        %parallel_loop3A_1016 = tpu.memref_squeeze %parallel_loop3A_1015 : memref<1x8x8x129xf32, #tpu.memory_space<vmem>> -> memref<8x8x129xf32, #tpu.memory_space<vmem>>
        tpu.vector_store_idx %parallel_loop3A_1016[%add3A_94, %select_n3A_148, %parallel_loop3A_980], %parallel_loop3A_1010 : memref<8x8x129xf32, #tpu.memory_space<vmem>>[vector<16xi32>, vector<16xi32>, vector<16xi32>], vector<16xf32>,
        %parallel_loop3A_1017 = arith.constant 0 : i32
        %parallel_loop3A_1018 = arith.index_cast %parallel_loop3A_1017 : i32 to index
        %parallel_loop3A_1019 = arith.index_cast %parallel_loop3A_979 : i32 to index
        %parallel_loop3A_1020 = arith.constant 48 : index
        %parallel_loop3A_1021 = tpu.vector_load %arg7[%parallel_loop3A_1018, %parallel_loop3A_1019, %parallel_loop3A_1020] {strides = array<i32>} : memref<4x128x64xf32, #tpu.memory_space<vmem>>, vector<16xf32>,
        %parallel_loop3A_1022 = arith.addf %parallel_loop3A_1021, %get3A_742 : vector<16xf32>
        %parallel_loop3A_1023 = arith.constant 0 : i32
        %parallel_loop3A_1024 = arith.constant 0 : i32
        %parallel_loop3A_1025 = arith.constant 0 : i32
        %parallel_loop3A_1026 = arith.constant 0 : i32
        %parallel_loop3A_1027 = tpu.memref_slice %arg8[%parallel_loop3A_1023, %parallel_loop3A_1024, %parallel_loop3A_1025, %parallel_loop3A_1026] : memref<4x8x8x129xf32, #tpu.memory_space<vmem>> -> memref<1x8x8x129xf32, #tpu.memory_space<vmem>>
        %parallel_loop3A_1028 = tpu.memref_squeeze %parallel_loop3A_1027 : memref<1x8x8x129xf32, #tpu.memory_space<vmem>> -> memref<8x8x129xf32, #tpu.memory_space<vmem>>
        tpu.vector_store_idx %parallel_loop3A_1028[%add3A_128, %select_n3A_148, %parallel_loop3A_980], %parallel_loop3A_1022 : memref<8x8x129xf32, #tpu.memory_space<vmem>>[vector<16xi32>, vector<16xi32>, vector<16xi32>], vector<16xf32>,
      } {sc.loop_unroll_factor = 4 : i64, sc.parallel_access}
      %dma_start3A_745 = arith.constant 0 : i32
      %dma_start3A_746 = arith.constant 0 : i32
      %dma_start3A_747 = arith.constant 0 : i32
      %dma_start3A_748 = arith.constant 0 : i32
      %dma_start3A_749 = tpu.memref_slice %arg8[%dma_start3A_745, %dma_start3A_746, %dma_start3A_747, %dma_start3A_748] : memref<4x8x8x129xf32, #tpu.memory_space<vmem>> -> memref<1x8x8x128xf32, #tpu.memory_space<vmem>>
      %dma_start3A_750 = tpu.memref_squeeze %dma_start3A_749 : memref<1x8x8x128xf32, #tpu.memory_space<vmem>> -> memref<8x8x128xf32, #tpu.memory_space<vmem>>
      %dma_start3A_751 = arith.constant 0 : i32
      %dma_start3A_752 = arith.constant 0 : i32
      %dma_start3A_753 = arith.constant 0 : i32
      %dma_start3A_754 = tpu.memref_slice %arg5[%add3A_702, %dma_start3A_751, %add3A, %dma_start3A_752, %dma_start3A_753] : memref<200x8x32x8x128xf32, #tpu.memory_space<hbm>> -> memref<1x8x1x8x128xf32, #tpu.memory_space<hbm>>
      %dma_start3A_755 = tpu.memref_squeeze %dma_start3A_754 : memref<1x8x1x8x128xf32, #tpu.memory_space<hbm>> -> memref<8x8x128xf32, #tpu.memory_space<hbm>>
      %dma_start3A_756 = arith.constant 0 : i32
      %dma_start3A_757 = arith.constant 0 : i32
      %dma_start3A_758 = arith.constant 0 : i32
      %dma_start3A_759 = tpu.memref_slice %arg5[%add3A_702, %dma_start3A_756, %add3A, %dma_start3A_757, %dma_start3A_758] : memref<200x8x32x8x128xf32, #tpu.memory_space<hbm>> -> memref<1x8x1x8x128xf32, #tpu.memory_space<hbm>>
      %dma_start3A_760 = tpu.memref_squeeze %dma_start3A_759 : memref<1x8x1x8x128xf32, #tpu.memory_space<hbm>> -> memref<8x8x128xf32, #tpu.memory_space<hbm>>
      %dma_start3A_761 = arith.constant 0 : i32
      %dma_start3A_762 = arith.constant 0 : i32
      %dma_start3A_763 = arith.constant 0 : i32
      %dma_start3A_764 = tpu.memref_slice %arg8[%dma_start3A_745, %dma_start3A_761, %dma_start3A_762, %dma_start3A_763] : memref<4x8x8x129xf32, #tpu.memory_space<vmem>> -> memref<1x8x8x128xf32, #tpu.memory_space<vmem>>
      %dma_start3A_765 = tpu.memref_squeeze %dma_start3A_764 : memref<1x8x8x128xf32, #tpu.memory_space<vmem>> -> memref<8x8x128xf32, #tpu.memory_space<vmem>>
      tpu.enqueue_dma source(%dma_start3A_765 : memref<8x8x128xf32, #tpu.memory_space<vmem>>) target(%dma_start3A_760 : memref<8x8x128xf32, #tpu.memory_space<hbm>>) target_semaphore(%arg14 : memref<!tpu.dma_semaphore, #tpu.memory_space<semaphore_mem>>)
      %mul3A_766 = arith.constant 4 : i32
      %mul3A_767 = arith.muli %scan3A_698, %mul3A_766 : i32
      %add3A_768 = arith.constant 1 : i32
      %add3A_769 = arith.addi %mul3A_767, %add3A_768 : i32
      %dma_wait3A_770 = arith.constant 1 : i32
      %dma_wait3A_771 = arith.constant 1 : i32
      %dma_wait3A_772 = arith.constant 0 : i32
      %dma_wait3A_773 = arith.constant 0 : i32
      %dma_wait3A_774 = tpu.memref_slice %arg7[%dma_wait3A_771, %dma_wait3A_772, %dma_wait3A_773] : memref<4x128x64xf32, #tpu.memory_space<vmem>> -> memref<1x128x64xf32, #tpu.memory_space<vmem>>
      %dma_wait3A_775 = tpu.memref_squeeze %dma_wait3A_774 : memref<1x128x64xf32, #tpu.memory_space<vmem>> -> memref<128x64xf32, #tpu.memory_space<vmem>>
      %dma_wait3A_776 = arith.constant 0 : i32
      %dma_wait3A_777 = tpu.memref_slice %arg6[%dma_wait3A_770, %dma_wait3A_776] : memref<4x128xi32, #tpu.memory_space<vmem>> -> memref<1x128xi32, #tpu.memory_space<vmem>>
      %dma_wait3A_778 = tpu.memref_squeeze %dma_wait3A_777 : memref<1x128xi32, #tpu.memory_space<vmem>> -> memref<128xi32, #tpu.memory_space<vmem>>
      %dma_wait3A_779 = arith.constant 0 : i32
      %dma_wait3A_780 = arith.constant 0 : i32
      %dma_wait3A_781 = tpu.memref_slice %arg3[%dma_wait3A_779, %dma_wait3A_780] : memref<200000x64xf32, #tpu.memory_space<hbm>> -> memref<200000x64xf32, #tpu.memory_space<hbm>>
      tpu.wait_indirect_dma semaphore(%arg11 : memref<!tpu.dma_semaphore, #tpu.memory_space<semaphore_mem>>) src(%dma_wait3A_781 : memref<200000x64xf32, #tpu.memory_space<hbm>>) dst(%dma_wait3A_775 : memref<128x64xf32, #tpu.memory_space<vmem>>)
      %add3A_782 = arith.constant 4 : i32
      %add3A_783 = arith.addi %add3A_769, %add3A_782 : i32
      %lt3A_784 = arith.constant 200 : i32
      %lt3A_785 = arith.cmpi slt, %add3A_783, %lt3A_784 : i32
      %convert_element_type3A_786 = arith.extui %lt3A_785 : i1 to i32
      %cond3A_787 = arith.constant 0 : i32
      %cond3A_788 = arith.cmpi ne, %convert_element_type3A_786, %cond3A_787 : i32
      scf.if %cond3A_788 {
        %add3A_979 = arith.constant 4 : i32
        %add3A_980 = arith.addi %add3A_769, %add3A_979 : i32
        %jit3A_981 = arith.constant 8 : i32
        %div3A_982 = arith.divsi %add3A_980, %jit3A_981 : i32
        %sign3A_983 = arith.constant 0 : i32
        %sign3A_984 = arith.cmpi sgt, %add3A_980, %sign3A_983 : i32
        %sign3A_985 = arith.extui %sign3A_984 : i1 to i32
        %sign3A_986 = arith.constant 0 : i32
        %sign3A_987 = arith.cmpi slt, %add3A_980, %sign3A_986 : i32
        %sign3A_988 = arith.extui %sign3A_987 : i1 to i32
        %sign3A_989 = arith.subi %sign3A_985, %sign3A_988 : i32
        %sign3A_990 = arith.constant 0 : i32
        %sign3A_991 = arith.cmpi sgt, %jit3A_981, %sign3A_990 : i32
        %sign3A_992 = arith.extui %sign3A_991 : i1 to i32
        %sign3A_993 = arith.constant 0 : i32
        %sign3A_994 = arith.cmpi slt, %jit3A_981, %sign3A_993 : i32
        %sign3A_995 = arith.extui %sign3A_994 : i1 to i32
        %sign3A_996 = arith.subi %sign3A_992, %sign3A_995 : i32
        %ne3A_997 = arith.cmpi ne, %sign3A_989, %sign3A_996 : i32
        %rem3A_998 = arith.remsi %add3A_980, %jit3A_981 : i32
        %ne3A_999 = arith.constant 0 : i32
        %ne3A_1000 = arith.cmpi ne, %rem3A_998, %ne3A_999 : i32
        %and3A_1001 = arith.andi %ne3A_997, %ne3A_1000 : i1
        %sub3A_1002 = arith.constant 1 : i32
        %sub3A_1003 = arith.subi %div3A_982, %sub3A_1002 : i32
        %select_n3A_1004 = arith.select %and3A_1001, %sub3A_1003, %div3A_982 : i32
        %jit3A_1005 = arith.constant 8 : i32
        %eq3A_1006 = arith.constant 0 : i32
        %eq3A_1007 = arith.cmpi eq, %jit3A_1005, %eq3A_1006 : i32
        %jit3A_1008 = arith.constant 1 : i32
        %select_n3A_1009 = arith.select %eq3A_1007, %jit3A_1008, %jit3A_1005 : i32
        %rem3A_1010 = arith.remsi %add3A_980, %select_n3A_1009 : i32
        %ne3A_1011 = arith.constant 0 : i32
        %ne3A_1012 = arith.cmpi ne, %rem3A_1010, %ne3A_1011 : i32
        %lt3A_1013 = arith.constant 0 : i32
        %lt3A_1014 = arith.cmpi slt, %rem3A_1010, %lt3A_1013 : i32
        %lt3A_1015 = arith.constant 0 : i32
        %lt3A_1016 = arith.cmpi slt, %select_n3A_1009, %lt3A_1015 : i32
        %ne3A_1017 = arith.xori %lt3A_1014, %lt3A_1016 : i1
        %and3A_1018 = arith.andi %ne3A_1017, %ne3A_1012 : i1
        %add3A_1019 = arith.addi %rem3A_1010, %select_n3A_1009 : i32
        %select_n3A_1020 = arith.select %and3A_1018, %add3A_1019, %rem3A_1010 : i32
        %dma_start3A_1021 = arith.constant 1 : i32
        %dma_start3A_1022 = arith.constant 0 : i32
        %dma_start3A_1023 = tpu.memref_slice %arg6[%dma_start3A_1021, %dma_start3A_1022] : memref<4x128xi32, #tpu.memory_space<vmem>> -> memref<1x128xi32, #tpu.memory_space<vmem>>
        %dma_start3A_1024 = tpu.memref_squeeze %dma_start3A_1023 : memref<1x128xi32, #tpu.memory_space<vmem>> -> memref<128xi32, #tpu.memory_space<vmem>>
        %dma_start3A_1025 = arith.constant 0 : i32
        %dma_start3A_1026 = tpu.memref_slice %arg2[%select_n3A_1004, %add3A, %select_n3A_1020, %dma_start3A_1025] : memref<25x32x8x128xi32, #tpu.memory_space<hbm>> -> memref<1x1x1x128xi32, #tpu.memory_space<hbm>>
        %dma_start3A_1027 = tpu.memref_squeeze %dma_start3A_1026 : memref<1x1x1x128xi32, #tpu.memory_space<hbm>> -> memref<128xi32, #tpu.memory_space<hbm>>
        %dma_start3A_1028 = arith.constant 0 : i32
        %dma_start3A_1029 = tpu.memref_slice %arg6[%dma_start3A_1021, %dma_start3A_1028] : memref<4x128xi32, #tpu.memory_space<vmem>> -> memref<1x128xi32, #tpu.memory_space<vmem>>
        %dma_start3A_1030 = tpu.memref_squeeze %dma_start3A_1029 : memref<1x128xi32, #tpu.memory_space<vmem>> -> memref<128xi32, #tpu.memory_space<vmem>>
        %dma_start3A_1031 = arith.constant 0 : i32
        %dma_start3A_1032 = tpu.memref_slice %arg2[%select_n3A_1004, %add3A, %select_n3A_1020, %dma_start3A_1031] : memref<25x32x8x128xi32, #tpu.memory_space<hbm>> -> memref<1x1x1x128xi32, #tpu.memory_space<hbm>>
        %dma_start3A_1033 = tpu.memref_squeeze %dma_start3A_1032 : memref<1x1x1x128xi32, #tpu.memory_space<hbm>> -> memref<128xi32, #tpu.memory_space<hbm>>
        tpu.enqueue_dma source(%dma_start3A_1033 : memref<128xi32, #tpu.memory_space<hbm>>) target(%dma_start3A_1030 : memref<128xi32, #tpu.memory_space<vmem>>) target_semaphore(%arg19 : memref<!tpu.dma_semaphore, #tpu.memory_space<semaphore_mem>>)
      } else {
      }
      %add3A_789 = arith.constant 3 : i32
      %add3A_790 = arith.addi %add3A_769, %add3A_789 : i32
      %lt3A_791 = arith.constant 200 : i32
      %lt3A_792 = arith.cmpi slt, %add3A_790, %lt3A_791 : i32
      %convert_element_type3A_793 = arith.extui %lt3A_792 : i1 to i32
      %cond3A_794 = arith.constant 0 : i32
      %cond3A_795 = arith.cmpi ne, %convert_element_type3A_793, %cond3A_794 : i32
      scf.if %cond3A_795 {
        %dma_wait3A_979 = arith.constant 0 : i32
        %dma_wait3A_980 = arith.constant 0 : i32
        %dma_wait3A_981 = arith.constant 0 : i32
        %dma_wait3A_982 = arith.constant 0 : i32
        %dma_wait3A_983 = arith.constant 0 : i32
        %dma_wait3A_984 = tpu.memref_slice %arg6[%dma_wait3A_982, %dma_wait3A_983] : memref<4x128xi32, #tpu.memory_space<vmem>> -> memref<1x128xi32, #tpu.memory_space<vmem>>
        %dma_wait3A_985 = tpu.memref_squeeze %dma_wait3A_984 : memref<1x128xi32, #tpu.memory_space<vmem>> -> memref<128xi32, #tpu.memory_space<vmem>>
        %dma_wait3A_986 = arith.constant 0 : i32
        %dma_wait3A_987 = tpu.memref_slice %arg2[%dma_wait3A_979, %dma_wait3A_980, %dma_wait3A_981, %dma_wait3A_986] : memref<25x32x8x128xi32, #tpu.memory_space<hbm>> -> memref<1x1x1x128xi32, #tpu.memory_space<hbm>>
        %dma_wait3A_988 = tpu.memref_squeeze %dma_wait3A_987 : memref<1x1x1x128xi32, #tpu.memory_space<hbm>> -> memref<128xi32, #tpu.memory_space<hbm>>
        %dma_wait3A_989 = arith.constant 0 : i32
        %dma_wait3A_990 = tpu.memref_slice %arg6[%dma_wait3A_982, %dma_wait3A_989] : memref<4x128xi32, #tpu.memory_space<vmem>> -> memref<1x128xi32, #tpu.memory_space<vmem>>
        %dma_wait3A_991 = tpu.memref_squeeze %dma_wait3A_990 : memref<1x128xi32, #tpu.memory_space<vmem>> -> memref<128xi32, #tpu.memory_space<vmem>>
        %dma_wait3A_992 = arith.constant 0 : i32
        %dma_wait3A_993 = tpu.memref_slice %arg2[%dma_wait3A_979, %dma_wait3A_980, %dma_wait3A_981, %dma_wait3A_992] : memref<25x32x8x128xi32, #tpu.memory_space<hbm>> -> memref<1x1x1x128xi32, #tpu.memory_space<hbm>>
        %dma_wait3A_994 = tpu.memref_squeeze %dma_wait3A_993 : memref<1x1x1x128xi32, #tpu.memory_space<hbm>> -> memref<128xi32, #tpu.memory_space<hbm>>
        tpu.wait_dma2 semaphore(%arg18 : memref<!tpu.dma_semaphore, #tpu.memory_space<semaphore_mem>>) src(%dma_wait3A_994 : memref<128xi32, #tpu.memory_space<hbm>>) dst(%dma_wait3A_991 : memref<128xi32, #tpu.memory_space<vmem>>)
        %get3A_995 = arith.constant 0 : i32
        %get3A_996 = arith.index_cast %get3A_995 : i32 to index
        %get3A_997 = arith.constant 0 : index
        %get3A_998 = tpu.vector_load %arg6[%get3A_996, %get3A_997] {strides = array<i32>} : memref<4x128xi32, #tpu.memory_space<vmem>>, vector<16xi32>,
        %get3A_999 = arith.constant 0 : i32
        %get3A_1000 = arith.index_cast %get3A_999 : i32 to index
        %get3A_1001 = arith.constant 0 : index
        %get3A_1002 = tpu.vector_load %arg6[%get3A_1000, %get3A_1001] {strides = array<i32>} : memref<4x128xi32, #tpu.memory_space<vmem>>, vector<16xi32>,
        %add3A_1003 = arith.addi %get3A_998, %get3A_1002 : vector<16xi32>
        %swap3A_1004 = arith.constant 0 : i32
        %swap3A_1005 = arith.index_cast %swap3A_1004 : i32 to index
        %swap3A_1006 = arith.constant 0 : index
        %swap3A_1007 = tpu.vector_load %arg6[%swap3A_1005, %swap3A_1006] {strides = array<i32>} : memref<4x128xi32, #tpu.memory_space<vmem>>, vector<16xi32>,
        tpu.vector_store %arg6[%swap3A_1005, %swap3A_1006], %add3A_1003 {strides = array<i32>} : memref<4x128xi32, #tpu.memory_space<vmem>>, vector<16xi32>,
        %get3A_1008 = arith.constant 0 : i32
        %get3A_1009 = arith.index_cast %get3A_1008 : i32 to index
        %get3A_1010 = arith.constant 16 : index
        %get3A_1011 = tpu.vector_load %arg6[%get3A_1009, %get3A_1010] {strides = array<i32>} : memref<4x128xi32, #tpu.memory_space<vmem>>, vector<16xi32>,
        %get3A_1012 = arith.constant 0 : i32
        %get3A_1013 = arith.index_cast %get3A_1012 : i32 to index
        %get3A_1014 = arith.constant 16 : index
        %get3A_1015 = tpu.vector_load %arg6[%get3A_1013, %get3A_1014] {strides = array<i32>} : memref<4x128xi32, #tpu.memory_space<vmem>>, vector<16xi32>,
        %add3A_1016 = arith.addi %get3A_1011, %get3A_1015 : vector<16xi32>
        %swap3A_1017 = arith.constant 0 : i32
        %swap3A_1018 = arith.index_cast %swap3A_1017 : i32 to index
        %swap3A_1019 = arith.constant 16 : index
        %swap3A_1020 = tpu.vector_load %arg6[%swap3A_1018, %swap3A_1019] {strides = array<i32>} : memref<4x128xi32, #tpu.memory_space<vmem>>, vector<16xi32>,
        tpu.vector_store %arg6[%swap3A_1018, %swap3A_1019], %add3A_1016 {strides = array<i32>} : memref<4x128xi32, #tpu.memory_space<vmem>>, vector<16xi32>,
        %get3A_1021 = arith.constant 0 : i32
        %get3A_1022 = arith.index_cast %get3A_1021 : i32 to index
        %get3A_1023 = arith.constant 32 : index
        %get3A_1024 = tpu.vector_load %arg6[%get3A_1022, %get3A_1023] {strides = array<i32>} : memref<4x128xi32, #tpu.memory_space<vmem>>, vector<16xi32>,
        %get3A_1025 = arith.constant 0 : i32
        %get3A_1026 = arith.index_cast %get3A_1025 : i32 to index
        %get3A_1027 = arith.constant 32 : index
        %get3A_1028 = tpu.vector_load %arg6[%get3A_1026, %get3A_1027] {strides = array<i32>} : memref<4x128xi32, #tpu.memory_space<vmem>>, vector<16xi32>,
        %add3A_1029 = arith.addi %get3A_1024, %get3A_1028 : vector<16xi32>
        %swap3A_1030 = arith.constant 0 : i32
        %swap3A_1031 = arith.index_cast %swap3A_1030 : i32 to index
        %swap3A_1032 = arith.constant 32 : index
        %swap3A_1033 = tpu.vector_load %arg6[%swap3A_1031, %swap3A_1032] {strides = array<i32>} : memref<4x128xi32, #tpu.memory_space<vmem>>, vector<16xi32>,
        tpu.vector_store %arg6[%swap3A_1031, %swap3A_1032], %add3A_1029 {strides = array<i32>} : memref<4x128xi32, #tpu.memory_space<vmem>>, vector<16xi32>,
        %get3A_1034 = arith.constant 0 : i32
        %get3A_1035 = arith.index_cast %get3A_1034 : i32 to index
        %get3A_1036 = arith.constant 48 : index
        %get3A_1037 = tpu.vector_load %arg6[%get3A_1035, %get3A_1036] {strides = array<i32>} : memref<4x128xi32, #tpu.memory_space<vmem>>, vector<16xi32>,
        %get3A_1038 = arith.constant 0 : i32
        %get3A_1039 = arith.index_cast %get3A_1038 : i32 to index
        %get3A_1040 = arith.constant 48 : index
        %get3A_1041 = tpu.vector_load %arg6[%get3A_1039, %get3A_1040] {strides = array<i32>} : memref<4x128xi32, #tpu.memory_space<vmem>>, vector<16xi32>,
        %add3A_1042 = arith.addi %get3A_1037, %get3A_1041 : vector<16xi32>
        %swap3A_1043 = arith.constant 0 : i32
        %swap3A_1044 = arith.index_cast %swap3A_1043 : i32 to index
        %swap3A_1045 = arith.constant 48 : index
        %swap3A_1046 = tpu.vector_load %arg6[%swap3A_1044, %swap3A_1045] {strides = array<i32>} : memref<4x128xi32, #tpu.memory_space<vmem>>, vector<16xi32>,
        tpu.vector_store %arg6[%swap3A_1044, %swap3A_1045], %add3A_1042 {strides = array<i32>} : memref<4x128xi32, #tpu.memory_space<vmem>>, vector<16xi32>,
        %get3A_1047 = arith.constant 0 : i32
        %get3A_1048 = arith.index_cast %get3A_1047 : i32 to index
        %get3A_1049 = arith.constant 64 : index
        %get3A_1050 = tpu.vector_load %arg6[%get3A_1048, %get3A_1049] {strides = array<i32>} : memref<4x128xi32, #tpu.memory_space<vmem>>, vector<16xi32>,
        %get3A_1051 = arith.constant 0 : i32
        %get3A_1052 = arith.index_cast %get3A_1051 : i32 to index
        %get3A_1053 = arith.constant 64 : index
        %get3A_1054 = tpu.vector_load %arg6[%get3A_1052, %get3A_1053] {strides = array<i32>} : memref<4x128xi32, #tpu.memory_space<vmem>>, vector<16xi32>,
        %add3A_1055 = arith.addi %get3A_1050, %get3A_1054 : vector<16xi32>
        %swap3A_1056 = arith.constant 0 : i32
        %swap3A_1057 = arith.index_cast %swap3A_1056 : i32 to index
        %swap3A_1058 = arith.constant 64 : index
        %swap3A_1059 = tpu.vector_load %arg6[%swap3A_1057, %swap3A_1058] {strides = array<i32>} : memref<4x128xi32, #tpu.memory_space<vmem>>, vector<16xi32>,
        tpu.vector_store %arg6[%swap3A_1057, %swap3A_1058], %add3A_1055 {strides = array<i32>} : memref<4x128xi32, #tpu.memory_space<vmem>>, vector<16xi32>,
        %get3A_1060 = arith.constant 0 : i32
        %get3A_1061 = arith.index_cast %get3A_1060 : i32 to index
        %get3A_1062 = arith.constant 80 : index
        %get3A_1063 = tpu.vector_load %arg6[%get3A_1061, %get3A_1062] {strides = array<i32>} : memref<4x128xi32, #tpu.memory_space<vmem>>, vector<16xi32>,
        %get3A_1064 = arith.constant 0 : i32
        %get3A_1065 = arith.index_cast %get3A_1064 : i32 to index
        %get3A_1066 = arith.constant 80 : index
        %get3A_1067 = tpu.vector_load %arg6[%get3A_1065, %get3A_1066] {strides = array<i32>} : memref<4x128xi32, #tpu.memory_space<vmem>>, vector<16xi32>,
        %add3A_1068 = arith.addi %get3A_1063, %get3A_1067 : vector<16xi32>
        %swap3A_1069 = arith.constant 0 : i32
        %swap3A_1070 = arith.index_cast %swap3A_1069 : i32 to index
        %swap3A_1071 = arith.constant 80 : index
        %swap3A_1072 = tpu.vector_load %arg6[%swap3A_1070, %swap3A_1071] {strides = array<i32>} : memref<4x128xi32, #tpu.memory_space<vmem>>, vector<16xi32>,
        tpu.vector_store %arg6[%swap3A_1070, %swap3A_1071], %add3A_1068 {strides = array<i32>} : memref<4x128xi32, #tpu.memory_space<vmem>>, vector<16xi32>,
        %get3A_1073 = arith.constant 0 : i32
        %get3A_1074 = arith.index_cast %get3A_1073 : i32 to index
        %get3A_1075 = arith.constant 96 : index
        %get3A_1076 = tpu.vector_load %arg6[%get3A_1074, %get3A_1075] {strides = array<i32>} : memref<4x128xi32, #tpu.memory_space<vmem>>, vector<16xi32>,
        %get3A_1077 = arith.constant 0 : i32
        %get3A_1078 = arith.index_cast %get3A_1077 : i32 to index
        %get3A_1079 = arith.constant 96 : index
        %get3A_1080 = tpu.vector_load %arg6[%get3A_1078, %get3A_1079] {strides = array<i32>} : memref<4x128xi32, #tpu.memory_space<vmem>>, vector<16xi32>,
        %add3A_1081 = arith.addi %get3A_1076, %get3A_1080 : vector<16xi32>
        %swap3A_1082 = arith.constant 0 : i32
        %swap3A_1083 = arith.index_cast %swap3A_1082 : i32 to index
        %swap3A_1084 = arith.constant 96 : index
        %swap3A_1085 = tpu.vector_load %arg6[%swap3A_1083, %swap3A_1084] {strides = array<i32>} : memref<4x128xi32, #tpu.memory_space<vmem>>, vector<16xi32>,
        tpu.vector_store %arg6[%swap3A_1083, %swap3A_1084], %add3A_1081 {strides = array<i32>} : memref<4x128xi32, #tpu.memory_space<vmem>>, vector<16xi32>,
        %get3A_1086 = arith.constant 0 : i32
        %get3A_1087 = arith.index_cast %get3A_1086 : i32 to index
        %get3A_1088 = arith.constant 112 : index
        %get3A_1089 = tpu.vector_load %arg6[%get3A_1087, %get3A_1088] {strides = array<i32>} : memref<4x128xi32, #tpu.memory_space<vmem>>, vector<16xi32>,
        %get3A_1090 = arith.constant 0 : i32
        %get3A_1091 = arith.index_cast %get3A_1090 : i32 to index
        %get3A_1092 = arith.constant 112 : index
        %get3A_1093 = tpu.vector_load %arg6[%get3A_1091, %get3A_1092] {strides = array<i32>} : memref<4x128xi32, #tpu.memory_space<vmem>>, vector<16xi32>,
        %add3A_1094 = arith.addi %get3A_1089, %get3A_1093 : vector<16xi32>
        %swap3A_1095 = arith.constant 0 : i32
        %swap3A_1096 = arith.index_cast %swap3A_1095 : i32 to index
        %swap3A_1097 = arith.constant 112 : index
        %swap3A_1098 = tpu.vector_load %arg6[%swap3A_1096, %swap3A_1097] {strides = array<i32>} : memref<4x128xi32, #tpu.memory_space<vmem>>, vector<16xi32>,
        tpu.vector_store %arg6[%swap3A_1096, %swap3A_1097], %add3A_1094 {strides = array<i32>} : memref<4x128xi32, #tpu.memory_space<vmem>>, vector<16xi32>,
        %dma_start3A_1099 = arith.constant 0 : i32
        %dma_start3A_1100 = arith.constant 0 : i32
        %dma_start3A_1101 = arith.constant 0 : i32
        %dma_start3A_1102 = arith.constant 0 : i32
        %dma_start3A_1103 = tpu.memref_slice %arg7[%dma_start3A_1100, %dma_start3A_1101, %dma_start3A_1102] : memref<4x128x64xf32, #tpu.memory_space<vmem>> -> memref<1x128x64xf32, #tpu.memory_space<vmem>>
        %dma_start3A_1104 = tpu.memref_squeeze %dma_start3A_1103 : memref<1x128x64xf32, #tpu.memory_space<vmem>> -> memref<128x64xf32, #tpu.memory_space<vmem>>
        %dma_start3A_1105 = arith.constant 0 : i32
        %dma_start3A_1106 = tpu.memref_slice %arg6[%dma_start3A_1099, %dma_start3A_1105] : memref<4x128xi32, #tpu.memory_space<vmem>> -> memref<1x128xi32, #tpu.memory_space<vmem>>
        %dma_start3A_1107 = tpu.memref_squeeze %dma_start3A_1106 : memref<1x128xi32, #tpu.memory_space<vmem>> -> memref<128xi32, #tpu.memory_space<vmem>>
        %dma_start3A_1108 = arith.constant 0 : i32
        %dma_start3A_1109 = arith.constant 0 : i32
        %dma_start3A_1110 = tpu.memref_slice %arg3[%dma_start3A_1108, %dma_start3A_1109] : memref<200000x64xf32, #tpu.memory_space<hbm>> -> memref<200000x64xf32, #tpu.memory_space<hbm>>
        tpu.enqueue_indirect_dma source(%dma_start3A_1110 : memref<200000x64xf32, #tpu.memory_space<hbm>>) target(%dma_start3A_1104 : memref<128x64xf32, #tpu.memory_space<vmem>>) offsets(%dma_start3A_1107 : memref<128xi32, #tpu.memory_space<vmem>>) semaphore(%arg10 : memref<!tpu.dma_semaphore, #tpu.memory_space<semaphore_mem>>)
      } else {
      }
      %ge3A_796 = arith.constant 4 : i32
      %ge3A_797 = arith.cmpi sge, %add3A_769, %ge3A_796 : i32
      %convert_element_type3A_798 = arith.extui %ge3A_797 : i1 to i32
      %cond3A_799 = arith.constant 0 : i32
      %cond3A_800 = arith.cmpi ne, %convert_element_type3A_798, %cond3A_799 : i32
      scf.if %cond3A_800 {
        %dma_wait3A_979 = arith.constant 1 : i32
        %dma_wait3A_980 = arith.constant 0 : i32
        %dma_wait3A_981 = arith.constant 0 : i32
        %dma_wait3A_982 = arith.constant 0 : i32
        %dma_wait3A_983 = arith.constant 0 : i32
        %dma_wait3A_984 = arith.constant 0 : i32
        %dma_wait3A_985 = tpu.memref_slice %arg8[%dma_wait3A_979, %dma_wait3A_982, %dma_wait3A_983, %dma_wait3A_984] : memref<4x8x8x129xf32, #tpu.memory_space<vmem>> -> memref<1x8x8x128xf32, #tpu.memory_space<vmem>>
        %dma_wait3A_986 = tpu.memref_squeeze %dma_wait3A_985 : memref<1x8x8x128xf32, #tpu.memory_space<vmem>> -> memref<8x8x128xf32, #tpu.memory_space<vmem>>
        %dma_wait3A_987 = arith.constant 0 : i32
        %dma_wait3A_988 = arith.constant 0 : i32
        %dma_wait3A_989 = arith.constant 0 : i32
        %dma_wait3A_990 = tpu.memref_slice %arg5[%dma_wait3A_980, %dma_wait3A_987, %dma_wait3A_981, %dma_wait3A_988, %dma_wait3A_989] : memref<200x8x32x8x128xf32, #tpu.memory_space<hbm>> -> memref<1x8x1x8x128xf32, #tpu.memory_space<hbm>>
        %dma_wait3A_991 = tpu.memref_squeeze %dma_wait3A_990 : memref<1x8x1x8x128xf32, #tpu.memory_space<hbm>> -> memref<8x8x128xf32, #tpu.memory_space<hbm>>
        %dma_wait3A_992 = arith.constant 0 : i32
        %dma_wait3A_993 = arith.constant 0 : i32
        %dma_wait3A_994 = arith.constant 0 : i32
        %dma_wait3A_995 = tpu.memref_slice %arg5[%dma_wait3A_980, %dma_wait3A_992, %dma_wait3A_981, %dma_wait3A_993, %dma_wait3A_994] : memref<200x8x32x8x128xf32, #tpu.memory_space<hbm>> -> memref<1x8x1x8x128xf32, #tpu.memory_space<hbm>>
        %dma_wait3A_996 = tpu.memref_squeeze %dma_wait3A_995 : memref<1x8x1x8x128xf32, #tpu.memory_space<hbm>> -> memref<8x8x128xf32, #tpu.memory_space<hbm>>
        %dma_wait3A_997 = arith.constant 0 : i32
        %dma_wait3A_998 = arith.constant 0 : i32
        %dma_wait3A_999 = arith.constant 0 : i32
        %dma_wait3A_1000 = tpu.memref_slice %arg8[%dma_wait3A_979, %dma_wait3A_997, %dma_wait3A_998, %dma_wait3A_999] : memref<4x8x8x129xf32, #tpu.memory_space<vmem>> -> memref<1x8x8x128xf32, #tpu.memory_space<vmem>>
        %dma_wait3A_1001 = tpu.memref_squeeze %dma_wait3A_1000 : memref<1x8x8x128xf32, #tpu.memory_space<vmem>> -> memref<8x8x128xf32, #tpu.memory_space<vmem>>
        tpu.wait_dma2 semaphore(%arg15 : memref<!tpu.dma_semaphore, #tpu.memory_space<semaphore_mem>>) src(%dma_wait3A_1001 : memref<8x8x128xf32, #tpu.memory_space<vmem>>) dst(%dma_wait3A_996 : memref<8x8x128xf32, #tpu.memory_space<hbm>>)
      } else {
      }
      %get3A_801 = arith.index_cast %add3A_769 : i32 to index
      %get3A_802 = arith.constant 0 : index
      %get3A_803 = tpu.vector_load %arg9[%get3A_801, %get3A_802] {strides = array<i32>} : memref<200x64xf32, #tpu.memory_space<vmem>>, vector<16xf32>,
      %get3A_804 = arith.index_cast %add3A_769 : i32 to index
      %get3A_805 = arith.constant 16 : index
      %get3A_806 = tpu.vector_load %arg9[%get3A_804, %get3A_805] {strides = array<i32>} : memref<200x64xf32, #tpu.memory_space<vmem>>, vector<16xf32>,
      %get3A_807 = arith.index_cast %add3A_769 : i32 to index
      %get3A_808 = arith.constant 32 : index
      %get3A_809 = tpu.vector_load %arg9[%get3A_807, %get3A_808] {strides = array<i32>} : memref<200x64xf32, #tpu.memory_space<vmem>>, vector<16xf32>,
      %get3A_810 = arith.index_cast %add3A_769 : i32 to index
      %get3A_811 = arith.constant 48 : index
      %get3A_812 = tpu.vector_load %arg9[%get3A_810, %get3A_811] {strides = array<i32>} : memref<200x64xf32, #tpu.memory_space<vmem>>, vector<16xf32>,
      %parallel_loop3A_813 = arith.constant 0 : i32
      %parallel_loop3A_814 = arith.constant 128 : i32
      %parallel_loop3A_815 = arith.constant 1 : i32
      scf.for %parallel_loop3A_979 = %parallel_loop3A_813 to %parallel_loop3A_814 step %parallel_loop3A_815  : i32 {
        %parallel_loop3A_980 = vector.broadcast %parallel_loop3A_979 : i32 to vector<16xi32>
        %parallel_loop3A_981 = arith.constant 1 : i32
        %parallel_loop3A_982 = arith.index_cast %parallel_loop3A_981 : i32 to index
        %parallel_loop3A_983 = arith.index_cast %parallel_loop3A_979 : i32 to index
        %parallel_loop3A_984 = arith.constant 0 : index
        %parallel_loop3A_985 = tpu.vector_load %arg7[%parallel_loop3A_982, %parallel_loop3A_983, %parallel_loop3A_984] {strides = array<i32>} : memref<4x128x64xf32, #tpu.memory_space<vmem>>, vector<16xf32>,
        %parallel_loop3A_986 = arith.addf %parallel_loop3A_985, %get3A_803 : vector<16xf32>
        %parallel_loop3A_987 = arith.constant 1 : i32
        %parallel_loop3A_988 = arith.constant 0 : i32
        %parallel_loop3A_989 = arith.constant 0 : i32
        %parallel_loop3A_990 = arith.constant 0 : i32
        %parallel_loop3A_991 = tpu.memref_slice %arg8[%parallel_loop3A_987, %parallel_loop3A_988, %parallel_loop3A_989, %parallel_loop3A_990] : memref<4x8x8x129xf32, #tpu.memory_space<vmem>> -> memref<1x8x8x129xf32, #tpu.memory_space<vmem>>
        %parallel_loop3A_992 = tpu.memref_squeeze %parallel_loop3A_991 : memref<1x8x8x129xf32, #tpu.memory_space<vmem>> -> memref<8x8x129xf32, #tpu.memory_space<vmem>>
        tpu.vector_store_idx %parallel_loop3A_992[%add3A_26, %select_n3A_148, %parallel_loop3A_980], %parallel_loop3A_986 : memref<8x8x129xf32, #tpu.memory_space<vmem>>[vector<16xi32>, vector<16xi32>, vector<16xi32>], vector<16xf32>,
        %parallel_loop3A_993 = arith.constant 1 : i32
        %parallel_loop3A_994 = arith.index_cast %parallel_loop3A_993 : i32 to index
        %parallel_loop3A_995 = arith.index_cast %parallel_loop3A_979 : i32 to index
        %parallel_loop3A_996 = arith.constant 16 : index
        %parallel_loop3A_997 = tpu.vector_load %arg7[%parallel_loop3A_994, %parallel_loop3A_995, %parallel_loop3A_996] {strides = array<i32>} : memref<4x128x64xf32, #tpu.memory_space<vmem>>, vector<16xf32>,
        %parallel_loop3A_998 = arith.addf %parallel_loop3A_997, %get3A_806 : vector<16xf32>
        %parallel_loop3A_999 = arith.constant 1 : i32
        %parallel_loop3A_1000 = arith.constant 0 : i32
        %parallel_loop3A_1001 = arith.constant 0 : i32
        %parallel_loop3A_1002 = arith.constant 0 : i32
        %parallel_loop3A_1003 = tpu.memref_slice %arg8[%parallel_loop3A_999, %parallel_loop3A_1000, %parallel_loop3A_1001, %parallel_loop3A_1002] : memref<4x8x8x129xf32, #tpu.memory_space<vmem>> -> memref<1x8x8x129xf32, #tpu.memory_space<vmem>>
        %parallel_loop3A_1004 = tpu.memref_squeeze %parallel_loop3A_1003 : memref<1x8x8x129xf32, #tpu.memory_space<vmem>> -> memref<8x8x129xf32, #tpu.memory_space<vmem>>
        tpu.vector_store_idx %parallel_loop3A_1004[%add3A_60, %select_n3A_148, %parallel_loop3A_980], %parallel_loop3A_998 : memref<8x8x129xf32, #tpu.memory_space<vmem>>[vector<16xi32>, vector<16xi32>, vector<16xi32>], vector<16xf32>,
        %parallel_loop3A_1005 = arith.constant 1 : i32
        %parallel_loop3A_1006 = arith.index_cast %parallel_loop3A_1005 : i32 to index
        %parallel_loop3A_1007 = arith.index_cast %parallel_loop3A_979 : i32 to index
        %parallel_loop3A_1008 = arith.constant 32 : index
        %parallel_loop3A_1009 = tpu.vector_load %arg7[%parallel_loop3A_1006, %parallel_loop3A_1007, %parallel_loop3A_1008] {strides = array<i32>} : memref<4x128x64xf32, #tpu.memory_space<vmem>>, vector<16xf32>,
        %parallel_loop3A_1010 = arith.addf %parallel_loop3A_1009, %get3A_809 : vector<16xf32>
        %parallel_loop3A_1011 = arith.constant 1 : i32
        %parallel_loop3A_1012 = arith.constant 0 : i32
        %parallel_loop3A_1013 = arith.constant 0 : i32
        %parallel_loop3A_1014 = arith.constant 0 : i32
        %parallel_loop3A_1015 = tpu.memref_slice %arg8[%parallel_loop3A_1011, %parallel_loop3A_1012, %parallel_loop3A_1013, %parallel_loop3A_1014] : memref<4x8x8x129xf32, #tpu.memory_space<vmem>> -> memref<1x8x8x129xf32, #tpu.memory_space<vmem>>
        %parallel_loop3A_1016 = tpu.memref_squeeze %parallel_loop3A_1015 : memref<1x8x8x129xf32, #tpu.memory_space<vmem>> -> memref<8x8x129xf32, #tpu.memory_space<vmem>>
        tpu.vector_store_idx %parallel_loop3A_1016[%add3A_94, %select_n3A_148, %parallel_loop3A_980], %parallel_loop3A_1010 : memref<8x8x129xf32, #tpu.memory_space<vmem>>[vector<16xi32>, vector<16xi32>, vector<16xi32>], vector<16xf32>,
        %parallel_loop3A_1017 = arith.constant 1 : i32
        %parallel_loop3A_1018 = arith.index_cast %parallel_loop3A_1017 : i32 to index
        %parallel_loop3A_1019 = arith.index_cast %parallel_loop3A_979 : i32 to index
        %parallel_loop3A_1020 = arith.constant 48 : index
        %parallel_loop3A_1021 = tpu.vector_load %arg7[%parallel_loop3A_1018, %parallel_loop3A_1019, %parallel_loop3A_1020] {strides = array<i32>} : memref<4x128x64xf32, #tpu.memory_space<vmem>>, vector<16xf32>,
        %parallel_loop3A_1022 = arith.addf %parallel_loop3A_1021, %get3A_812 : vector<16xf32>
        %parallel_loop3A_1023 = arith.constant 1 : i32
        %parallel_loop3A_1024 = arith.constant 0 : i32
        %parallel_loop3A_1025 = arith.constant 0 : i32
        %parallel_loop3A_1026 = arith.constant 0 : i32
        %parallel_loop3A_1027 = tpu.memref_slice %arg8[%parallel_loop3A_1023, %parallel_loop3A_1024, %parallel_loop3A_1025, %parallel_loop3A_1026] : memref<4x8x8x129xf32, #tpu.memory_space<vmem>> -> memref<1x8x8x129xf32, #tpu.memory_space<vmem>>
        %parallel_loop3A_1028 = tpu.memref_squeeze %parallel_loop3A_1027 : memref<1x8x8x129xf32, #tpu.memory_space<vmem>> -> memref<8x8x129xf32, #tpu.memory_space<vmem>>
        tpu.vector_store_idx %parallel_loop3A_1028[%add3A_128, %select_n3A_148, %parallel_loop3A_980], %parallel_loop3A_1022 : memref<8x8x129xf32, #tpu.memory_space<vmem>>[vector<16xi32>, vector<16xi32>, vector<16xi32>], vector<16xf32>,
      } {sc.loop_unroll_factor = 4 : i64, sc.parallel_access}
      %dma_start3A_816 = arith.constant 1 : i32
      %dma_start3A_817 = arith.constant 0 : i32
      %dma_start3A_818 = arith.constant 0 : i32
      %dma_start3A_819 = arith.constant 0 : i32
      %dma_start3A_820 = tpu.memref_slice %arg8[%dma_start3A_816, %dma_start3A_817, %dma_start3A_818, %dma_start3A_819] : memref<4x8x8x129xf32, #tpu.memory_space<vmem>> -> memref<1x8x8x128xf32, #tpu.memory_space<vmem>>
      %dma_start3A_821 = tpu.memref_squeeze %dma_start3A_820 : memref<1x8x8x128xf32, #tpu.memory_space<vmem>> -> memref<8x8x128xf32, #tpu.memory_space<vmem>>
      %dma_start3A_822 = arith.constant 0 : i32
      %dma_start3A_823 = arith.constant 0 : i32
      %dma_start3A_824 = arith.constant 0 : i32
      %dma_start3A_825 = tpu.memref_slice %arg5[%add3A_769, %dma_start3A_822, %add3A, %dma_start3A_823, %dma_start3A_824] : memref<200x8x32x8x128xf32, #tpu.memory_space<hbm>> -> memref<1x8x1x8x128xf32, #tpu.memory_space<hbm>>
      %dma_start3A_826 = tpu.memref_squeeze %dma_start3A_825 : memref<1x8x1x8x128xf32, #tpu.memory_space<hbm>> -> memref<8x8x128xf32, #tpu.memory_space<hbm>>
      %dma_start3A_827 = arith.constant 0 : i32
      %dma_start3A_828 = arith.constant 0 : i32
      %dma_start3A_829 = arith.constant 0 : i32
      %dma_start3A_830 = tpu.memref_slice %arg5[%add3A_769, %dma_start3A_827, %add3A, %dma_start3A_828, %dma_start3A_829] : memref<200x8x32x8x128xf32, #tpu.memory_space<hbm>> -> memref<1x8x1x8x128xf32, #tpu.memory_space<hbm>>
      %dma_start3A_831 = tpu.memref_squeeze %dma_start3A_830 : memref<1x8x1x8x128xf32, #tpu.memory_space<hbm>> -> memref<8x8x128xf32, #tpu.memory_space<hbm>>
      %dma_start3A_832 = arith.constant 0 : i32
      %dma_start3A_833 = arith.constant 0 : i32
      %dma_start3A_834 = arith.constant 0 : i32
      %dma_start3A_835 = tpu.memref_slice %arg8[%dma_start3A_816, %dma_start3A_832, %dma_start3A_833, %dma_start3A_834] : memref<4x8x8x129xf32, #tpu.memory_space<vmem>> -> memref<1x8x8x128xf32, #tpu.memory_space<vmem>>
      %dma_start3A_836 = tpu.memref_squeeze %dma_start3A_835 : memref<1x8x8x128xf32, #tpu.memory_space<vmem>> -> memref<8x8x128xf32, #tpu.memory_space<vmem>>
      tpu.enqueue_dma source(%dma_start3A_836 : memref<8x8x128xf32, #tpu.memory_space<vmem>>) target(%dma_start3A_831 : memref<8x8x128xf32, #tpu.memory_space<hbm>>) target_semaphore(%arg15 : memref<!tpu.dma_semaphore, #tpu.memory_space<semaphore_mem>>)
      %mul3A_837 = arith.constant 4 : i32
      %mul3A_838 = arith.muli %scan3A_698, %mul3A_837 : i32
      %add3A_839 = arith.constant 2 : i32
      %add3A_840 = arith.addi %mul3A_838, %add3A_839 : i32
      %dma_wait3A_841 = arith.constant 2 : i32
      %dma_wait3A_842 = arith.constant 2 : i32
      %dma_wait3A_843 = arith.constant 0 : i32
      %dma_wait3A_844 = arith.constant 0 : i32
      %dma_wait3A_845 = tpu.memref_slice %arg7[%dma_wait3A_842, %dma_wait3A_843, %dma_wait3A_844] : memref<4x128x64xf32, #tpu.memory_space<vmem>> -> memref<1x128x64xf32, #tpu.memory_space<vmem>>
      %dma_wait3A_846 = tpu.memref_squeeze %dma_wait3A_845 : memref<1x128x64xf32, #tpu.memory_space<vmem>> -> memref<128x64xf32, #tpu.memory_space<vmem>>
      %dma_wait3A_847 = arith.constant 0 : i32
      %dma_wait3A_848 = tpu.memref_slice %arg6[%dma_wait3A_841, %dma_wait3A_847] : memref<4x128xi32, #tpu.memory_space<vmem>> -> memref<1x128xi32, #tpu.memory_space<vmem>>
      %dma_wait3A_849 = tpu.memref_squeeze %dma_wait3A_848 : memref<1x128xi32, #tpu.memory_space<vmem>> -> memref<128xi32, #tpu.memory_space<vmem>>
      %dma_wait3A_850 = arith.constant 0 : i32
      %dma_wait3A_851 = arith.constant 0 : i32
      %dma_wait3A_852 = tpu.memref_slice %arg3[%dma_wait3A_850, %dma_wait3A_851] : memref<200000x64xf32, #tpu.memory_space<hbm>> -> memref<200000x64xf32, #tpu.memory_space<hbm>>
      tpu.wait_indirect_dma semaphore(%arg12 : memref<!tpu.dma_semaphore, #tpu.memory_space<semaphore_mem>>) src(%dma_wait3A_852 : memref<200000x64xf32, #tpu.memory_space<hbm>>) dst(%dma_wait3A_846 : memref<128x64xf32, #tpu.memory_space<vmem>>)
      %add3A_853 = arith.constant 4 : i32
      %add3A_854 = arith.addi %add3A_840, %add3A_853 : i32
      %lt3A_855 = arith.constant 200 : i32
      %lt3A_856 = arith.cmpi slt, %add3A_854, %lt3A_855 : i32
      %convert_element_type3A_857 = arith.extui %lt3A_856 : i1 to i32
      %cond3A_858 = arith.constant 0 : i32
      %cond3A_859 = arith.cmpi ne, %convert_element_type3A_857, %cond3A_858 : i32
      scf.if %cond3A_859 {
        %add3A_979 = arith.constant 4 : i32
        %add3A_980 = arith.addi %add3A_840, %add3A_979 : i32
        %jit3A_981 = arith.constant 8 : i32
        %div3A_982 = arith.divsi %add3A_980, %jit3A_981 : i32
        %sign3A_983 = arith.constant 0 : i32
        %sign3A_984 = arith.cmpi sgt, %add3A_980, %sign3A_983 : i32
        %sign3A_985 = arith.extui %sign3A_984 : i1 to i32
        %sign3A_986 = arith.constant 0 : i32
        %sign3A_987 = arith.cmpi slt, %add3A_980, %sign3A_986 : i32
        %sign3A_988 = arith.extui %sign3A_987 : i1 to i32
        %sign3A_989 = arith.subi %sign3A_985, %sign3A_988 : i32
        %sign3A_990 = arith.constant 0 : i32
        %sign3A_991 = arith.cmpi sgt, %jit3A_981, %sign3A_990 : i32
        %sign3A_992 = arith.extui %sign3A_991 : i1 to i32
        %sign3A_993 = arith.constant 0 : i32
        %sign3A_994 = arith.cmpi slt, %jit3A_981, %sign3A_993 : i32
        %sign3A_995 = arith.extui %sign3A_994 : i1 to i32
        %sign3A_996 = arith.subi %sign3A_992, %sign3A_995 : i32
        %ne3A_997 = arith.cmpi ne, %sign3A_989, %sign3A_996 : i32
        %rem3A_998 = arith.remsi %add3A_980, %jit3A_981 : i32
        %ne3A_999 = arith.constant 0 : i32
        %ne3A_1000 = arith.cmpi ne, %rem3A_998, %ne3A_999 : i32
        %and3A_1001 = arith.andi %ne3A_997, %ne3A_1000 : i1
        %sub3A_1002 = arith.constant 1 : i32
        %sub3A_1003 = arith.subi %div3A_982, %sub3A_1002 : i32
        %select_n3A_1004 = arith.select %and3A_1001, %sub3A_1003, %div3A_982 : i32
        %jit3A_1005 = arith.constant 8 : i32
        %eq3A_1006 = arith.constant 0 : i32
        %eq3A_1007 = arith.cmpi eq, %jit3A_1005, %eq3A_1006 : i32
        %jit3A_1008 = arith.constant 1 : i32
        %select_n3A_1009 = arith.select %eq3A_1007, %jit3A_1008, %jit3A_1005 : i32
        %rem3A_1010 = arith.remsi %add3A_980, %select_n3A_1009 : i32
        %ne3A_1011 = arith.constant 0 : i32
        %ne3A_1012 = arith.cmpi ne, %rem3A_1010, %ne3A_1011 : i32
        %lt3A_1013 = arith.constant 0 : i32
        %lt3A_1014 = arith.cmpi slt, %rem3A_1010, %lt3A_1013 : i32
        %lt3A_1015 = arith.constant 0 : i32
        %lt3A_1016 = arith.cmpi slt, %select_n3A_1009, %lt3A_1015 : i32
        %ne3A_1017 = arith.xori %lt3A_1014, %lt3A_1016 : i1
        %and3A_1018 = arith.andi %ne3A_1017, %ne3A_1012 : i1
        %add3A_1019 = arith.addi %rem3A_1010, %select_n3A_1009 : i32
        %select_n3A_1020 = arith.select %and3A_1018, %add3A_1019, %rem3A_1010 : i32
        %dma_start3A_1021 = arith.constant 2 : i32
        %dma_start3A_1022 = arith.constant 0 : i32
        %dma_start3A_1023 = tpu.memref_slice %arg6[%dma_start3A_1021, %dma_start3A_1022] : memref<4x128xi32, #tpu.memory_space<vmem>> -> memref<1x128xi32, #tpu.memory_space<vmem>>
        %dma_start3A_1024 = tpu.memref_squeeze %dma_start3A_1023 : memref<1x128xi32, #tpu.memory_space<vmem>> -> memref<128xi32, #tpu.memory_space<vmem>>
        %dma_start3A_1025 = arith.constant 0 : i32
        %dma_start3A_1026 = tpu.memref_slice %arg2[%select_n3A_1004, %add3A, %select_n3A_1020, %dma_start3A_1025] : memref<25x32x8x128xi32, #tpu.memory_space<hbm>> -> memref<1x1x1x128xi32, #tpu.memory_space<hbm>>
        %dma_start3A_1027 = tpu.memref_squeeze %dma_start3A_1026 : memref<1x1x1x128xi32, #tpu.memory_space<hbm>> -> memref<128xi32, #tpu.memory_space<hbm>>
        %dma_start3A_1028 = arith.constant 0 : i32
        %dma_start3A_1029 = tpu.memref_slice %arg6[%dma_start3A_1021, %dma_start3A_1028] : memref<4x128xi32, #tpu.memory_space<vmem>> -> memref<1x128xi32, #tpu.memory_space<vmem>>
        %dma_start3A_1030 = tpu.memref_squeeze %dma_start3A_1029 : memref<1x128xi32, #tpu.memory_space<vmem>> -> memref<128xi32, #tpu.memory_space<vmem>>
        %dma_start3A_1031 = arith.constant 0 : i32
        %dma_start3A_1032 = tpu.memref_slice %arg2[%select_n3A_1004, %add3A, %select_n3A_1020, %dma_start3A_1031] : memref<25x32x8x128xi32, #tpu.memory_space<hbm>> -> memref<1x1x1x128xi32, #tpu.memory_space<hbm>>
        %dma_start3A_1033 = tpu.memref_squeeze %dma_start3A_1032 : memref<1x1x1x128xi32, #tpu.memory_space<hbm>> -> memref<128xi32, #tpu.memory_space<hbm>>
        tpu.enqueue_dma source(%dma_start3A_1033 : memref<128xi32, #tpu.memory_space<hbm>>) target(%dma_start3A_1030 : memref<128xi32, #tpu.memory_space<vmem>>) target_semaphore(%arg20 : memref<!tpu.dma_semaphore, #tpu.memory_space<semaphore_mem>>)
      } else {
      }
      %add3A_860 = arith.constant 3 : i32
      %add3A_861 = arith.addi %add3A_840, %add3A_860 : i32
      %lt3A_862 = arith.constant 200 : i32
      %lt3A_863 = arith.cmpi slt, %add3A_861, %lt3A_862 : i32
      %convert_element_type3A_864 = arith.extui %lt3A_863 : i1 to i32
      %cond3A_865 = arith.constant 0 : i32
      %cond3A_866 = arith.cmpi ne, %convert_element_type3A_864, %cond3A_865 : i32
      scf.if %cond3A_866 {
        %dma_wait3A_979 = arith.constant 0 : i32
        %dma_wait3A_980 = arith.constant 0 : i32
        %dma_wait3A_981 = arith.constant 0 : i32
        %dma_wait3A_982 = arith.constant 1 : i32
        %dma_wait3A_983 = arith.constant 0 : i32
        %dma_wait3A_984 = tpu.memref_slice %arg6[%dma_wait3A_982, %dma_wait3A_983] : memref<4x128xi32, #tpu.memory_space<vmem>> -> memref<1x128xi32, #tpu.memory_space<vmem>>
        %dma_wait3A_985 = tpu.memref_squeeze %dma_wait3A_984 : memref<1x128xi32, #tpu.memory_space<vmem>> -> memref<128xi32, #tpu.memory_space<vmem>>
        %dma_wait3A_986 = arith.constant 0 : i32
        %dma_wait3A_987 = tpu.memref_slice %arg2[%dma_wait3A_979, %dma_wait3A_980, %dma_wait3A_981, %dma_wait3A_986] : memref<25x32x8x128xi32, #tpu.memory_space<hbm>> -> memref<1x1x1x128xi32, #tpu.memory_space<hbm>>
        %dma_wait3A_988 = tpu.memref_squeeze %dma_wait3A_987 : memref<1x1x1x128xi32, #tpu.memory_space<hbm>> -> memref<128xi32, #tpu.memory_space<hbm>>
        %dma_wait3A_989 = arith.constant 0 : i32
        %dma_wait3A_990 = tpu.memref_slice %arg6[%dma_wait3A_982, %dma_wait3A_989] : memref<4x128xi32, #tpu.memory_space<vmem>> -> memref<1x128xi32, #tpu.memory_space<vmem>>
        %dma_wait3A_991 = tpu.memref_squeeze %dma_wait3A_990 : memref<1x128xi32, #tpu.memory_space<vmem>> -> memref<128xi32, #tpu.memory_space<vmem>>
        %dma_wait3A_992 = arith.constant 0 : i32
        %dma_wait3A_993 = tpu.memref_slice %arg2[%dma_wait3A_979, %dma_wait3A_980, %dma_wait3A_981, %dma_wait3A_992] : memref<25x32x8x128xi32, #tpu.memory_space<hbm>> -> memref<1x1x1x128xi32, #tpu.memory_space<hbm>>
        %dma_wait3A_994 = tpu.memref_squeeze %dma_wait3A_993 : memref<1x1x1x128xi32, #tpu.memory_space<hbm>> -> memref<128xi32, #tpu.memory_space<hbm>>
        tpu.wait_dma2 semaphore(%arg19 : memref<!tpu.dma_semaphore, #tpu.memory_space<semaphore_mem>>) src(%dma_wait3A_994 : memref<128xi32, #tpu.memory_space<hbm>>) dst(%dma_wait3A_991 : memref<128xi32, #tpu.memory_space<vmem>>)
        %get3A_995 = arith.constant 1 : i32
        %get3A_996 = arith.index_cast %get3A_995 : i32 to index
        %get3A_997 = arith.constant 0 : index
        %get3A_998 = tpu.vector_load %arg6[%get3A_996, %get3A_997] {strides = array<i32>} : memref<4x128xi32, #tpu.memory_space<vmem>>, vector<16xi32>,
        %get3A_999 = arith.constant 1 : i32
        %get3A_1000 = arith.index_cast %get3A_999 : i32 to index
        %get3A_1001 = arith.constant 0 : index
        %get3A_1002 = tpu.vector_load %arg6[%get3A_1000, %get3A_1001] {strides = array<i32>} : memref<4x128xi32, #tpu.memory_space<vmem>>, vector<16xi32>,
        %add3A_1003 = arith.addi %get3A_998, %get3A_1002 : vector<16xi32>
        %swap3A_1004 = arith.constant 1 : i32
        %swap3A_1005 = arith.index_cast %swap3A_1004 : i32 to index
        %swap3A_1006 = arith.constant 0 : index
        %swap3A_1007 = tpu.vector_load %arg6[%swap3A_1005, %swap3A_1006] {strides = array<i32>} : memref<4x128xi32, #tpu.memory_space<vmem>>, vector<16xi32>,
        tpu.vector_store %arg6[%swap3A_1005, %swap3A_1006], %add3A_1003 {strides = array<i32>} : memref<4x128xi32, #tpu.memory_space<vmem>>, vector<16xi32>,
        %get3A_1008 = arith.constant 1 : i32
        %get3A_1009 = arith.index_cast %get3A_1008 : i32 to index
        %get3A_1010 = arith.constant 16 : index
        %get3A_1011 = tpu.vector_load %arg6[%get3A_1009, %get3A_1010] {strides = array<i32>} : memref<4x128xi32, #tpu.memory_space<vmem>>, vector<16xi32>,
        %get3A_1012 = arith.constant 1 : i32
        %get3A_1013 = arith.index_cast %get3A_1012 : i32 to index
        %get3A_1014 = arith.constant 16 : index
        %get3A_1015 = tpu.vector_load %arg6[%get3A_1013, %get3A_1014] {strides = array<i32>} : memref<4x128xi32, #tpu.memory_space<vmem>>, vector<16xi32>,
        %add3A_1016 = arith.addi %get3A_1011, %get3A_1015 : vector<16xi32>
        %swap3A_1017 = arith.constant 1 : i32
        %swap3A_1018 = arith.index_cast %swap3A_1017 : i32 to index
        %swap3A_1019 = arith.constant 16 : index
        %swap3A_1020 = tpu.vector_load %arg6[%swap3A_1018, %swap3A_1019] {strides = array<i32>} : memref<4x128xi32, #tpu.memory_space<vmem>>, vector<16xi32>,
        tpu.vector_store %arg6[%swap3A_1018, %swap3A_1019], %add3A_1016 {strides = array<i32>} : memref<4x128xi32, #tpu.memory_space<vmem>>, vector<16xi32>,
        %get3A_1021 = arith.constant 1 : i32
        %get3A_1022 = arith.index_cast %get3A_1021 : i32 to index
        %get3A_1023 = arith.constant 32 : index
        %get3A_1024 = tpu.vector_load %arg6[%get3A_1022, %get3A_1023] {strides = array<i32>} : memref<4x128xi32, #tpu.memory_space<vmem>>, vector<16xi32>,
        %get3A_1025 = arith.constant 1 : i32
        %get3A_1026 = arith.index_cast %get3A_1025 : i32 to index
        %get3A_1027 = arith.constant 32 : index
        %get3A_1028 = tpu.vector_load %arg6[%get3A_1026, %get3A_1027] {strides = array<i32>} : memref<4x128xi32, #tpu.memory_space<vmem>>, vector<16xi32>,
        %add3A_1029 = arith.addi %get3A_1024, %get3A_1028 : vector<16xi32>
        %swap3A_1030 = arith.constant 1 : i32
        %swap3A_1031 = arith.index_cast %swap3A_1030 : i32 to index
        %swap3A_1032 = arith.constant 32 : index
        %swap3A_1033 = tpu.vector_load %arg6[%swap3A_1031, %swap3A_1032] {strides = array<i32>} : memref<4x128xi32, #tpu.memory_space<vmem>>, vector<16xi32>,
        tpu.vector_store %arg6[%swap3A_1031, %swap3A_1032], %add3A_1029 {strides = array<i32>} : memref<4x128xi32, #tpu.memory_space<vmem>>, vector<16xi32>,
        %get3A_1034 = arith.constant 1 : i32
        %get3A_1035 = arith.index_cast %get3A_1034 : i32 to index
        %get3A_1036 = arith.constant 48 : index
        %get3A_1037 = tpu.vector_load %arg6[%get3A_1035, %get3A_1036] {strides = array<i32>} : memref<4x128xi32, #tpu.memory_space<vmem>>, vector<16xi32>,
        %get3A_1038 = arith.constant 1 : i32
        %get3A_1039 = arith.index_cast %get3A_1038 : i32 to index
        %get3A_1040 = arith.constant 48 : index
        %get3A_1041 = tpu.vector_load %arg6[%get3A_1039, %get3A_1040] {strides = array<i32>} : memref<4x128xi32, #tpu.memory_space<vmem>>, vector<16xi32>,
        %add3A_1042 = arith.addi %get3A_1037, %get3A_1041 : vector<16xi32>
        %swap3A_1043 = arith.constant 1 : i32
        %swap3A_1044 = arith.index_cast %swap3A_1043 : i32 to index
        %swap3A_1045 = arith.constant 48 : index
        %swap3A_1046 = tpu.vector_load %arg6[%swap3A_1044, %swap3A_1045] {strides = array<i32>} : memref<4x128xi32, #tpu.memory_space<vmem>>, vector<16xi32>,
        tpu.vector_store %arg6[%swap3A_1044, %swap3A_1045], %add3A_1042 {strides = array<i32>} : memref<4x128xi32, #tpu.memory_space<vmem>>, vector<16xi32>,
        %get3A_1047 = arith.constant 1 : i32
        %get3A_1048 = arith.index_cast %get3A_1047 : i32 to index
        %get3A_1049 = arith.constant 64 : index
        %get3A_1050 = tpu.vector_load %arg6[%get3A_1048, %get3A_1049] {strides = array<i32>} : memref<4x128xi32, #tpu.memory_space<vmem>>, vector<16xi32>,
        %get3A_1051 = arith.constant 1 : i32
        %get3A_1052 = arith.index_cast %get3A_1051 : i32 to index
        %get3A_1053 = arith.constant 64 : index
        %get3A_1054 = tpu.vector_load %arg6[%get3A_1052, %get3A_1053] {strides = array<i32>} : memref<4x128xi32, #tpu.memory_space<vmem>>, vector<16xi32>,
        %add3A_1055 = arith.addi %get3A_1050, %get3A_1054 : vector<16xi32>
        %swap3A_1056 = arith.constant 1 : i32
        %swap3A_1057 = arith.index_cast %swap3A_1056 : i32 to index
        %swap3A_1058 = arith.constant 64 : index
        %swap3A_1059 = tpu.vector_load %arg6[%swap3A_1057, %swap3A_1058] {strides = array<i32>} : memref<4x128xi32, #tpu.memory_space<vmem>>, vector<16xi32>,
        tpu.vector_store %arg6[%swap3A_1057, %swap3A_1058], %add3A_1055 {strides = array<i32>} : memref<4x128xi32, #tpu.memory_space<vmem>>, vector<16xi32>,
        %get3A_1060 = arith.constant 1 : i32
        %get3A_1061 = arith.index_cast %get3A_1060 : i32 to index
        %get3A_1062 = arith.constant 80 : index
        %get3A_1063 = tpu.vector_load %arg6[%get3A_1061, %get3A_1062] {strides = array<i32>} : memref<4x128xi32, #tpu.memory_space<vmem>>, vector<16xi32>,
        %get3A_1064 = arith.constant 1 : i32
        %get3A_1065 = arith.index_cast %get3A_1064 : i32 to index
        %get3A_1066 = arith.constant 80 : index
        %get3A_1067 = tpu.vector_load %arg6[%get3A_1065, %get3A_1066] {strides = array<i32>} : memref<4x128xi32, #tpu.memory_space<vmem>>, vector<16xi32>,
        %add3A_1068 = arith.addi %get3A_1063, %get3A_1067 : vector<16xi32>
        %swap3A_1069 = arith.constant 1 : i32
        %swap3A_1070 = arith.index_cast %swap3A_1069 : i32 to index
        %swap3A_1071 = arith.constant 80 : index
        %swap3A_1072 = tpu.vector_load %arg6[%swap3A_1070, %swap3A_1071] {strides = array<i32>} : memref<4x128xi32, #tpu.memory_space<vmem>>, vector<16xi32>,
        tpu.vector_store %arg6[%swap3A_1070, %swap3A_1071], %add3A_1068 {strides = array<i32>} : memref<4x128xi32, #tpu.memory_space<vmem>>, vector<16xi32>,
        %get3A_1073 = arith.constant 1 : i32
        %get3A_1074 = arith.index_cast %get3A_1073 : i32 to index
        %get3A_1075 = arith.constant 96 : index
        %get3A_1076 = tpu.vector_load %arg6[%get3A_1074, %get3A_1075] {strides = array<i32>} : memref<4x128xi32, #tpu.memory_space<vmem>>, vector<16xi32>,
        %get3A_1077 = arith.constant 1 : i32
        %get3A_1078 = arith.index_cast %get3A_1077 : i32 to index
        %get3A_1079 = arith.constant 96 : index
        %get3A_1080 = tpu.vector_load %arg6[%get3A_1078, %get3A_1079] {strides = array<i32>} : memref<4x128xi32, #tpu.memory_space<vmem>>, vector<16xi32>,
        %add3A_1081 = arith.addi %get3A_1076, %get3A_1080 : vector<16xi32>
        %swap3A_1082 = arith.constant 1 : i32
        %swap3A_1083 = arith.index_cast %swap3A_1082 : i32 to index
        %swap3A_1084 = arith.constant 96 : index
        %swap3A_1085 = tpu.vector_load %arg6[%swap3A_1083, %swap3A_1084] {strides = array<i32>} : memref<4x128xi32, #tpu.memory_space<vmem>>, vector<16xi32>,
        tpu.vector_store %arg6[%swap3A_1083, %swap3A_1084], %add3A_1081 {strides = array<i32>} : memref<4x128xi32, #tpu.memory_space<vmem>>, vector<16xi32>,
        %get3A_1086 = arith.constant 1 : i32
        %get3A_1087 = arith.index_cast %get3A_1086 : i32 to index
        %get3A_1088 = arith.constant 112 : index
        %get3A_1089 = tpu.vector_load %arg6[%get3A_1087, %get3A_1088] {strides = array<i32>} : memref<4x128xi32, #tpu.memory_space<vmem>>, vector<16xi32>,
        %get3A_1090 = arith.constant 1 : i32
        %get3A_1091 = arith.index_cast %get3A_1090 : i32 to index
        %get3A_1092 = arith.constant 112 : index
        %get3A_1093 = tpu.vector_load %arg6[%get3A_1091, %get3A_1092] {strides = array<i32>} : memref<4x128xi32, #tpu.memory_space<vmem>>, vector<16xi32>,
        %add3A_1094 = arith.addi %get3A_1089, %get3A_1093 : vector<16xi32>
        %swap3A_1095 = arith.constant 1 : i32
        %swap3A_1096 = arith.index_cast %swap3A_1095 : i32 to index
        %swap3A_1097 = arith.constant 112 : index
        %swap3A_1098 = tpu.vector_load %arg6[%swap3A_1096, %swap3A_1097] {strides = array<i32>} : memref<4x128xi32, #tpu.memory_space<vmem>>, vector<16xi32>,
        tpu.vector_store %arg6[%swap3A_1096, %swap3A_1097], %add3A_1094 {strides = array<i32>} : memref<4x128xi32, #tpu.memory_space<vmem>>, vector<16xi32>,
        %dma_start3A_1099 = arith.constant 1 : i32
        %dma_start3A_1100 = arith.constant 1 : i32
        %dma_start3A_1101 = arith.constant 0 : i32
        %dma_start3A_1102 = arith.constant 0 : i32
        %dma_start3A_1103 = tpu.memref_slice %arg7[%dma_start3A_1100, %dma_start3A_1101, %dma_start3A_1102] : memref<4x128x64xf32, #tpu.memory_space<vmem>> -> memref<1x128x64xf32, #tpu.memory_space<vmem>>
        %dma_start3A_1104 = tpu.memref_squeeze %dma_start3A_1103 : memref<1x128x64xf32, #tpu.memory_space<vmem>> -> memref<128x64xf32, #tpu.memory_space<vmem>>
        %dma_start3A_1105 = arith.constant 0 : i32
        %dma_start3A_1106 = tpu.memref_slice %arg6[%dma_start3A_1099, %dma_start3A_1105] : memref<4x128xi32, #tpu.memory_space<vmem>> -> memref<1x128xi32, #tpu.memory_space<vmem>>
        %dma_start3A_1107 = tpu.memref_squeeze %dma_start3A_1106 : memref<1x128xi32, #tpu.memory_space<vmem>> -> memref<128xi32, #tpu.memory_space<vmem>>
        %dma_start3A_1108 = arith.constant 0 : i32
        %dma_start3A_1109 = arith.constant 0 : i32
        %dma_start3A_1110 = tpu.memref_slice %arg3[%dma_start3A_1108, %dma_start3A_1109] : memref<200000x64xf32, #tpu.memory_space<hbm>> -> memref<200000x64xf32, #tpu.memory_space<hbm>>
        tpu.enqueue_indirect_dma source(%dma_start3A_1110 : memref<200000x64xf32, #tpu.memory_space<hbm>>) target(%dma_start3A_1104 : memref<128x64xf32, #tpu.memory_space<vmem>>) offsets(%dma_start3A_1107 : memref<128xi32, #tpu.memory_space<vmem>>) semaphore(%arg11 : memref<!tpu.dma_semaphore, #tpu.memory_space<semaphore_mem>>)
      } else {
      }
      %ge3A_867 = arith.constant 4 : i32
      %ge3A_868 = arith.cmpi sge, %add3A_840, %ge3A_867 : i32
      %convert_element_type3A_869 = arith.extui %ge3A_868 : i1 to i32
      %cond3A_870 = arith.constant 0 : i32
      %cond3A_871 = arith.cmpi ne, %convert_element_type3A_869, %cond3A_870 : i32
      scf.if %cond3A_871 {
        %dma_wait3A_979 = arith.constant 2 : i32
        %dma_wait3A_980 = arith.constant 0 : i32
        %dma_wait3A_981 = arith.constant 0 : i32
        %dma_wait3A_982 = arith.constant 0 : i32
        %dma_wait3A_983 = arith.constant 0 : i32
        %dma_wait3A_984 = arith.constant 0 : i32
        %dma_wait3A_985 = tpu.memref_slice %arg8[%dma_wait3A_979, %dma_wait3A_982, %dma_wait3A_983, %dma_wait3A_984] : memref<4x8x8x129xf32, #tpu.memory_space<vmem>> -> memref<1x8x8x128xf32, #tpu.memory_space<vmem>>
        %dma_wait3A_986 = tpu.memref_squeeze %dma_wait3A_985 : memref<1x8x8x128xf32, #tpu.memory_space<vmem>> -> memref<8x8x128xf32, #tpu.memory_space<vmem>>
        %dma_wait3A_987 = arith.constant 0 : i32
        %dma_wait3A_988 = arith.constant 0 : i32
        %dma_wait3A_989 = arith.constant 0 : i32
        %dma_wait3A_990 = tpu.memref_slice %arg5[%dma_wait3A_980, %dma_wait3A_987, %dma_wait3A_981, %dma_wait3A_988, %dma_wait3A_989] : memref<200x8x32x8x128xf32, #tpu.memory_space<hbm>> -> memref<1x8x1x8x128xf32, #tpu.memory_space<hbm>>
        %dma_wait3A_991 = tpu.memref_squeeze %dma_wait3A_990 : memref<1x8x1x8x128xf32, #tpu.memory_space<hbm>> -> memref<8x8x128xf32, #tpu.memory_space<hbm>>
        %dma_wait3A_992 = arith.constant 0 : i32
        %dma_wait3A_993 = arith.constant 0 : i32
        %dma_wait3A_994 = arith.constant 0 : i32
        %dma_wait3A_995 = tpu.memref_slice %arg5[%dma_wait3A_980, %dma_wait3A_992, %dma_wait3A_981, %dma_wait3A_993, %dma_wait3A_994] : memref<200x8x32x8x128xf32, #tpu.memory_space<hbm>> -> memref<1x8x1x8x128xf32, #tpu.memory_space<hbm>>
        %dma_wait3A_996 = tpu.memref_squeeze %dma_wait3A_995 : memref<1x8x1x8x128xf32, #tpu.memory_space<hbm>> -> memref<8x8x128xf32, #tpu.memory_space<hbm>>
        %dma_wait3A_997 = arith.constant 0 : i32
        %dma_wait3A_998 = arith.constant 0 : i32
        %dma_wait3A_999 = arith.constant 0 : i32
        %dma_wait3A_1000 = tpu.memref_slice %arg8[%dma_wait3A_979, %dma_wait3A_997, %dma_wait3A_998, %dma_wait3A_999] : memref<4x8x8x129xf32, #tpu.memory_space<vmem>> -> memref<1x8x8x128xf32, #tpu.memory_space<vmem>>
        %dma_wait3A_1001 = tpu.memref_squeeze %dma_wait3A_1000 : memref<1x8x8x128xf32, #tpu.memory_space<vmem>> -> memref<8x8x128xf32, #tpu.memory_space<vmem>>
        tpu.wait_dma2 semaphore(%arg16 : memref<!tpu.dma_semaphore, #tpu.memory_space<semaphore_mem>>) src(%dma_wait3A_1001 : memref<8x8x128xf32, #tpu.memory_space<vmem>>) dst(%dma_wait3A_996 : memref<8x8x128xf32, #tpu.memory_space<hbm>>)
      } else {
      }
      %get3A_872 = arith.index_cast %add3A_840 : i32 to index
      %get3A_873 = arith.constant 0 : index
      %get3A_874 = tpu.vector_load %arg9[%get3A_872, %get3A_873] {strides = array<i32>} : memref<200x64xf32, #tpu.memory_space<vmem>>, vector<16xf32>,
      %get3A_875 = arith.index_cast %add3A_840 : i32 to index
      %get3A_876 = arith.constant 16 : index
      %get3A_877 = tpu.vector_load %arg9[%get3A_875, %get3A_876] {strides = array<i32>} : memref<200x64xf32, #tpu.memory_space<vmem>>, vector<16xf32>,
      %get3A_878 = arith.index_cast %add3A_840 : i32 to index
      %get3A_879 = arith.constant 32 : index
      %get3A_880 = tpu.vector_load %arg9[%get3A_878, %get3A_879] {strides = array<i32>} : memref<200x64xf32, #tpu.memory_space<vmem>>, vector<16xf32>,
      %get3A_881 = arith.index_cast %add3A_840 : i32 to index
      %get3A_882 = arith.constant 48 : index
      %get3A_883 = tpu.vector_load %arg9[%get3A_881, %get3A_882] {strides = array<i32>} : memref<200x64xf32, #tpu.memory_space<vmem>>, vector<16xf32>,
      %parallel_loop3A_884 = arith.constant 0 : i32
      %parallel_loop3A_885 = arith.constant 128 : i32
      %parallel_loop3A_886 = arith.constant 1 : i32
      scf.for %parallel_loop3A_979 = %parallel_loop3A_884 to %parallel_loop3A_885 step %parallel_loop3A_886  : i32 {
        %parallel_loop3A_980 = vector.broadcast %parallel_loop3A_979 : i32 to vector<16xi32>
        %parallel_loop3A_981 = arith.constant 2 : i32
        %parallel_loop3A_982 = arith.index_cast %parallel_loop3A_981 : i32 to index
        %parallel_loop3A_983 = arith.index_cast %parallel_loop3A_979 : i32 to index
        %parallel_loop3A_984 = arith.constant 0 : index
        %parallel_loop3A_985 = tpu.vector_load %arg7[%parallel_loop3A_982, %parallel_loop3A_983, %parallel_loop3A_984] {strides = array<i32>} : memref<4x128x64xf32, #tpu.memory_space<vmem>>, vector<16xf32>,
        %parallel_loop3A_986 = arith.addf %parallel_loop3A_985, %get3A_874 : vector<16xf32>
        %parallel_loop3A_987 = arith.constant 2 : i32
        %parallel_loop3A_988 = arith.constant 0 : i32
        %parallel_loop3A_989 = arith.constant 0 : i32
        %parallel_loop3A_990 = arith.constant 0 : i32
        %parallel_loop3A_991 = tpu.memref_slice %arg8[%parallel_loop3A_987, %parallel_loop3A_988, %parallel_loop3A_989, %parallel_loop3A_990] : memref<4x8x8x129xf32, #tpu.memory_space<vmem>> -> memref<1x8x8x129xf32, #tpu.memory_space<vmem>>
        %parallel_loop3A_992 = tpu.memref_squeeze %parallel_loop3A_991 : memref<1x8x8x129xf32, #tpu.memory_space<vmem>> -> memref<8x8x129xf32, #tpu.memory_space<vmem>>
        tpu.vector_store_idx %parallel_loop3A_992[%add3A_26, %select_n3A_148, %parallel_loop3A_980], %parallel_loop3A_986 : memref<8x8x129xf32, #tpu.memory_space<vmem>>[vector<16xi32>, vector<16xi32>, vector<16xi32>], vector<16xf32>,
        %parallel_loop3A_993 = arith.constant 2 : i32
        %parallel_loop3A_994 = arith.index_cast %parallel_loop3A_993 : i32 to index
        %parallel_loop3A_995 = arith.index_cast %parallel_loop3A_979 : i32 to index
        %parallel_loop3A_996 = arith.constant 16 : index
        %parallel_loop3A_997 = tpu.vector_load %arg7[%parallel_loop3A_994, %parallel_loop3A_995, %parallel_loop3A_996] {strides = array<i32>} : memref<4x128x64xf32, #tpu.memory_space<vmem>>, vector<16xf32>,
        %parallel_loop3A_998 = arith.addf %parallel_loop3A_997, %get3A_877 : vector<16xf32>
        %parallel_loop3A_999 = arith.constant 2 : i32
        %parallel_loop3A_1000 = arith.constant 0 : i32
        %parallel_loop3A_1001 = arith.constant 0 : i32
        %parallel_loop3A_1002 = arith.constant 0 : i32
        %parallel_loop3A_1003 = tpu.memref_slice %arg8[%parallel_loop3A_999, %parallel_loop3A_1000, %parallel_loop3A_1001, %parallel_loop3A_1002] : memref<4x8x8x129xf32, #tpu.memory_space<vmem>> -> memref<1x8x8x129xf32, #tpu.memory_space<vmem>>
        %parallel_loop3A_1004 = tpu.memref_squeeze %parallel_loop3A_1003 : memref<1x8x8x129xf32, #tpu.memory_space<vmem>> -> memref<8x8x129xf32, #tpu.memory_space<vmem>>
        tpu.vector_store_idx %parallel_loop3A_1004[%add3A_60, %select_n3A_148, %parallel_loop3A_980], %parallel_loop3A_998 : memref<8x8x129xf32, #tpu.memory_space<vmem>>[vector<16xi32>, vector<16xi32>, vector<16xi32>], vector<16xf32>,
        %parallel_loop3A_1005 = arith.constant 2 : i32
        %parallel_loop3A_1006 = arith.index_cast %parallel_loop3A_1005 : i32 to index
        %parallel_loop3A_1007 = arith.index_cast %parallel_loop3A_979 : i32 to index
        %parallel_loop3A_1008 = arith.constant 32 : index
        %parallel_loop3A_1009 = tpu.vector_load %arg7[%parallel_loop3A_1006, %parallel_loop3A_1007, %parallel_loop3A_1008] {strides = array<i32>} : memref<4x128x64xf32, #tpu.memory_space<vmem>>, vector<16xf32>,
        %parallel_loop3A_1010 = arith.addf %parallel_loop3A_1009, %get3A_880 : vector<16xf32>
        %parallel_loop3A_1011 = arith.constant 2 : i32
        %parallel_loop3A_1012 = arith.constant 0 : i32
        %parallel_loop3A_1013 = arith.constant 0 : i32
        %parallel_loop3A_1014 = arith.constant 0 : i32
        %parallel_loop3A_1015 = tpu.memref_slice %arg8[%parallel_loop3A_1011, %parallel_loop3A_1012, %parallel_loop3A_1013, %parallel_loop3A_1014] : memref<4x8x8x129xf32, #tpu.memory_space<vmem>> -> memref<1x8x8x129xf32, #tpu.memory_space<vmem>>
        %parallel_loop3A_1016 = tpu.memref_squeeze %parallel_loop3A_1015 : memref<1x8x8x129xf32, #tpu.memory_space<vmem>> -> memref<8x8x129xf32, #tpu.memory_space<vmem>>
        tpu.vector_store_idx %parallel_loop3A_1016[%add3A_94, %select_n3A_148, %parallel_loop3A_980], %parallel_loop3A_1010 : memref<8x8x129xf32, #tpu.memory_space<vmem>>[vector<16xi32>, vector<16xi32>, vector<16xi32>], vector<16xf32>,
        %parallel_loop3A_1017 = arith.constant 2 : i32
        %parallel_loop3A_1018 = arith.index_cast %parallel_loop3A_1017 : i32 to index
        %parallel_loop3A_1019 = arith.index_cast %parallel_loop3A_979 : i32 to index
        %parallel_loop3A_1020 = arith.constant 48 : index
        %parallel_loop3A_1021 = tpu.vector_load %arg7[%parallel_loop3A_1018, %parallel_loop3A_1019, %parallel_loop3A_1020] {strides = array<i32>} : memref<4x128x64xf32, #tpu.memory_space<vmem>>, vector<16xf32>,
        %parallel_loop3A_1022 = arith.addf %parallel_loop3A_1021, %get3A_883 : vector<16xf32>
        %parallel_loop3A_1023 = arith.constant 2 : i32
        %parallel_loop3A_1024 = arith.constant 0 : i32
        %parallel_loop3A_1025 = arith.constant 0 : i32
        %parallel_loop3A_1026 = arith.constant 0 : i32
        %parallel_loop3A_1027 = tpu.memref_slice %arg8[%parallel_loop3A_1023, %parallel_loop3A_1024, %parallel_loop3A_1025, %parallel_loop3A_1026] : memref<4x8x8x129xf32, #tpu.memory_space<vmem>> -> memref<1x8x8x129xf32, #tpu.memory_space<vmem>>
        %parallel_loop3A_1028 = tpu.memref_squeeze %parallel_loop3A_1027 : memref<1x8x8x129xf32, #tpu.memory_space<vmem>> -> memref<8x8x129xf32, #tpu.memory_space<vmem>>
        tpu.vector_store_idx %parallel_loop3A_1028[%add3A_128, %select_n3A_148, %parallel_loop3A_980], %parallel_loop3A_1022 : memref<8x8x129xf32, #tpu.memory_space<vmem>>[vector<16xi32>, vector<16xi32>, vector<16xi32>], vector<16xf32>,
      } {sc.loop_unroll_factor = 4 : i64, sc.parallel_access}
      %dma_start3A_887 = arith.constant 2 : i32
      %dma_start3A_888 = arith.constant 0 : i32
      %dma_start3A_889 = arith.constant 0 : i32
      %dma_start3A_890 = arith.constant 0 : i32
      %dma_start3A_891 = tpu.memref_slice %arg8[%dma_start3A_887, %dma_start3A_888, %dma_start3A_889, %dma_start3A_890] : memref<4x8x8x129xf32, #tpu.memory_space<vmem>> -> memref<1x8x8x128xf32, #tpu.memory_space<vmem>>
      %dma_start3A_892 = tpu.memref_squeeze %dma_start3A_891 : memref<1x8x8x128xf32, #tpu.memory_space<vmem>> -> memref<8x8x128xf32, #tpu.memory_space<vmem>>
      %dma_start3A_893 = arith.constant 0 : i32
      %dma_start3A_894 = arith.constant 0 : i32
      %dma_start3A_895 = arith.constant 0 : i32
      %dma_start3A_896 = tpu.memref_slice %arg5[%add3A_840, %dma_start3A_893, %add3A, %dma_start3A_894, %dma_start3A_895] : memref<200x8x32x8x128xf32, #tpu.memory_space<hbm>> -> memref<1x8x1x8x128xf32, #tpu.memory_space<hbm>>
      %dma_start3A_897 = tpu.memref_squeeze %dma_start3A_896 : memref<1x8x1x8x128xf32, #tpu.memory_space<hbm>> -> memref<8x8x128xf32, #tpu.memory_space<hbm>>
      %dma_start3A_898 = arith.constant 0 : i32
      %dma_start3A_899 = arith.constant 0 : i32
      %dma_start3A_900 = arith.constant 0 : i32
      %dma_start3A_901 = tpu.memref_slice %arg5[%add3A_840, %dma_start3A_898, %add3A, %dma_start3A_899, %dma_start3A_900] : memref<200x8x32x8x128xf32, #tpu.memory_space<hbm>> -> memref<1x8x1x8x128xf32, #tpu.memory_space<hbm>>
      %dma_start3A_902 = tpu.memref_squeeze %dma_start3A_901 : memref<1x8x1x8x128xf32, #tpu.memory_space<hbm>> -> memref<8x8x128xf32, #tpu.memory_space<hbm>>
      %dma_start3A_903 = arith.constant 0 : i32
      %dma_start3A_904 = arith.constant 0 : i32
      %dma_start3A_905 = arith.constant 0 : i32
      %dma_start3A_906 = tpu.memref_slice %arg8[%dma_start3A_887, %dma_start3A_903, %dma_start3A_904, %dma_start3A_905] : memref<4x8x8x129xf32, #tpu.memory_space<vmem>> -> memref<1x8x8x128xf32, #tpu.memory_space<vmem>>
      %dma_start3A_907 = tpu.memref_squeeze %dma_start3A_906 : memref<1x8x8x128xf32, #tpu.memory_space<vmem>> -> memref<8x8x128xf32, #tpu.memory_space<vmem>>
      tpu.enqueue_dma source(%dma_start3A_907 : memref<8x8x128xf32, #tpu.memory_space<vmem>>) target(%dma_start3A_902 : memref<8x8x128xf32, #tpu.memory_space<hbm>>) target_semaphore(%arg16 : memref<!tpu.dma_semaphore, #tpu.memory_space<semaphore_mem>>)
      %mul3A_908 = arith.constant 4 : i32
      %mul3A_909 = arith.muli %scan3A_698, %mul3A_908 : i32
      %add3A_910 = arith.constant 3 : i32
      %add3A_911 = arith.addi %mul3A_909, %add3A_910 : i32
      %dma_wait3A_912 = arith.constant 3 : i32
      %dma_wait3A_913 = arith.constant 3 : i32
      %dma_wait3A_914 = arith.constant 0 : i32
      %dma_wait3A_915 = arith.constant 0 : i32
      %dma_wait3A_916 = tpu.memref_slice %arg7[%dma_wait3A_913, %dma_wait3A_914, %dma_wait3A_915] : memref<4x128x64xf32, #tpu.memory_space<vmem>> -> memref<1x128x64xf32, #tpu.memory_space<vmem>>
      %dma_wait3A_917 = tpu.memref_squeeze %dma_wait3A_916 : memref<1x128x64xf32, #tpu.memory_space<vmem>> -> memref<128x64xf32, #tpu.memory_space<vmem>>
      %dma_wait3A_918 = arith.constant 0 : i32
      %dma_wait3A_919 = tpu.memref_slice %arg6[%dma_wait3A_912, %dma_wait3A_918] : memref<4x128xi32, #tpu.memory_space<vmem>> -> memref<1x128xi32, #tpu.memory_space<vmem>>
      %dma_wait3A_920 = tpu.memref_squeeze %dma_wait3A_919 : memref<1x128xi32, #tpu.memory_space<vmem>> -> memref<128xi32, #tpu.memory_space<vmem>>
      %dma_wait3A_921 = arith.constant 0 : i32
      %dma_wait3A_922 = arith.constant 0 : i32
      %dma_wait3A_923 = tpu.memref_slice %arg3[%dma_wait3A_921, %dma_wait3A_922] : memref<200000x64xf32, #tpu.memory_space<hbm>> -> memref<200000x64xf32, #tpu.memory_space<hbm>>
      tpu.wait_indirect_dma semaphore(%arg13 : memref<!tpu.dma_semaphore, #tpu.memory_space<semaphore_mem>>) src(%dma_wait3A_923 : memref<200000x64xf32, #tpu.memory_space<hbm>>) dst(%dma_wait3A_917 : memref<128x64xf32, #tpu.memory_space<vmem>>)
      %add3A_924 = arith.constant 4 : i32
      %add3A_925 = arith.addi %add3A_911, %add3A_924 : i32
      %lt3A_926 = arith.constant 200 : i32
      %lt3A_927 = arith.cmpi slt, %add3A_925, %lt3A_926 : i32
      %convert_element_type3A_928 = arith.extui %lt3A_927 : i1 to i32
      %cond3A_929 = arith.constant 0 : i32
      %cond3A_930 = arith.cmpi ne, %convert_element_type3A_928, %cond3A_929 : i32
      scf.if %cond3A_930 {
        %add3A_979 = arith.constant 4 : i32
        %add3A_980 = arith.addi %add3A_911, %add3A_979 : i32
        %jit3A_981 = arith.constant 8 : i32
        %div3A_982 = arith.divsi %add3A_980, %jit3A_981 : i32
        %sign3A_983 = arith.constant 0 : i32
        %sign3A_984 = arith.cmpi sgt, %add3A_980, %sign3A_983 : i32
        %sign3A_985 = arith.extui %sign3A_984 : i1 to i32
        %sign3A_986 = arith.constant 0 : i32
        %sign3A_987 = arith.cmpi slt, %add3A_980, %sign3A_986 : i32
        %sign3A_988 = arith.extui %sign3A_987 : i1 to i32
        %sign3A_989 = arith.subi %sign3A_985, %sign3A_988 : i32
        %sign3A_990 = arith.constant 0 : i32
        %sign3A_991 = arith.cmpi sgt, %jit3A_981, %sign3A_990 : i32
        %sign3A_992 = arith.extui %sign3A_991 : i1 to i32
        %sign3A_993 = arith.constant 0 : i32
        %sign3A_994 = arith.cmpi slt, %jit3A_981, %sign3A_993 : i32
        %sign3A_995 = arith.extui %sign3A_994 : i1 to i32
        %sign3A_996 = arith.subi %sign3A_992, %sign3A_995 : i32
        %ne3A_997 = arith.cmpi ne, %sign3A_989, %sign3A_996 : i32
        %rem3A_998 = arith.remsi %add3A_980, %jit3A_981 : i32
        %ne3A_999 = arith.constant 0 : i32
        %ne3A_1000 = arith.cmpi ne, %rem3A_998, %ne3A_999 : i32
        %and3A_1001 = arith.andi %ne3A_997, %ne3A_1000 : i1
        %sub3A_1002 = arith.constant 1 : i32
        %sub3A_1003 = arith.subi %div3A_982, %sub3A_1002 : i32
        %select_n3A_1004 = arith.select %and3A_1001, %sub3A_1003, %div3A_982 : i32
        %jit3A_1005 = arith.constant 8 : i32
        %eq3A_1006 = arith.constant 0 : i32
        %eq3A_1007 = arith.cmpi eq, %jit3A_1005, %eq3A_1006 : i32
        %jit3A_1008 = arith.constant 1 : i32
        %select_n3A_1009 = arith.select %eq3A_1007, %jit3A_1008, %jit3A_1005 : i32
        %rem3A_1010 = arith.remsi %add3A_980, %select_n3A_1009 : i32
        %ne3A_1011 = arith.constant 0 : i32
        %ne3A_1012 = arith.cmpi ne, %rem3A_1010, %ne3A_1011 : i32
        %lt3A_1013 = arith.constant 0 : i32
        %lt3A_1014 = arith.cmpi slt, %rem3A_1010, %lt3A_1013 : i32
        %lt3A_1015 = arith.constant 0 : i32
        %lt3A_1016 = arith.cmpi slt, %select_n3A_1009, %lt3A_1015 : i32
        %ne3A_1017 = arith.xori %lt3A_1014, %lt3A_1016 : i1
        %and3A_1018 = arith.andi %ne3A_1017, %ne3A_1012 : i1
        %add3A_1019 = arith.addi %rem3A_1010, %select_n3A_1009 : i32
        %select_n3A_1020 = arith.select %and3A_1018, %add3A_1019, %rem3A_1010 : i32
        %dma_start3A_1021 = arith.constant 3 : i32
        %dma_start3A_1022 = arith.constant 0 : i32
        %dma_start3A_1023 = tpu.memref_slice %arg6[%dma_start3A_1021, %dma_start3A_1022] : memref<4x128xi32, #tpu.memory_space<vmem>> -> memref<1x128xi32, #tpu.memory_space<vmem>>
        %dma_start3A_1024 = tpu.memref_squeeze %dma_start3A_1023 : memref<1x128xi32, #tpu.memory_space<vmem>> -> memref<128xi32, #tpu.memory_space<vmem>>
        %dma_start3A_1025 = arith.constant 0 : i32
        %dma_start3A_1026 = tpu.memref_slice %arg2[%select_n3A_1004, %add3A, %select_n3A_1020, %dma_start3A_1025] : memref<25x32x8x128xi32, #tpu.memory_space<hbm>> -> memref<1x1x1x128xi32, #tpu.memory_space<hbm>>
        %dma_start3A_1027 = tpu.memref_squeeze %dma_start3A_1026 : memref<1x1x1x128xi32, #tpu.memory_space<hbm>> -> memref<128xi32, #tpu.memory_space<hbm>>
        %dma_start3A_1028 = arith.constant 0 : i32
        %dma_start3A_1029 = tpu.memref_slice %arg6[%dma_start3A_1021, %dma_start3A_1028] : memref<4x128xi32, #tpu.memory_space<vmem>> -> memref<1x128xi32, #tpu.memory_space<vmem>>
        %dma_start3A_1030 = tpu.memref_squeeze %dma_start3A_1029 : memref<1x128xi32, #tpu.memory_space<vmem>> -> memref<128xi32, #tpu.memory_space<vmem>>
        %dma_start3A_1031 = arith.constant 0 : i32
        %dma_start3A_1032 = tpu.memref_slice %arg2[%select_n3A_1004, %add3A, %select_n3A_1020, %dma_start3A_1031] : memref<25x32x8x128xi32, #tpu.memory_space<hbm>> -> memref<1x1x1x128xi32, #tpu.memory_space<hbm>>
        %dma_start3A_1033 = tpu.memref_squeeze %dma_start3A_1032 : memref<1x1x1x128xi32, #tpu.memory_space<hbm>> -> memref<128xi32, #tpu.memory_space<hbm>>
        tpu.enqueue_dma source(%dma_start3A_1033 : memref<128xi32, #tpu.memory_space<hbm>>) target(%dma_start3A_1030 : memref<128xi32, #tpu.memory_space<vmem>>) target_semaphore(%arg21 : memref<!tpu.dma_semaphore, #tpu.memory_space<semaphore_mem>>)
      } else {
      }
      %add3A_931 = arith.constant 3 : i32
      %add3A_932 = arith.addi %add3A_911, %add3A_931 : i32
      %lt3A_933 = arith.constant 200 : i32
      %lt3A_934 = arith.cmpi slt, %add3A_932, %lt3A_933 : i32
      %convert_element_type3A_935 = arith.extui %lt3A_934 : i1 to i32
      %cond3A_936 = arith.constant 0 : i32
      %cond3A_937 = arith.cmpi ne, %convert_element_type3A_935, %cond3A_936 : i32
      scf.if %cond3A_937 {
        %dma_wait3A_979 = arith.constant 0 : i32
        %dma_wait3A_980 = arith.constant 0 : i32
        %dma_wait3A_981 = arith.constant 0 : i32
        %dma_wait3A_982 = arith.constant 2 : i32
        %dma_wait3A_983 = arith.constant 0 : i32
        %dma_wait3A_984 = tpu.memref_slice %arg6[%dma_wait3A_982, %dma_wait3A_983] : memref<4x128xi32, #tpu.memory_space<vmem>> -> memref<1x128xi32, #tpu.memory_space<vmem>>
        %dma_wait3A_985 = tpu.memref_squeeze %dma_wait3A_984 : memref<1x128xi32, #tpu.memory_space<vmem>> -> memref<128xi32, #tpu.memory_space<vmem>>
        %dma_wait3A_986 = arith.constant 0 : i32
        %dma_wait3A_987 = tpu.memref_slice %arg2[%dma_wait3A_979, %dma_wait3A_980, %dma_wait3A_981, %dma_wait3A_986] : memref<25x32x8x128xi32, #tpu.memory_space<hbm>> -> memref<1x1x1x128xi32, #tpu.memory_space<hbm>>
        %dma_wait3A_988 = tpu.memref_squeeze %dma_wait3A_987 : memref<1x1x1x128xi32, #tpu.memory_space<hbm>> -> memref<128xi32, #tpu.memory_space<hbm>>
        %dma_wait3A_989 = arith.constant 0 : i32
        %dma_wait3A_990 = tpu.memref_slice %arg6[%dma_wait3A_982, %dma_wait3A_989] : memref<4x128xi32, #tpu.memory_space<vmem>> -> memref<1x128xi32, #tpu.memory_space<vmem>>
        %dma_wait3A_991 = tpu.memref_squeeze %dma_wait3A_990 : memref<1x128xi32, #tpu.memory_space<vmem>> -> memref<128xi32, #tpu.memory_space<vmem>>
        %dma_wait3A_992 = arith.constant 0 : i32
        %dma_wait3A_993 = tpu.memref_slice %arg2[%dma_wait3A_979, %dma_wait3A_980, %dma_wait3A_981, %dma_wait3A_992] : memref<25x32x8x128xi32, #tpu.memory_space<hbm>> -> memref<1x1x1x128xi32, #tpu.memory_space<hbm>>
        %dma_wait3A_994 = tpu.memref_squeeze %dma_wait3A_993 : memref<1x1x1x128xi32, #tpu.memory_space<hbm>> -> memref<128xi32, #tpu.memory_space<hbm>>
        tpu.wait_dma2 semaphore(%arg20 : memref<!tpu.dma_semaphore, #tpu.memory_space<semaphore_mem>>) src(%dma_wait3A_994 : memref<128xi32, #tpu.memory_space<hbm>>) dst(%dma_wait3A_991 : memref<128xi32, #tpu.memory_space<vmem>>)
        %get3A_995 = arith.constant 2 : i32
        %get3A_996 = arith.index_cast %get3A_995 : i32 to index
        %get3A_997 = arith.constant 0 : index
        %get3A_998 = tpu.vector_load %arg6[%get3A_996, %get3A_997] {strides = array<i32>} : memref<4x128xi32, #tpu.memory_space<vmem>>, vector<16xi32>,
        %get3A_999 = arith.constant 2 : i32
        %get3A_1000 = arith.index_cast %get3A_999 : i32 to index
        %get3A_1001 = arith.constant 0 : index
        %get3A_1002 = tpu.vector_load %arg6[%get3A_1000, %get3A_1001] {strides = array<i32>} : memref<4x128xi32, #tpu.memory_space<vmem>>, vector<16xi32>,
        %add3A_1003 = arith.addi %get3A_998, %get3A_1002 : vector<16xi32>
        %swap3A_1004 = arith.constant 2 : i32
        %swap3A_1005 = arith.index_cast %swap3A_1004 : i32 to index
        %swap3A_1006 = arith.constant 0 : index
        %swap3A_1007 = tpu.vector_load %arg6[%swap3A_1005, %swap3A_1006] {strides = array<i32>} : memref<4x128xi32, #tpu.memory_space<vmem>>, vector<16xi32>,
        tpu.vector_store %arg6[%swap3A_1005, %swap3A_1006], %add3A_1003 {strides = array<i32>} : memref<4x128xi32, #tpu.memory_space<vmem>>, vector<16xi32>,
        %get3A_1008 = arith.constant 2 : i32
        %get3A_1009 = arith.index_cast %get3A_1008 : i32 to index
        %get3A_1010 = arith.constant 16 : index
        %get3A_1011 = tpu.vector_load %arg6[%get3A_1009, %get3A_1010] {strides = array<i32>} : memref<4x128xi32, #tpu.memory_space<vmem>>, vector<16xi32>,
        %get3A_1012 = arith.constant 2 : i32
        %get3A_1013 = arith.index_cast %get3A_1012 : i32 to index
        %get3A_1014 = arith.constant 16 : index
        %get3A_1015 = tpu.vector_load %arg6[%get3A_1013, %get3A_1014] {strides = array<i32>} : memref<4x128xi32, #tpu.memory_space<vmem>>, vector<16xi32>,
        %add3A_1016 = arith.addi %get3A_1011, %get3A_1015 : vector<16xi32>
        %swap3A_1017 = arith.constant 2 : i32
        %swap3A_1018 = arith.index_cast %swap3A_1017 : i32 to index
        %swap3A_1019 = arith.constant 16 : index
        %swap3A_1020 = tpu.vector_load %arg6[%swap3A_1018, %swap3A_1019] {strides = array<i32>} : memref<4x128xi32, #tpu.memory_space<vmem>>, vector<16xi32>,
        tpu.vector_store %arg6[%swap3A_1018, %swap3A_1019], %add3A_1016 {strides = array<i32>} : memref<4x128xi32, #tpu.memory_space<vmem>>, vector<16xi32>,
        %get3A_1021 = arith.constant 2 : i32
        %get3A_1022 = arith.index_cast %get3A_1021 : i32 to index
        %get3A_1023 = arith.constant 32 : index
        %get3A_1024 = tpu.vector_load %arg6[%get3A_1022, %get3A_1023] {strides = array<i32>} : memref<4x128xi32, #tpu.memory_space<vmem>>, vector<16xi32>,
        %get3A_1025 = arith.constant 2 : i32
        %get3A_1026 = arith.index_cast %get3A_1025 : i32 to index
        %get3A_1027 = arith.constant 32 : index
        %get3A_1028 = tpu.vector_load %arg6[%get3A_1026, %get3A_1027] {strides = array<i32>} : memref<4x128xi32, #tpu.memory_space<vmem>>, vector<16xi32>,
        %add3A_1029 = arith.addi %get3A_1024, %get3A_1028 : vector<16xi32>
        %swap3A_1030 = arith.constant 2 : i32
        %swap3A_1031 = arith.index_cast %swap3A_1030 : i32 to index
        %swap3A_1032 = arith.constant 32 : index
        %swap3A_1033 = tpu.vector_load %arg6[%swap3A_1031, %swap3A_1032] {strides = array<i32>} : memref<4x128xi32, #tpu.memory_space<vmem>>, vector<16xi32>,
        tpu.vector_store %arg6[%swap3A_1031, %swap3A_1032], %add3A_1029 {strides = array<i32>} : memref<4x128xi32, #tpu.memory_space<vmem>>, vector<16xi32>,
        %get3A_1034 = arith.constant 2 : i32
        %get3A_1035 = arith.index_cast %get3A_1034 : i32 to index
        %get3A_1036 = arith.constant 48 : index
        %get3A_1037 = tpu.vector_load %arg6[%get3A_1035, %get3A_1036] {strides = array<i32>} : memref<4x128xi32, #tpu.memory_space<vmem>>, vector<16xi32>,
        %get3A_1038 = arith.constant 2 : i32
        %get3A_1039 = arith.index_cast %get3A_1038 : i32 to index
        %get3A_1040 = arith.constant 48 : index
        %get3A_1041 = tpu.vector_load %arg6[%get3A_1039, %get3A_1040] {strides = array<i32>} : memref<4x128xi32, #tpu.memory_space<vmem>>, vector<16xi32>,
        %add3A_1042 = arith.addi %get3A_1037, %get3A_1041 : vector<16xi32>
        %swap3A_1043 = arith.constant 2 : i32
        %swap3A_1044 = arith.index_cast %swap3A_1043 : i32 to index
        %swap3A_1045 = arith.constant 48 : index
        %swap3A_1046 = tpu.vector_load %arg6[%swap3A_1044, %swap3A_1045] {strides = array<i32>} : memref<4x128xi32, #tpu.memory_space<vmem>>, vector<16xi32>,
        tpu.vector_store %arg6[%swap3A_1044, %swap3A_1045], %add3A_1042 {strides = array<i32>} : memref<4x128xi32, #tpu.memory_space<vmem>>, vector<16xi32>,
        %get3A_1047 = arith.constant 2 : i32
        %get3A_1048 = arith.index_cast %get3A_1047 : i32 to index
        %get3A_1049 = arith.constant 64 : index
        %get3A_1050 = tpu.vector_load %arg6[%get3A_1048, %get3A_1049] {strides = array<i32>} : memref<4x128xi32, #tpu.memory_space<vmem>>, vector<16xi32>,
        %get3A_1051 = arith.constant 2 : i32
        %get3A_1052 = arith.index_cast %get3A_1051 : i32 to index
        %get3A_1053 = arith.constant 64 : index
        %get3A_1054 = tpu.vector_load %arg6[%get3A_1052, %get3A_1053] {strides = array<i32>} : memref<4x128xi32, #tpu.memory_space<vmem>>, vector<16xi32>,
        %add3A_1055 = arith.addi %get3A_1050, %get3A_1054 : vector<16xi32>
        %swap3A_1056 = arith.constant 2 : i32
        %swap3A_1057 = arith.index_cast %swap3A_1056 : i32 to index
        %swap3A_1058 = arith.constant 64 : index
        %swap3A_1059 = tpu.vector_load %arg6[%swap3A_1057, %swap3A_1058] {strides = array<i32>} : memref<4x128xi32, #tpu.memory_space<vmem>>, vector<16xi32>,
        tpu.vector_store %arg6[%swap3A_1057, %swap3A_1058], %add3A_1055 {strides = array<i32>} : memref<4x128xi32, #tpu.memory_space<vmem>>, vector<16xi32>,
        %get3A_1060 = arith.constant 2 : i32
        %get3A_1061 = arith.index_cast %get3A_1060 : i32 to index
        %get3A_1062 = arith.constant 80 : index
        %get3A_1063 = tpu.vector_load %arg6[%get3A_1061, %get3A_1062] {strides = array<i32>} : memref<4x128xi32, #tpu.memory_space<vmem>>, vector<16xi32>,
        %get3A_1064 = arith.constant 2 : i32
        %get3A_1065 = arith.index_cast %get3A_1064 : i32 to index
        %get3A_1066 = arith.constant 80 : index
        %get3A_1067 = tpu.vector_load %arg6[%get3A_1065, %get3A_1066] {strides = array<i32>} : memref<4x128xi32, #tpu.memory_space<vmem>>, vector<16xi32>,
        %add3A_1068 = arith.addi %get3A_1063, %get3A_1067 : vector<16xi32>
        %swap3A_1069 = arith.constant 2 : i32
        %swap3A_1070 = arith.index_cast %swap3A_1069 : i32 to index
        %swap3A_1071 = arith.constant 80 : index
        %swap3A_1072 = tpu.vector_load %arg6[%swap3A_1070, %swap3A_1071] {strides = array<i32>} : memref<4x128xi32, #tpu.memory_space<vmem>>, vector<16xi32>,
        tpu.vector_store %arg6[%swap3A_1070, %swap3A_1071], %add3A_1068 {strides = array<i32>} : memref<4x128xi32, #tpu.memory_space<vmem>>, vector<16xi32>,
        %get3A_1073 = arith.constant 2 : i32
        %get3A_1074 = arith.index_cast %get3A_1073 : i32 to index
        %get3A_1075 = arith.constant 96 : index
        %get3A_1076 = tpu.vector_load %arg6[%get3A_1074, %get3A_1075] {strides = array<i32>} : memref<4x128xi32, #tpu.memory_space<vmem>>, vector<16xi32>,
        %get3A_1077 = arith.constant 2 : i32
        %get3A_1078 = arith.index_cast %get3A_1077 : i32 to index
        %get3A_1079 = arith.constant 96 : index
        %get3A_1080 = tpu.vector_load %arg6[%get3A_1078, %get3A_1079] {strides = array<i32>} : memref<4x128xi32, #tpu.memory_space<vmem>>, vector<16xi32>,
        %add3A_1081 = arith.addi %get3A_1076, %get3A_1080 : vector<16xi32>
        %swap3A_1082 = arith.constant 2 : i32
        %swap3A_1083 = arith.index_cast %swap3A_1082 : i32 to index
        %swap3A_1084 = arith.constant 96 : index
        %swap3A_1085 = tpu.vector_load %arg6[%swap3A_1083, %swap3A_1084] {strides = array<i32>} : memref<4x128xi32, #tpu.memory_space<vmem>>, vector<16xi32>,
        tpu.vector_store %arg6[%swap3A_1083, %swap3A_1084], %add3A_1081 {strides = array<i32>} : memref<4x128xi32, #tpu.memory_space<vmem>>, vector<16xi32>,
        %get3A_1086 = arith.constant 2 : i32
        %get3A_1087 = arith.index_cast %get3A_1086 : i32 to index
        %get3A_1088 = arith.constant 112 : index
        %get3A_1089 = tpu.vector_load %arg6[%get3A_1087, %get3A_1088] {strides = array<i32>} : memref<4x128xi32, #tpu.memory_space<vmem>>, vector<16xi32>,
        %get3A_1090 = arith.constant 2 : i32
        %get3A_1091 = arith.index_cast %get3A_1090 : i32 to index
        %get3A_1092 = arith.constant 112 : index
        %get3A_1093 = tpu.vector_load %arg6[%get3A_1091, %get3A_1092] {strides = array<i32>} : memref<4x128xi32, #tpu.memory_space<vmem>>, vector<16xi32>,
        %add3A_1094 = arith.addi %get3A_1089, %get3A_1093 : vector<16xi32>
        %swap3A_1095 = arith.constant 2 : i32
        %swap3A_1096 = arith.index_cast %swap3A_1095 : i32 to index
        %swap3A_1097 = arith.constant 112 : index
        %swap3A_1098 = tpu.vector_load %arg6[%swap3A_1096, %swap3A_1097] {strides = array<i32>} : memref<4x128xi32, #tpu.memory_space<vmem>>, vector<16xi32>,
        tpu.vector_store %arg6[%swap3A_1096, %swap3A_1097], %add3A_1094 {strides = array<i32>} : memref<4x128xi32, #tpu.memory_space<vmem>>, vector<16xi32>,
        %dma_start3A_1099 = arith.constant 2 : i32
        %dma_start3A_1100 = arith.constant 2 : i32
        %dma_start3A_1101 = arith.constant 0 : i32
        %dma_start3A_1102 = arith.constant 0 : i32
        %dma_start3A_1103 = tpu.memref_slice %arg7[%dma_start3A_1100, %dma_start3A_1101, %dma_start3A_1102] : memref<4x128x64xf32, #tpu.memory_space<vmem>> -> memref<1x128x64xf32, #tpu.memory_space<vmem>>
        %dma_start3A_1104 = tpu.memref_squeeze %dma_start3A_1103 : memref<1x128x64xf32, #tpu.memory_space<vmem>> -> memref<128x64xf32, #tpu.memory_space<vmem>>
        %dma_start3A_1105 = arith.constant 0 : i32
        %dma_start3A_1106 = tpu.memref_slice %arg6[%dma_start3A_1099, %dma_start3A_1105] : memref<4x128xi32, #tpu.memory_space<vmem>> -> memref<1x128xi32, #tpu.memory_space<vmem>>
        %dma_start3A_1107 = tpu.memref_squeeze %dma_start3A_1106 : memref<1x128xi32, #tpu.memory_space<vmem>> -> memref<128xi32, #tpu.memory_space<vmem>>
        %dma_start3A_1108 = arith.constant 0 : i32
        %dma_start3A_1109 = arith.constant 0 : i32
        %dma_start3A_1110 = tpu.memref_slice %arg3[%dma_start3A_1108, %dma_start3A_1109] : memref<200000x64xf32, #tpu.memory_space<hbm>> -> memref<200000x64xf32, #tpu.memory_space<hbm>>
        tpu.enqueue_indirect_dma source(%dma_start3A_1110 : memref<200000x64xf32, #tpu.memory_space<hbm>>) target(%dma_start3A_1104 : memref<128x64xf32, #tpu.memory_space<vmem>>) offsets(%dma_start3A_1107 : memref<128xi32, #tpu.memory_space<vmem>>) semaphore(%arg12 : memref<!tpu.dma_semaphore, #tpu.memory_space<semaphore_mem>>)
      } else {
      }
      %ge3A_938 = arith.constant 4 : i32
      %ge3A_939 = arith.cmpi sge, %add3A_911, %ge3A_938 : i32
      %convert_element_type3A_940 = arith.extui %ge3A_939 : i1 to i32
      %cond3A_941 = arith.constant 0 : i32
      %cond3A_942 = arith.cmpi ne, %convert_element_type3A_940, %cond3A_941 : i32
      scf.if %cond3A_942 {
        %dma_wait3A_979 = arith.constant 3 : i32
        %dma_wait3A_980 = arith.constant 0 : i32
        %dma_wait3A_981 = arith.constant 0 : i32
        %dma_wait3A_982 = arith.constant 0 : i32
        %dma_wait3A_983 = arith.constant 0 : i32
        %dma_wait3A_984 = arith.constant 0 : i32
        %dma_wait3A_985 = tpu.memref_slice %arg8[%dma_wait3A_979, %dma_wait3A_982, %dma_wait3A_983, %dma_wait3A_984] : memref<4x8x8x129xf32, #tpu.memory_space<vmem>> -> memref<1x8x8x128xf32, #tpu.memory_space<vmem>>
        %dma_wait3A_986 = tpu.memref_squeeze %dma_wait3A_985 : memref<1x8x8x128xf32, #tpu.memory_space<vmem>> -> memref<8x8x128xf32, #tpu.memory_space<vmem>>
        %dma_wait3A_987 = arith.constant 0 : i32
        %dma_wait3A_988 = arith.constant 0 : i32
        %dma_wait3A_989 = arith.constant 0 : i32
        %dma_wait3A_990 = tpu.memref_slice %arg5[%dma_wait3A_980, %dma_wait3A_987, %dma_wait3A_981, %dma_wait3A_988, %dma_wait3A_989] : memref<200x8x32x8x128xf32, #tpu.memory_space<hbm>> -> memref<1x8x1x8x128xf32, #tpu.memory_space<hbm>>
        %dma_wait3A_991 = tpu.memref_squeeze %dma_wait3A_990 : memref<1x8x1x8x128xf32, #tpu.memory_space<hbm>> -> memref<8x8x128xf32, #tpu.memory_space<hbm>>
        %dma_wait3A_992 = arith.constant 0 : i32
        %dma_wait3A_993 = arith.constant 0 : i32
        %dma_wait3A_994 = arith.constant 0 : i32
        %dma_wait3A_995 = tpu.memref_slice %arg5[%dma_wait3A_980, %dma_wait3A_992, %dma_wait3A_981, %dma_wait3A_993, %dma_wait3A_994] : memref<200x8x32x8x128xf32, #tpu.memory_space<hbm>> -> memref<1x8x1x8x128xf32, #tpu.memory_space<hbm>>
        %dma_wait3A_996 = tpu.memref_squeeze %dma_wait3A_995 : memref<1x8x1x8x128xf32, #tpu.memory_space<hbm>> -> memref<8x8x128xf32, #tpu.memory_space<hbm>>
        %dma_wait3A_997 = arith.constant 0 : i32
        %dma_wait3A_998 = arith.constant 0 : i32
        %dma_wait3A_999 = arith.constant 0 : i32
        %dma_wait3A_1000 = tpu.memref_slice %arg8[%dma_wait3A_979, %dma_wait3A_997, %dma_wait3A_998, %dma_wait3A_999] : memref<4x8x8x129xf32, #tpu.memory_space<vmem>> -> memref<1x8x8x128xf32, #tpu.memory_space<vmem>>
        %dma_wait3A_1001 = tpu.memref_squeeze %dma_wait3A_1000 : memref<1x8x8x128xf32, #tpu.memory_space<vmem>> -> memref<8x8x128xf32, #tpu.memory_space<vmem>>
        tpu.wait_dma2 semaphore(%arg17 : memref<!tpu.dma_semaphore, #tpu.memory_space<semaphore_mem>>) src(%dma_wait3A_1001 : memref<8x8x128xf32, #tpu.memory_space<vmem>>) dst(%dma_wait3A_996 : memref<8x8x128xf32, #tpu.memory_space<hbm>>)
      } else {
      }
      %get3A_943 = arith.index_cast %add3A_911 : i32 to index
      %get3A_944 = arith.constant 0 : index
      %get3A_945 = tpu.vector_load %arg9[%get3A_943, %get3A_944] {strides = array<i32>} : memref<200x64xf32, #tpu.memory_space<vmem>>, vector<16xf32>,
      %get3A_946 = arith.index_cast %add3A_911 : i32 to index
      %get3A_947 = arith.constant 16 : index
      %get3A_948 = tpu.vector_load %arg9[%get3A_946, %get3A_947] {strides = array<i32>} : memref<200x64xf32, #tpu.memory_space<vmem>>, vector<16xf32>,
      %get3A_949 = arith.index_cast %add3A_911 : i32 to index
      %get3A_950 = arith.constant 32 : index
      %get3A_951 = tpu.vector_load %arg9[%get3A_949, %get3A_950] {strides = array<i32>} : memref<200x64xf32, #tpu.memory_space<vmem>>, vector<16xf32>,
      %get3A_952 = arith.index_cast %add3A_911 : i32 to index
      %get3A_953 = arith.constant 48 : index
      %get3A_954 = tpu.vector_load %arg9[%get3A_952, %get3A_953] {strides = array<i32>} : memref<200x64xf32, #tpu.memory_space<vmem>>, vector<16xf32>,
      %parallel_loop3A_955 = arith.constant 0 : i32
      %parallel_loop3A_956 = arith.constant 128 : i32
      %parallel_loop3A_957 = arith.constant 1 : i32
      scf.for %parallel_loop3A_979 = %parallel_loop3A_955 to %parallel_loop3A_956 step %parallel_loop3A_957  : i32 {
        %parallel_loop3A_980 = vector.broadcast %parallel_loop3A_979 : i32 to vector<16xi32>
        %parallel_loop3A_981 = arith.constant 3 : i32
        %parallel_loop3A_982 = arith.index_cast %parallel_loop3A_981 : i32 to index
        %parallel_loop3A_983 = arith.index_cast %parallel_loop3A_979 : i32 to index
        %parallel_loop3A_984 = arith.constant 0 : index
        %parallel_loop3A_985 = tpu.vector_load %arg7[%parallel_loop3A_982, %parallel_loop3A_983, %parallel_loop3A_984] {strides = array<i32>} : memref<4x128x64xf32, #tpu.memory_space<vmem>>, vector<16xf32>,
        %parallel_loop3A_986 = arith.addf %parallel_loop3A_985, %get3A_945 : vector<16xf32>
        %parallel_loop3A_987 = arith.constant 3 : i32
        %parallel_loop3A_988 = arith.constant 0 : i32
        %parallel_loop3A_989 = arith.constant 0 : i32
        %parallel_loop3A_990 = arith.constant 0 : i32
        %parallel_loop3A_991 = tpu.memref_slice %arg8[%parallel_loop3A_987, %parallel_loop3A_988, %parallel_loop3A_989, %parallel_loop3A_990] : memref<4x8x8x129xf32, #tpu.memory_space<vmem>> -> memref<1x8x8x129xf32, #tpu.memory_space<vmem>>
        %parallel_loop3A_992 = tpu.memref_squeeze %parallel_loop3A_991 : memref<1x8x8x129xf32, #tpu.memory_space<vmem>> -> memref<8x8x129xf32, #tpu.memory_space<vmem>>
        tpu.vector_store_idx %parallel_loop3A_992[%add3A_26, %select_n3A_148, %parallel_loop3A_980], %parallel_loop3A_986 : memref<8x8x129xf32, #tpu.memory_space<vmem>>[vector<16xi32>, vector<16xi32>, vector<16xi32>], vector<16xf32>,
        %parallel_loop3A_993 = arith.constant 3 : i32
        %parallel_loop3A_994 = arith.index_cast %parallel_loop3A_993 : i32 to index
        %parallel_loop3A_995 = arith.index_cast %parallel_loop3A_979 : i32 to index
        %parallel_loop3A_996 = arith.constant 16 : index
        %parallel_loop3A_997 = tpu.vector_load %arg7[%parallel_loop3A_994, %parallel_loop3A_995, %parallel_loop3A_996] {strides = array<i32>} : memref<4x128x64xf32, #tpu.memory_space<vmem>>, vector<16xf32>,
        %parallel_loop3A_998 = arith.addf %parallel_loop3A_997, %get3A_948 : vector<16xf32>
        %parallel_loop3A_999 = arith.constant 3 : i32
        %parallel_loop3A_1000 = arith.constant 0 : i32
        %parallel_loop3A_1001 = arith.constant 0 : i32
        %parallel_loop3A_1002 = arith.constant 0 : i32
        %parallel_loop3A_1003 = tpu.memref_slice %arg8[%parallel_loop3A_999, %parallel_loop3A_1000, %parallel_loop3A_1001, %parallel_loop3A_1002] : memref<4x8x8x129xf32, #tpu.memory_space<vmem>> -> memref<1x8x8x129xf32, #tpu.memory_space<vmem>>
        %parallel_loop3A_1004 = tpu.memref_squeeze %parallel_loop3A_1003 : memref<1x8x8x129xf32, #tpu.memory_space<vmem>> -> memref<8x8x129xf32, #tpu.memory_space<vmem>>
        tpu.vector_store_idx %parallel_loop3A_1004[%add3A_60, %select_n3A_148, %parallel_loop3A_980], %parallel_loop3A_998 : memref<8x8x129xf32, #tpu.memory_space<vmem>>[vector<16xi32>, vector<16xi32>, vector<16xi32>], vector<16xf32>,
        %parallel_loop3A_1005 = arith.constant 3 : i32
        %parallel_loop3A_1006 = arith.index_cast %parallel_loop3A_1005 : i32 to index
        %parallel_loop3A_1007 = arith.index_cast %parallel_loop3A_979 : i32 to index
        %parallel_loop3A_1008 = arith.constant 32 : index
        %parallel_loop3A_1009 = tpu.vector_load %arg7[%parallel_loop3A_1006, %parallel_loop3A_1007, %parallel_loop3A_1008] {strides = array<i32>} : memref<4x128x64xf32, #tpu.memory_space<vmem>>, vector<16xf32>,
        %parallel_loop3A_1010 = arith.addf %parallel_loop3A_1009, %get3A_951 : vector<16xf32>
        %parallel_loop3A_1011 = arith.constant 3 : i32
        %parallel_loop3A_1012 = arith.constant 0 : i32
        %parallel_loop3A_1013 = arith.constant 0 : i32
        %parallel_loop3A_1014 = arith.constant 0 : i32
        %parallel_loop3A_1015 = tpu.memref_slice %arg8[%parallel_loop3A_1011, %parallel_loop3A_1012, %parallel_loop3A_1013, %parallel_loop3A_1014] : memref<4x8x8x129xf32, #tpu.memory_space<vmem>> -> memref<1x8x8x129xf32, #tpu.memory_space<vmem>>
        %parallel_loop3A_1016 = tpu.memref_squeeze %parallel_loop3A_1015 : memref<1x8x8x129xf32, #tpu.memory_space<vmem>> -> memref<8x8x129xf32, #tpu.memory_space<vmem>>
        tpu.vector_store_idx %parallel_loop3A_1016[%add3A_94, %select_n3A_148, %parallel_loop3A_980], %parallel_loop3A_1010 : memref<8x8x129xf32, #tpu.memory_space<vmem>>[vector<16xi32>, vector<16xi32>, vector<16xi32>], vector<16xf32>,
        %parallel_loop3A_1017 = arith.constant 3 : i32
        %parallel_loop3A_1018 = arith.index_cast %parallel_loop3A_1017 : i32 to index
        %parallel_loop3A_1019 = arith.index_cast %parallel_loop3A_979 : i32 to index
        %parallel_loop3A_1020 = arith.constant 48 : index
        %parallel_loop3A_1021 = tpu.vector_load %arg7[%parallel_loop3A_1018, %parallel_loop3A_1019, %parallel_loop3A_1020] {strides = array<i32>} : memref<4x128x64xf32, #tpu.memory_space<vmem>>, vector<16xf32>,
        %parallel_loop3A_1022 = arith.addf %parallel_loop3A_1021, %get3A_954 : vector<16xf32>
        %parallel_loop3A_1023 = arith.constant 3 : i32
        %parallel_loop3A_1024 = arith.constant 0 : i32
        %parallel_loop3A_1025 = arith.constant 0 : i32
        %parallel_loop3A_1026 = arith.constant 0 : i32
        %parallel_loop3A_1027 = tpu.memref_slice %arg8[%parallel_loop3A_1023, %parallel_loop3A_1024, %parallel_loop3A_1025, %parallel_loop3A_1026] : memref<4x8x8x129xf32, #tpu.memory_space<vmem>> -> memref<1x8x8x129xf32, #tpu.memory_space<vmem>>
        %parallel_loop3A_1028 = tpu.memref_squeeze %parallel_loop3A_1027 : memref<1x8x8x129xf32, #tpu.memory_space<vmem>> -> memref<8x8x129xf32, #tpu.memory_space<vmem>>
        tpu.vector_store_idx %parallel_loop3A_1028[%add3A_128, %select_n3A_148, %parallel_loop3A_980], %parallel_loop3A_1022 : memref<8x8x129xf32, #tpu.memory_space<vmem>>[vector<16xi32>, vector<16xi32>, vector<16xi32>], vector<16xf32>,
      } {sc.loop_unroll_factor = 4 : i64, sc.parallel_access}
      %dma_start3A_958 = arith.constant 3 : i32
      %dma_start3A_959 = arith.constant 0 : i32
      %dma_start3A_960 = arith.constant 0 : i32
      %dma_start3A_961 = arith.constant 0 : i32
      %dma_start3A_962 = tpu.memref_slice %arg8[%dma_start3A_958, %dma_start3A_959, %dma_start3A_960, %dma_start3A_961] : memref<4x8x8x129xf32, #tpu.memory_space<vmem>> -> memref<1x8x8x128xf32, #tpu.memory_space<vmem>>
      %dma_start3A_963 = tpu.memref_squeeze %dma_start3A_962 : memref<1x8x8x128xf32, #tpu.memory_space<vmem>> -> memref<8x8x128xf32, #tpu.memory_space<vmem>>
      %dma_start3A_964 = arith.constant 0 : i32
      %dma_start3A_965 = arith.constant 0 : i32
      %dma_start3A_966 = arith.constant 0 : i32
      %dma_start3A_967 = tpu.memref_slice %arg5[%add3A_911, %dma_start3A_964, %add3A, %dma_start3A_965, %dma_start3A_966] : memref<200x8x32x8x128xf32, #tpu.memory_space<hbm>> -> memref<1x8x1x8x128xf32, #tpu.memory_space<hbm>>
      %dma_start3A_968 = tpu.memref_squeeze %dma_start3A_967 : memref<1x8x1x8x128xf32, #tpu.memory_space<hbm>> -> memref<8x8x128xf32, #tpu.memory_space<hbm>>
      %dma_start3A_969 = arith.constant 0 : i32
      %dma_start3A_970 = arith.constant 0 : i32
      %dma_start3A_971 = arith.constant 0 : i32
      %dma_start3A_972 = tpu.memref_slice %arg5[%add3A_911, %dma_start3A_969, %add3A, %dma_start3A_970, %dma_start3A_971] : memref<200x8x32x8x128xf32, #tpu.memory_space<hbm>> -> memref<1x8x1x8x128xf32, #tpu.memory_space<hbm>>
      %dma_start3A_973 = tpu.memref_squeeze %dma_start3A_972 : memref<1x8x1x8x128xf32, #tpu.memory_space<hbm>> -> memref<8x8x128xf32, #tpu.memory_space<hbm>>
      %dma_start3A_974 = arith.constant 0 : i32
      %dma_start3A_975 = arith.constant 0 : i32
      %dma_start3A_976 = arith.constant 0 : i32
      %dma_start3A_977 = tpu.memref_slice %arg8[%dma_start3A_958, %dma_start3A_974, %dma_start3A_975, %dma_start3A_976] : memref<4x8x8x129xf32, #tpu.memory_space<vmem>> -> memref<1x8x8x128xf32, #tpu.memory_space<vmem>>
      %dma_start3A_978 = tpu.memref_squeeze %dma_start3A_977 : memref<1x8x8x128xf32, #tpu.memory_space<vmem>> -> memref<8x8x128xf32, #tpu.memory_space<vmem>>
      tpu.enqueue_dma source(%dma_start3A_978 : memref<8x8x128xf32, #tpu.memory_space<vmem>>) target(%dma_start3A_973 : memref<8x8x128xf32, #tpu.memory_space<hbm>>) target_semaphore(%arg17 : memref<!tpu.dma_semaphore, #tpu.memory_space<semaphore_mem>>)
    }
    %scan3A_605 = arith.constant 50 : i32
    %dma_wait3A_606 = arith.constant 0 : i32
    %dma_wait3A_607 = arith.constant 0 : i32
    %dma_wait3A_608 = arith.constant 0 : i32
    %dma_wait3A_609 = arith.constant 0 : i32
    %dma_wait3A_610 = arith.constant 0 : i32
    %dma_wait3A_611 = arith.constant 0 : i32
    %dma_wait3A_612 = tpu.memref_slice %arg8[%dma_wait3A_606, %dma_wait3A_609, %dma_wait3A_610, %dma_wait3A_611] : memref<4x8x8x129xf32, #tpu.memory_space<vmem>> -> memref<1x8x8x128xf32, #tpu.memory_space<vmem>>
    %dma_wait3A_613 = tpu.memref_squeeze %dma_wait3A_612 : memref<1x8x8x128xf32, #tpu.memory_space<vmem>> -> memref<8x8x128xf32, #tpu.memory_space<vmem>>
    %dma_wait3A_614 = arith.constant 0 : i32
    %dma_wait3A_615 = arith.constant 0 : i32
    %dma_wait3A_616 = arith.constant 0 : i32
    %dma_wait3A_617 = tpu.memref_slice %arg5[%dma_wait3A_607, %dma_wait3A_614, %dma_wait3A_608, %dma_wait3A_615, %dma_wait3A_616] : memref<200x8x32x8x128xf32, #tpu.memory_space<hbm>> -> memref<1x8x1x8x128xf32, #tpu.memory_space<hbm>>
    %dma_wait3A_618 = tpu.memref_squeeze %dma_wait3A_617 : memref<1x8x1x8x128xf32, #tpu.memory_space<hbm>> -> memref<8x8x128xf32, #tpu.memory_space<hbm>>
    %dma_wait3A_619 = arith.constant 0 : i32
    %dma_wait3A_620 = arith.constant 0 : i32
    %dma_wait3A_621 = arith.constant 0 : i32
    %dma_wait3A_622 = tpu.memref_slice %arg5[%dma_wait3A_607, %dma_wait3A_619, %dma_wait3A_608, %dma_wait3A_620, %dma_wait3A_621] : memref<200x8x32x8x128xf32, #tpu.memory_space<hbm>> -> memref<1x8x1x8x128xf32, #tpu.memory_space<hbm>>
    %dma_wait3A_623 = tpu.memref_squeeze %dma_wait3A_622 : memref<1x8x1x8x128xf32, #tpu.memory_space<hbm>> -> memref<8x8x128xf32, #tpu.memory_space<hbm>>
    %dma_wait3A_624 = arith.constant 0 : i32
    %dma_wait3A_625 = arith.constant 0 : i32
    %dma_wait3A_626 = arith.constant 0 : i32
    %dma_wait3A_627 = tpu.memref_slice %arg8[%dma_wait3A_606, %dma_wait3A_624, %dma_wait3A_625, %dma_wait3A_626] : memref<4x8x8x129xf32, #tpu.memory_space<vmem>> -> memref<1x8x8x128xf32, #tpu.memory_space<vmem>>
    %dma_wait3A_628 = tpu.memref_squeeze %dma_wait3A_627 : memref<1x8x8x128xf32, #tpu.memory_space<vmem>> -> memref<8x8x128xf32, #tpu.memory_space<vmem>>
    tpu.wait_dma2 semaphore(%arg14 : memref<!tpu.dma_semaphore, #tpu.memory_space<semaphore_mem>>) src(%dma_wait3A_628 : memref<8x8x128xf32, #tpu.memory_space<vmem>>) dst(%dma_wait3A_623 : memref<8x8x128xf32, #tpu.memory_space<hbm>>)
    %dma_wait3A_629 = arith.constant 1 : i32
    %dma_wait3A_630 = arith.constant 0 : i32
    %dma_wait3A_631 = arith.constant 0 : i32
    %dma_wait3A_632 = arith.constant 0 : i32
    %dma_wait3A_633 = arith.constant 0 : i32
    %dma_wait3A_634 = arith.constant 0 : i32
    %dma_wait3A_635 = tpu.memref_slice %arg8[%dma_wait3A_629, %dma_wait3A_632, %dma_wait3A_633, %dma_wait3A_634] : memref<4x8x8x129xf32, #tpu.memory_space<vmem>> -> memref<1x8x8x128xf32, #tpu.memory_space<vmem>>
    %dma_wait3A_636 = tpu.memref_squeeze %dma_wait3A_635 : memref<1x8x8x128xf32, #tpu.memory_space<vmem>> -> memref<8x8x128xf32, #tpu.memory_space<vmem>>
    %dma_wait3A_637 = arith.constant 0 : i32
    %dma_wait3A_638 = arith.constant 0 : i32
    %dma_wait3A_639 = arith.constant 0 : i32
    %dma_wait3A_640 = tpu.memref_slice %arg5[%dma_wait3A_630, %dma_wait3A_637, %dma_wait3A_631, %dma_wait3A_638, %dma_wait3A_639] : memref<200x8x32x8x128xf32, #tpu.memory_space<hbm>> -> memref<1x8x1x8x128xf32, #tpu.memory_space<hbm>>
    %dma_wait3A_641 = tpu.memref_squeeze %dma_wait3A_640 : memref<1x8x1x8x128xf32, #tpu.memory_space<hbm>> -> memref<8x8x128xf32, #tpu.memory_space<hbm>>
    %dma_wait3A_642 = arith.constant 0 : i32
    %dma_wait3A_643 = arith.constant 0 : i32
    %dma_wait3A_644 = arith.constant 0 : i32
    %dma_wait3A_645 = tpu.memref_slice %arg5[%dma_wait3A_630, %dma_wait3A_642, %dma_wait3A_631, %dma_wait3A_643, %dma_wait3A_644] : memref<200x8x32x8x128xf32, #tpu.memory_space<hbm>> -> memref<1x8x1x8x128xf32, #tpu.memory_space<hbm>>
    %dma_wait3A_646 = tpu.memref_squeeze %dma_wait3A_645 : memref<1x8x1x8x128xf32, #tpu.memory_space<hbm>> -> memref<8x8x128xf32, #tpu.memory_space<hbm>>
    %dma_wait3A_647 = arith.constant 0 : i32
    %dma_wait3A_648 = arith.constant 0 : i32
    %dma_wait3A_649 = arith.constant 0 : i32
    %dma_wait3A_650 = tpu.memref_slice %arg8[%dma_wait3A_629, %dma_wait3A_647, %dma_wait3A_648, %dma_wait3A_649] : memref<4x8x8x129xf32, #tpu.memory_space<vmem>> -> memref<1x8x8x128xf32, #tpu.memory_space<vmem>>
    %dma_wait3A_651 = tpu.memref_squeeze %dma_wait3A_650 : memref<1x8x8x128xf32, #tpu.memory_space<vmem>> -> memref<8x8x128xf32, #tpu.memory_space<vmem>>
    tpu.wait_dma2 semaphore(%arg15 : memref<!tpu.dma_semaphore, #tpu.memory_space<semaphore_mem>>) src(%dma_wait3A_651 : memref<8x8x128xf32, #tpu.memory_space<vmem>>) dst(%dma_wait3A_646 : memref<8x8x128xf32, #tpu.memory_space<hbm>>)
    %dma_wait3A_652 = arith.constant 2 : i32
    %dma_wait3A_653 = arith.constant 0 : i32
    %dma_wait3A_654 = arith.constant 0 : i32
    %dma_wait3A_655 = arith.constant 0 : i32
    %dma_wait3A_656 = arith.constant 0 : i32
    %dma_wait3A_657 = arith.constant 0 : i32
    %dma_wait3A_658 = tpu.memref_slice %arg8[%dma_wait3A_652, %dma_wait3A_655, %dma_wait3A_656, %dma_wait3A_657] : memref<4x8x8x129xf32, #tpu.memory_space<vmem>> -> memref<1x8x8x128xf32, #tpu.memory_space<vmem>>
    %dma_wait3A_659 = tpu.memref_squeeze %dma_wait3A_658 : memref<1x8x8x128xf32, #tpu.memory_space<vmem>> -> memref<8x8x128xf32, #tpu.memory_space<vmem>>
    %dma_wait3A_660 = arith.constant 0 : i32
    %dma_wait3A_661 = arith.constant 0 : i32
    %dma_wait3A_662 = arith.constant 0 : i32
    %dma_wait3A_663 = tpu.memref_slice %arg5[%dma_wait3A_653, %dma_wait3A_660, %dma_wait3A_654, %dma_wait3A_661, %dma_wait3A_662] : memref<200x8x32x8x128xf32, #tpu.memory_space<hbm>> -> memref<1x8x1x8x128xf32, #tpu.memory_space<hbm>>
    %dma_wait3A_664 = tpu.memref_squeeze %dma_wait3A_663 : memref<1x8x1x8x128xf32, #tpu.memory_space<hbm>> -> memref<8x8x128xf32, #tpu.memory_space<hbm>>
    %dma_wait3A_665 = arith.constant 0 : i32
    %dma_wait3A_666 = arith.constant 0 : i32
    %dma_wait3A_667 = arith.constant 0 : i32
    %dma_wait3A_668 = tpu.memref_slice %arg5[%dma_wait3A_653, %dma_wait3A_665, %dma_wait3A_654, %dma_wait3A_666, %dma_wait3A_667] : memref<200x8x32x8x128xf32, #tpu.memory_space<hbm>> -> memref<1x8x1x8x128xf32, #tpu.memory_space<hbm>>
    %dma_wait3A_669 = tpu.memref_squeeze %dma_wait3A_668 : memref<1x8x1x8x128xf32, #tpu.memory_space<hbm>> -> memref<8x8x128xf32, #tpu.memory_space<hbm>>
    %dma_wait3A_670 = arith.constant 0 : i32
    %dma_wait3A_671 = arith.constant 0 : i32
    %dma_wait3A_672 = arith.constant 0 : i32
    %dma_wait3A_673 = tpu.memref_slice %arg8[%dma_wait3A_652, %dma_wait3A_670, %dma_wait3A_671, %dma_wait3A_672] : memref<4x8x8x129xf32, #tpu.memory_space<vmem>> -> memref<1x8x8x128xf32, #tpu.memory_space<vmem>>
    %dma_wait3A_674 = tpu.memref_squeeze %dma_wait3A_673 : memref<1x8x8x128xf32, #tpu.memory_space<vmem>> -> memref<8x8x128xf32, #tpu.memory_space<vmem>>
    tpu.wait_dma2 semaphore(%arg16 : memref<!tpu.dma_semaphore, #tpu.memory_space<semaphore_mem>>) src(%dma_wait3A_674 : memref<8x8x128xf32, #tpu.memory_space<vmem>>) dst(%dma_wait3A_669 : memref<8x8x128xf32, #tpu.memory_space<hbm>>)
    %dma_wait3A_675 = arith.constant 3 : i32
    %dma_wait3A_676 = arith.constant 0 : i32
    %dma_wait3A_677 = arith.constant 0 : i32
    %dma_wait3A_678 = arith.constant 0 : i32
    %dma_wait3A_679 = arith.constant 0 : i32
    %dma_wait3A_680 = arith.constant 0 : i32
    %dma_wait3A_681 = tpu.memref_slice %arg8[%dma_wait3A_675, %dma_wait3A_678, %dma_wait3A_679, %dma_wait3A_680] : memref<4x8x8x129xf32, #tpu.memory_space<vmem>> -> memref<1x8x8x128xf32, #tpu.memory_space<vmem>>
    %dma_wait3A_682 = tpu.memref_squeeze %dma_wait3A_681 : memref<1x8x8x128xf32, #tpu.memory_space<vmem>> -> memref<8x8x128xf32, #tpu.memory_space<vmem>>
    %dma_wait3A_683 = arith.constant 0 : i32
    %dma_wait3A_684 = arith.constant 0 : i32
    %dma_wait3A_685 = arith.constant 0 : i32
    %dma_wait3A_686 = tpu.memref_slice %arg5[%dma_wait3A_676, %dma_wait3A_683, %dma_wait3A_677, %dma_wait3A_684, %dma_wait3A_685] : memref<200x8x32x8x128xf32, #tpu.memory_space<hbm>> -> memref<1x8x1x8x128xf32, #tpu.memory_space<hbm>>
    %dma_wait3A_687 = tpu.memref_squeeze %dma_wait3A_686 : memref<1x8x1x8x128xf32, #tpu.memory_space<hbm>> -> memref<8x8x128xf32, #tpu.memory_space<hbm>>
    %dma_wait3A_688 = arith.constant 0 : i32
    %dma_wait3A_689 = arith.constant 0 : i32
    %dma_wait3A_690 = arith.constant 0 : i32
    %dma_wait3A_691 = tpu.memref_slice %arg5[%dma_wait3A_676, %dma_wait3A_688, %dma_wait3A_677, %dma_wait3A_689, %dma_wait3A_690] : memref<200x8x32x8x128xf32, #tpu.memory_space<hbm>> -> memref<1x8x1x8x128xf32, #tpu.memory_space<hbm>>
    %dma_wait3A_692 = tpu.memref_squeeze %dma_wait3A_691 : memref<1x8x1x8x128xf32, #tpu.memory_space<hbm>> -> memref<8x8x128xf32, #tpu.memory_space<hbm>>
    %dma_wait3A_693 = arith.constant 0 : i32
    %dma_wait3A_694 = arith.constant 0 : i32
    %dma_wait3A_695 = arith.constant 0 : i32
    %dma_wait3A_696 = tpu.memref_slice %arg8[%dma_wait3A_675, %dma_wait3A_693, %dma_wait3A_694, %dma_wait3A_695] : memref<4x8x8x129xf32, #tpu.memory_space<vmem>> -> memref<1x8x8x128xf32, #tpu.memory_space<vmem>>
    %dma_wait3A_697 = tpu.memref_squeeze %dma_wait3A_696 : memref<1x8x8x128xf32, #tpu.memory_space<vmem>> -> memref<8x8x128xf32, #tpu.memory_space<vmem>>
    tpu.wait_dma2 semaphore(%arg17 : memref<!tpu.dma_semaphore, #tpu.memory_space<semaphore_mem>>) src(%dma_wait3A_697 : memref<8x8x128xf32, #tpu.memory_space<vmem>>) dst(%dma_wait3A_692 : memref<8x8x128xf32, #tpu.memory_space<hbm>>)
    return
  }
}

</mosaic_0001>

<sc_bundles>
// kernel: kernel.3.cloned.1.call-start
scs
__scs_entry_jumppad:
0x0: {  	(pc) =	sbr.rel $0x88, $3  }
0x1: {  	(tag) =	ssettag $0x0;
	lr =	simm.s32 $0x1  }
0x2: {  	[smem:$0x3F9E] =	sst lr;
	_ =	strace $0xD0000000  }
0x3: {  	_ = 	snop  }
0x4: {  	_ = 	snop  }
0x5: {  	_ = 	snop  }
0x6: {  	_ = 	snop  }
0x7: {  	_ = 	snop  }
__scs_overlays_trampoline_lowered:
0x8: {  	[smem:$0x3FAD] =	sst s0  }
0x9: {  	[smem:$0x3FAE] =	sst s1  }
0xa: {  	[smem:$0x3FAF] =	sst s2  }
0xb: {  	[smem:$0x3FB0] =	sst s3  }
0xc: {  	[smem:$0x3FB1] =	sst s4  }
0xd: {  	[smem:$0x3FB2] =	sst s5  }
0xe: {  	[smem:$0x3FB3] =	sst s6  }
0xf: {  	[smem:$0x3FB4] =	sst s7  }
0x10: {  	[smem:$0x3FB5] =	sst s8  }
0x11: {  	[smem:$0x3FB6] =	sst s9;
	s0 =	simm.s32 @!p0 $0x0  }
0x12: {  	s1 =	sld [smem:$0x3F9C];
	s0 =	simm.s32 @p0 $0x1  }
0x13: {  	[smem:$0x3FB7] =	sst s0;
	s0 =	simm.s32 @!p1 $0x0  }
0x14: {  	s2 =	sld [smem:$0x3F9B];
	s0 =	simm.s32 @p1 $0x1  }
0x15: {  	[smem:$0x3FB8] =	sst s0;
	s0 =	simm.s32 @!p2 $0x0  }
0x16: {  	s3 =	sld [smem:$0x3FDB];
	s0 =	simm.s32 @p2 $0x1  }
0x17: {  	s4 =	simm.s32 $0x1BF5;
	[smem:$0x3FBA] =	sst s0  }
0x18: {  	s0 =	sld [smem:$0x3F9D];
	_ =	swait.ge [sflag:s4], $0x0  }
0x19: {  	s7 =	sld [smem:$0x3F9E]  }
0x1a: {  	s8 =	sadd.s32 $0xFFFFE003, lr  }
0x1b: {  	s9 =	sadd.s32 $0xFFFFFEF7, lr;
	s5 =	simm.s32 $0xFFFFFFFF;
	p2 =	slt.u32 s8, $0xFFFFF086  }
0x1c: {  	p1 =	slt.u32 s9, $0xF7A;
	s5 =	simm.s32 @!p2 $0x0  }
0x1d: {  	s5 =	simm.s32 @p1 $0x1;
	p0 =	seq.s32 s7, s2  }
0x1e: {  	s7 =	smul.u32 @!p0 $0xF7A, s2;
	p2 =	seq.s32 @!p0 s5, $0x0  }
0x1f: {  	s9 =	smul.u32 $0xF7A, s1;
	s8 =	simm.s32 @!p0 $0x1BF5;
	p2 =	por !p2, p0  }
0x20: {  	[sflag:s8] =	ssyncset.s32 @!p0 $0xFFFFF086;
	s6 =	sadd.s32 @!p0 s3, s7;
	s7 =	simm.s32 @!p0 $0x108  }
0x21: {  	s3 =	sadd.s32 s3, s9;
	s6 =	sadd.s32 @!p0 $0x88, s6;
	s7 =	simm.s32 @p2 $0x1082  }
0x22: {  	[simem:s7], [sflag:s8] =	dma.local @!p0 [hbm:s6], $0xF7A  }
0x23: {  	s9 =	sor.u32 $0xD0000000, s2;
	s6 =	simm.s32 $0x108;
	_ =	swait.ge @!p0 [sflag:s8], $0x0  }
0x24: {  	s3 =	sadd.s32 $0x88, s3;
	s6 =	simm.s32 @!p1 $0x1082;
	[sflag:s4] =	ssyncset.s32 $0xFFFFF086  }
0x25: {  	[simem:s6], [sflag:s4] =	dma.local [hbm:s3], $0xF7A  }
0x26: {  	[smem:$0x3F9E] =	sst s1;
	(tag) =	ssettag s2;
	_ =	strace s9  }
0x27: {  	s1 =	sld [smem:$0x3FAE]  }
0x28: {  	s2 =	sld [smem:$0x3FAF]  }
0x29: {  	s4 =	sld [smem:$0x3FB1]  }
0x2a: {  	p0 =	seq.s32 s5, $0x0;
	s5 =	sld [smem:$0x3FB2]  }
0x2b: {  	s6 =	sld [smem:$0x3FB3]  }
0x2c: {  	s7 =	sld [smem:$0x3FB4]  }
0x2d: {  	s3 =	simm.s32 $0x108;
	s8 =	sld [smem:$0x3FB5]  }
0x2e: {  	s3 =	simm.s32 @!p0 $0x1082;
	s9 =	sld [smem:$0x3FB6]  }
0x2f: {  	lr =	sadd.s32 s0, s3;
	s0 =	sld [smem:$0x3FAD]  }
0x30: {  	s3 =	sld [smem:$0x3FB0]  }
0x31: {  	[smem:$0x3FB9] =	sst s10  }
0x32: {  	s10 =	sld [smem:$0x3FB7];
	_ =	sdelay $0x3  }
0x33: {  	p0 =	seq.s32 s10, $0x1;
	s10 =	sld [smem:$0x3FB9];
	_ =	sdelay $0x3  }
0x34: {  	[smem:$0x3FB9] =	sst s10  }
0x35: {  	s10 =	sld [smem:$0x3FB8];
	_ =	sdelay $0x3  }
0x36: {  	p1 =	seq.s32 s10, $0x1;
	s10 =	sld [smem:$0x3FB9];
	_ =	sdelay $0x3  }
0x37: {  	[smem:$0x3FB9] =	sst s10  }
0x38: {  	s10 =	sld [smem:$0x3FBA]  }
0x39: {  	_ = 	snop;
	(pc) =	sbr.ind lr, $3  }
0x3a: {  	_ = 	snop  }
0x3b: {  	_ = 	snop  }
0x3c: {  	p2 =	seq.s32 s10, $0x1;
	s10 =	sld [smem:$0x3FB9]  }
0x3d: {  	_ =	shalt  }
0x3e: {  	_ =	shalt  }
0x3f: {  	_ =	shalt  }
0x40: {  	_ =	shalt  }
0x41: {  	_ =	shalt  }
0x42: {  	_ =	shalt  }
0x43: {  	_ =	shalt  }
0x44: {  	_ =	shalt  }
0x45: {  	_ =	shalt  }
0x46: {  	_ =	shalt  }
0x47: {  	_ =	shalt  }
0x48: {  	_ =	shalt  }
0x49: {  	_ =	shalt  }
0x4a: {  	_ =	shalt  }
0x4b: {  	_ =	shalt  }
0x4c: {  	_ =	shalt  }
0x4d: {  	_ =	shalt  }
0x4e: {  	_ =	shalt  }
0x4f: {  	_ =	shalt  }
0x50: {  	_ =	shalt  }
0x51: {  	_ =	shalt  }
0x52: {  	_ =	shalt  }
0x53: {  	_ =	shalt  }
0x54: {  	_ =	shalt  }
0x55: {  	_ =	shalt  }
0x56: {  	_ =	shalt  }
0x57: {  	_ =	shalt  }
0x58: {  	_ =	shalt  }
0x59: {  	_ =	shalt  }
0x5a: {  	_ =	shalt  }
0x5b: {  	_ =	shalt  }
0x5c: {  	_ =	shalt  }
0x5d: {  	_ =	shalt  }
0x5e: {  	_ =	shalt  }
0x5f: {  	_ =	shalt  }
0x60: {  	_ =	shalt  }
0x61: {  	_ =	shalt  }
0x62: {  	_ =	shalt  }
0x63: {  	_ =	shalt  }
0x64: {  	_ =	shalt  }
0x65: {  	_ =	shalt  }
0x66: {  	_ =	shalt  }
0x67: {  	_ =	shalt  }
0x68: {  	_ =	shalt  }
0x69: {  	_ =	shalt  }
0x6a: {  	_ =	shalt  }
0x6b: {  	_ =	shalt  }
0x6c: {  	_ =	shalt  }
0x6d: {  	_ =	shalt  }
0x6e: {  	_ =	shalt  }
0x6f: {  	_ =	shalt  }
0x70: {  	_ =	shalt  }
0x71: {  	_ =	shalt  }
0x72: {  	_ =	shalt  }
0x73: {  	_ =	shalt  }
0x74: {  	_ =	shalt  }
0x75: {  	_ =	shalt  }
0x76: {  	_ =	shalt  }
0x77: {  	_ =	shalt  }
0x78: {  	_ =	shalt  }
0x79: {  	_ =	shalt  }
0x7a: {  	_ =	shalt  }
0x7b: {  	_ =	shalt  }
0x7c: {  	_ =	shalt  }
0x7d: {  	_ =	shalt  }
0x7e: {  	_ =	shalt  }
0x7f: {  	_ =	shalt  }
0x80: {  	_ =	shalt  }
0x81: {  	_ =	shalt  }
0x82: {  	_ =	shalt  }
0x83: {  	_ =	shalt  }
0x84: {  	_ =	shalt  }
0x85: {  	_ =	shalt  }
0x86: {  	_ =	shalt  }
0x87: {  	_ =	shalt  }
.Lfunc_end0:
.L_simem_size_0:
called_computation_lowered:
.L_overlay_start_0:
0x88: {  	s2 =	sld [smem:$0x3FD9]  }
0x89: {  	s3 =	sld [smem:$0x3FFE];
	_ =	sdelay $0x1  }
0x8a: {  	s1 =	srdreg.scid  }
0x8b: {  	s0 =	sand.u32 $0x1, s1  }
0x8c: {  	s17 =	sshll.u32 s0, $0xA;
	s2 =	sadd.s32 s3, s2  }
0x8d: {  	s2 =	sadd.s32 s2, s17  }
0x8e: {  	[smem:$0x3FC5] =	sst s2  }
0x8f: {  	_ = 	snop  }
0x90: {  	s2 =	sld [smem:$0x3FC9]  }
0x91: {  	s18 =	sld [smem:$0x3FD0];
	(tm) =	ssettm $0x1  }
0x92: {  	s4 =	sld [smem:$0x3FFB];
	_ =	sdelay $0x3  }
0x93: {  	_ =	strace s4  }
0x94: {  	s4 =	sld [smem:$0x3FFC];
	_ =	sdelay $0x3  }
0x95: {  	_ =	strace s4  }
0x96: {  	s4 =	sld [smem:$0x3FFD];
	_ =	sdelay $0x3  }
0x97: {  	_ =	strace s4  }
0x98: {  	_ =	strace $0x8FFFFFFF  }
0x99: {  	s19 =	sld [smem:$0x3FDB];
	_ =	sdelay $0x1  }
0x9a: {  	s5 =	simm.s32 $_scs_section_size  }
0x9b: {  	s6 =	simm.s32 $_size__tile_overlayer_lowered;
	s7 =	simm.s32 $_tile_overlayer_lowered  }
0x9c: {  	s22 =	simm.s32 $0x1BFF;
	s21 =	sshll.u32 s7, $0x1;
	s4 =	sadd.s32 s5, s19  }
0x9d: {  	s8 =	simm.s32 $0x0;
	s20 =	sshll.u32 s6, $0x1;
	s6 =	sadd.s32 s21, s4  }
0x9e: {  	[timem:s8], [sflag:s22] =	dma.local [hbm:s6], s20  }
0x9f: {  	_ =	swait.ge [sflag:s22], s20  }
0xa0: {  	s5 =	ssub.s32 $0x0, s20;
	[sflag:s22] =	ssyncset.done $0x0  }
0xa1: {  	[sflag:s22] =	ssyncadd.s32 s5;
	_ =	sdelay $0x1  }
0xa2: {  	s23 =	simm.s32 $0x1B8B  }
0xa3: {  	_ =	swait.ge [sflag:s23], $0x1  }
0xa4: {  	[sflag:s23] =	ssyncset.done $0x0  }
0xa5: {  	s25 =	simm.s32 $0x1B8E;
	s24 =	sld [smem:$0x3FFE];
	[sflag:s23] =	ssyncadd.s32 $0xFFFFFFFF  }
0xa6: {  	s26 =	simm.s32 $execute0_lowered;
	[smem:$0x3FD2] =	sst s25  }
0xa7: {  	s6 =	sshll.u32 s26, $0x1;
	_ =	strace $0x80000046;
	[dreg:$0x1] =	wrdreg $0xFFFFFFFF  }
0xa8: {  	s28 =	simm.s32 $_size_execute0_lowered;
	s4 =	sadd.s32 s4, s6;
	[dreg:$0x0] =	wrdreg $0x0  }
0xa9: {  	s6 =	sshll.u32 s28, $0x1;
	[dreg:$0x2] =	wrdreg s4  }
0xaa: {  	[dreg:$0x3] =	wrdreg s6  }
0xab: {  	[dreg:$0x4] =	wrdreg $0xC0  }
0xac: {  	_ =	task [dreg:s8], $0x5FFFF  }
0xad: {  	[dreg:$0x1] =	wrdreg $0xFFFFFFFF  }
0xae: {  	[dreg:$0x0] =	wrdreg $0x60  }
0xaf: {  	[dreg:$0x2] =	wrdreg s2  }
0xb0: {  	[dreg:$0x3] =	wrdreg s24  }
0xb1: {  	[dreg:$0x4] =	wrdreg s18  }
0xb2: {  	[dreg:$0x5] =	wrdreg $0x9  }
0xb3: {  	_ =	task.clear_ibuf [dreg:s8], $0x6FFFF;
	_ =	strace $0x90000046  }
0xb4: {  	s29 =	simm.s32 $0x9;
	_ =	strace $0x80000048  }
0xb5: {  	_ =	swait.ge [sflag:s29], $0x1  }
0xb6: {  	[sflag:s29] =	ssyncadd.s32 $0xFFFFFFFF  }
0xb7: {  	_ =	strace $0x90000048  }
0xb8: {  	_ =	sfence  }
0xb9: {  	s30 =	sld [smem:$0x0];
	_ =	sdelay $0x2  }
0xba: {  	s31 =	sshll.u32 s1, $0xD;
	s1 =	sshrl.u32 s1, $0x2  }
0xbb: {  	s3 =	sand.u32 $0x4000, s31;
	s1 =	sadd.s32 s1, s30  }
0xbc: {  	s0 =	sor.u32 s3, s0;
	s1 =	sshll.u32 s1, $0x11  }
0xbd: {  	s0 =	sor.u32 s1, s0  }
0xbe: {  	s0 =	sadd.s32 $0x8F2B, s0  }
0xbf: {  	[sflag:s0] =	ssyncadd.remote.s32 $0x1  }
0xc0: {  	_ =	sfence.sel $0xFFFF  }
0xc1: {  	[dreg:$0x0] =	wrdreg $0xFFFFFFFF;
	(pc) =	sbr.abs _section_cstart, $3  }
0xc2: {  	[dreg:$0x1] =	wrdreg $0xFFFFFFFF  }
0xc3: {  	_ =	task.clear_ibuf [dreg:s8], $0x2FFFF;
	_ =	strace $0x9FFFFFFF  }
0xc4: {  	(tm) =	ssettm $0x7FFFFFFF  }
0xc5: {  	_ =	shalt  }
tec
execute0_lowered:
.L_overlay_start_1:
0x0: {  	(tag) =	ssettag $0x1  }
0x1: {  	s1 =	rddreg [dreg:$0x0]  }
0x2: {  	s0 =	rddreg [dreg:$0x1]  }
0x3: {  	s3 =	rddreg [dreg:$0x2];
	s2 =	srdreg.scid  }
0x4: {  	s4 =	simm.s32 $0x0;
	s5 =	stileid.u32;
	s15 =	simm.s32 $0x80  }
0x5: {  	s17 =	simm.s32 $0x180;
	s28 =	simm.s32 $0x8200;
	s29 =	simm.s32 $0x2  }
0x6: {  	s30 =	simm.s32 $0xA400;
	s31 =	simm.s32 $0x3;
	s13 =	simm.s32 $0xE800  }
0x7: {  	s19 =	simm.s32 $0x5;
	s2 =	sand.u32 $0x1, s2;
	[smem:$0x7FF] =	sst s4  }
0x8: {  	s5 =	sshll.u32 s5, $0xB;
	s6 =	sshll.u32 s2, $0xA;
	_ =	strace $0x80000047  }
0x9: {  	s2 =	ssub.s32 $0x2, s2;
	s5 =	sor.u32 s6, s5;
	s6 =	sadd.s32 $0xC00, s0  }
0xa: {  	s7 =	sshrl.u32 s2, $0x1;
	s0 =	sadd.s32 $0x400, s0;
	s8 =	sshrl.u32 s5, $0x3  }
0xb: {  	[dreg:$0x4] =	wrdreg s0;
	s23 =	ssub.s32 s2, s7;
	s24 =	sadd.s32 s1, s8  }
0xc: {  	s21 =	simm.s32 $0x6;
	s0 =	smax.u32 s23, $0x1;
	[dreg:$0x5] =	wrdreg s24  }
0xd: {  	s16 =	simm.s32 $0x8;
	s25 =	sadd.s32 $0x10, s24;
	[dreg:$0x9] =	wrdreg s0  }
0xe: {  	v0 =	vlaneseq.u32;
	s7 =	simm.s32 $0x0;
	s26 =	sadd.s32 $0x20, s24;
	[dreg:$0x6] =	wrdreg s25  }
0xf: {  	v0 =	vmul.u32 $0x88, v0;
	s23 =	simm.s32 $0x7;
	s2 =	sadd.s32 $0x30, s24;
	[dreg:$0x7] =	wrdreg s26  }
0x10: {  	s24 =	simm.s32 $0x1;
	s0 =	simm.s32 $0xC600;
	[dreg:$0x8] =	wrdreg s2  }
0x11: {  	v1 =	vadd.s32 $0x880, v0;
	v2 =	vadd.s32 $0x1100, v0;
	v3 =	vadd.s32 $0x1980, v0;
	s25 =	simm.s32 $0xC;
	s26 =	simm.s32 $0x6200;
	s2 =	simm.s32 $0x4  }
.LBB2_1:
0x12: {  	s8 =	rddreg [dreg:$0x4];
	s9 =	simm.s32 $0x10A00;
	s14 =	simm.s32 $0xD  }
0x13: {  	[tilespmem:s9], [sflag:$0xD] =	stream.linear.gather [hbm4b:s8+s4], $0x3200, $0x38;
	[tilespmem:$0x13C00] =	vst v63  }
0x14: {  	_ =	swait.ge [sflag:s14], $0x3200  }
0x15: {  	[sflag:s14] =	ssyncset.done $0x0  }
0x16: {  	s18 =	rddreg [dreg:$0x5];
	[sflag:s14] =	ssyncadd.s32 $0xFFFFCE00  }
0x17: {  	[tilespmem:s4], [sflag:$0x9] =	stream.linear.gather [hbm4b:s18+s4], $0x80, $0x38;
	[tilespmem:$0x13C00] =	vst v63  }
0x18: {  	s20 =	rddreg [dreg:$0x6]  }
0x19: {  	[tilespmem:s15], [sflag:$0xA] =	stream.linear.gather [hbm4b:s20+s4], $0x80, $0x38;
	[tilespmem:$0x13C00] =	vst v63  }
0x1a: {  	s9 =	simm.s32 $0x100;
	s22 =	rddreg [dreg:$0x7]  }
0x1b: {  	[tilespmem:s9], [sflag:$0xB] =	stream.linear.gather [hbm4b:s22+s4], $0x80, $0x38;
	[tilespmem:$0x13C00] =	vst v63  }
0x1c: {  	s11 =	simm.s32 $0x9;
	s10 =	rddreg [dreg:$0x8]  }
0x1d: {  	[tilespmem:s17], [sflag:$0xC] =	stream.linear.gather [hbm4b:s10+s4], $0x80, $0x38;
	[tilespmem:$0x13C00] =	vst v63  }
0x1e: {  	_ =	swait.ge [sflag:s11], $0x80  }
0x1f: {  	[sflag:s11] =	ssyncset.done $0x0  }
0x20: {  	[sflag:s11] =	ssyncadd.s32 $0xFFFFFF80  }
0x21: {  	v4 =	vld [tilespmem:$0x0]  }
0x22: {  	v5 =	vld [tilespmem:$0x10]  }
0x23: {  	v6 =	vld [tilespmem:$0x20]  }
0x24: {  	v7 =	vld [tilespmem:$0x30]  }
0x25: {  	v8 =	vld [tilespmem:$0x40]  }
0x26: {  	v9 =	vld [tilespmem:$0x50];
	v4 =	vshll.u32 v4, $0x1  }
0x27: {  	[tilespmem:$0x0] =	vst v4;
	v4 =	vshll.u32 v5, $0x1;
	v5 =	vld [tilespmem:$0x60]  }
0x28: {  	v53 =	vld [tilespmem:$0x70];
	[tilespmem:$0x10] =	vst v4;
	v4 =	vshll.u32 v6, $0x1  }
0x29: {  	[tilespmem:$0x20] =	vst v4;
	v4 =	vshll.u32 v7, $0x1  }
0x2a: {  	[tilespmem:$0x30] =	vst v4;
	v4 =	vshll.u32 v8, $0x1  }
0x2b: {  	[tilespmem:$0x40] =	vst v4;
	v4 =	vshll.u32 v9, $0x1  }
0x2c: {  	[tilespmem:$0x50] =	vst v4;
	v4 =	vshll.u32 v5, $0x1  }
0x2d: {  	[tilespmem:$0x60] =	vst v4;
	v4 =	vshll.u32 v53, $0x1  }
0x2e: {  	s12 =	simm.s32 $0x200;
	s14 =	simm.s32 $0xA;
	[tilespmem:$0x70] =	vst v4  }
0x2f: {  	[tilespmem:s12], [sflag:$0x1] =	stream.indirect.gather [hbm4b:s6+s15], $0x40, s4, s15, $0xb8;
	[tilespmem:$0x13C00] =	vst v63  }
0x30: {  	_ =	swait.ge [sflag:s14], $0x80  }
0x31: {  	[sflag:s14] =	ssyncset.done $0x0  }
0x32: {  	[sflag:s14] =	ssyncadd.s32 $0xFFFFFF80  }
0x33: {  	v4 =	vld [tilespmem:$0x80]  }
0x34: {  	v5 =	vld [tilespmem:$0x90]  }
0x35: {  	v54 =	vld [tilespmem:$0xA0]  }
0x36: {  	v55 =	vld [tilespmem:$0xB0]  }
0x37: {  	v56 =	vld [tilespmem:$0xC0]  }
0x38: {  	v57 =	vld [tilespmem:$0xD0];
	v4 =	vshll.u32 v4, $0x1  }
0x39: {  	[tilespmem:$0x80] =	vst v4;
	v4 =	vshll.u32 v5, $0x1;
	v5 =	vld [tilespmem:$0xE0]  }
0x3a: {  	v58 =	vld [tilespmem:$0xF0];
	[tilespmem:$0x90] =	vst v4;
	v4 =	vshll.u32 v54, $0x1  }
0x3b: {  	[tilespmem:$0xA0] =	vst v4;
	v4 =	vshll.u32 v55, $0x1  }
0x3c: {  	[tilespmem:$0xB0] =	vst v4;
	v4 =	vshll.u32 v56, $0x1  }
0x3d: {  	[tilespmem:$0xC0] =	vst v4;
	v4 =	vshll.u32 v57, $0x1  }
0x3e: {  	[tilespmem:$0xD0] =	vst v4;
	v4 =	vshll.u32 v5, $0x1  }
0x3f: {  	[tilespmem:$0xE0] =	vst v4;
	v4 =	vshll.u32 v58, $0x1  }
0x40: {  	s18 =	simm.s32 $0x2200;
	s20 =	simm.s32 $0xB;
	[tilespmem:$0xF0] =	vst v4  }
0x41: {  	[tilespmem:s18], [sflag:$0x2] =	stream.indirect.gather [hbm4b:s6+s15], $0x40, s15, s15, $0xb8;
	[tilespmem:$0x13C00] =	vst v63  }
0x42: {  	_ =	swait.ge [sflag:s20], $0x80  }
0x43: {  	[sflag:s20] =	ssyncset.done $0x0  }
0x44: {  	[sflag:s20] =	ssyncadd.s32 $0xFFFFFF80  }
0x45: {  	v4 =	vld [tilespmem:$0x100]  }
0x46: {  	v5 =	vld [tilespmem:$0x110]  }
0x47: {  	v59 =	vld [tilespmem:$0x120]  }
0x48: {  	v60 =	vld [tilespmem:$0x130]  }
0x49: {  	v61 =	vld [tilespmem:$0x140]  }
0x4a: {  	v62 =	vld [tilespmem:$0x150];
	v4 =	vshll.u32 v4, $0x1  }
0x4b: {  	[tilespmem:$0x100] =	vst v4;
	v4 =	vshll.u32 v5, $0x1;
	v5 =	vld [tilespmem:$0x160]  }
0x4c: {  	v63 =	vld [tilespmem:$0x170];
	[tilespmem:$0x110] =	vst v4;
	v4 =	vshll.u32 v59, $0x1  }
0x4d: {  	[tilespmem:$0x120] =	vst v4;
	v4 =	vshll.u32 v60, $0x1  }
0x4e: {  	[tilespmem:$0x130] =	vst v4;
	v4 =	vshll.u32 v61, $0x1  }
0x4f: {  	[tilespmem:$0x140] =	vst v4;
	v4 =	vshll.u32 v62, $0x1  }
0x50: {  	[tilespmem:$0x150] =	vst v4;
	v4 =	vshll.u32 v5, $0x1  }
0x51: {  	[tilespmem:$0x160] =	vst v4;
	v4 =	vshll.u32 v63, $0x1  }
0x52: {  	s22 =	simm.s32 $0x4200;
	[tilespmem:$0x170] =	vst v4  }
0x53: {  	[tilespmem:s22], [sflag:$0x3] =	stream.indirect.gather [hbm4b:s6+s15], $0x40, s9, s15, $0xb8;
	[tilespmem:$0x13C00] =	vst v63  }
0x54: {  	s9 =	simm.s32 $0x0  }
.LBB2_2:
0x55: {  	s11 =	sshll.u32 s9, $0x2;
	p0 =	seq.s32 s9, $0x31  }
0x56: {  	s8 =	sadd.s32 @!p0 $0x4, s11  }
0x57: {  	s10 =	sshll.u32 @!p0 s8, $0x7;
	s8 =	sshll.u32 @!p0 s8, $0xC  }
0x58: {  	s10 =	sand.u32 @!p0 $0x200, s10;
	s8 =	sand.u32 @!p0 $0x1F8000, s8  }
0x59: {  	s8 =	sor.u32 @!p0 s8, s10  }
0x5a: {  	_ =	swait.ge [sflag:s24], $0x2000;
	s8 =	sor.u32 @!p0 s5, s8  }
0x5b: {  	[sflag:s24] =	ssyncset.done $0x0;
	s8 =	sshrl.u32 @!p0 s8, $0x3  }
0x5c: {  	[sflag:s24] =	ssyncadd.s32 $0xFFFFE000;
	s10 =	simm.s32 @!p0 $0x0;
	s8 =	sadd.s32 @!p0 s1, s8  }
0x5d: {  	[tilespmem:s10], [sflag:$0x9] =	stream.linear.gather @!p0 [hbm4b:s8+s10], $0x80, $0x38;
	[tilespmem:$0x13C00] =	vst v63  }
0x5e: {  	_ =	swait.ge [sflag:s25], $0x80  }
0x5f: {  	[sflag:s25] =	ssyncset.done $0x0  }
0x60: {  	[sflag:s25] =	ssyncadd.s32 $0xFFFFFF80  }
0x61: {  	v4 =	vld [tilespmem:$0x180]  }
0x62: {  	v5 =	vld [tilespmem:$0x190]  }
0x63: {  	v6 =	vld [tilespmem:$0x1A0]  }
0x64: {  	v7 =	vld [tilespmem:$0x1B0]  }
0x65: {  	v8 =	vld [tilespmem:$0x1C0]  }
0x66: {  	v9 =	vld [tilespmem:$0x1D0];
	v4 =	vshll.u32 v4, $0x1  }
0x67: {  	[tilespmem:$0x180] =	vst v4;
	v4 =	vshll.u32 v5, $0x1;
	v5 =	vld [tilespmem:$0x1E0]  }
0x68: {  	[tilespmem:$0x190] =	vst v4;
	v4 =	vshll.u32 v6, $0x1;
	v6 =	vld [tilespmem:$0x1F0]  }
0x69: {  	[tilespmem:$0x1A0] =	vst v4;
	v4 =	vshll.u32 v7, $0x1  }
0x6a: {  	[tilespmem:$0x1B0] =	vst v4;
	v4 =	vshll.u32 v8, $0x1  }
0x6b: {  	[tilespmem:$0x1C0] =	vst v4;
	v4 =	vshll.u32 v9, $0x1  }
0x6c: {  	[tilespmem:$0x1D0] =	vst v4;
	v4 =	vshll.u32 v5, $0x1  }
0x6d: {  	p1 =	seq.s32 s9, $0x0;
	[tilespmem:$0x1E0] =	vst v4;
	v4 =	vshll.u32 v6, $0x1  }
0x6e: {  	s8 =	simm.s32 @!p1 $0x5;
	[tilespmem:$0x1F0] =	vst v4  }
0x6f: {  	[tilespmem:s26], [sflag:$0x4] =	stream.indirect.gather [hbm4b:s6+s15], $0x40, s17, s15, $0xb8;
	[tilespmem:$0x13C00] =	vst v63  }
0x70: {  	_ =	swait.ge @!p1 [sflag:s8], $0x2000  }
0x71: {  	s14 =	sshll.u32 s9, $0x8;
	[sflag:s8] =	ssyncset.done @!p1 $0x0  }
0x72: {  	s18 =	sand.u32 $0x3FFFFF00, s14;
	[sflag:s8] =	ssyncadd.s32 @!p1 $0xFFFFE000  }
0x73: {  	s12 =	simm.s32 $0x3;
	s10 =	simm.s32 $0x280;
	v9 =	vld [tilespmem:s18+$0x10A00]  }
0x74: {  	v4 =	vmov s12;
	v7 =	vld [tilespmem:s10+$0x40]  }
0x75: {  	v13 =	vand.u32 $0x7F, v4  }
0x76: {  	s20 =	simm.s32 $0x0;
	v8 =	vadd.s32 v0, v13;
	v6 =	vld [tilespmem:s18+$0x10A10]  }
0x77: {  	s22 =	simm.s32 $0x1;
	s14 =	simm.s32 $0x2;
	v4 =	vmov s20;
	v10 =	vld [tilespmem:s10+$0xFFFFFF80]  }
0x78: {  	v14 =	vmov s14;
	v12 =	vand.u32 $0x7C, v4;
	v4 =	vmov s22;
	v11 =	vld [tilespmem:s10+$0xFFFFFFC0]  }
0x79: {  	v15 =	vadd.s32 v0, v12;
	v19 =	vand.u32 $0x7D, v4;
	v16 =	vld [tilespmem:s10+$0x0];
	v7 =	vadd.f32 v7, v9  }
0x7a: {  	v20 =	vand.u32 $0x7E, v14;
	v17 =	vadd.s32 v0, v19;
	v5 =	vld [tilespmem:s18+$0x10A20]  }
0x7b: {  	v14 =	vadd.s32 v0, v20;
	v4 =	vld [tilespmem:s18+$0x10A30];
	[tilespmem:v8+s28+$0x0] =	vst.idx.msk $0xffff, v7  }
0x7c: {  	v7 =	vadd.f32 v10, v9;
	v8 =	vld [tilespmem:s10+$0x50]  }
0x7d: {  	v10 =	vadd.f32 v11, v9  }
0x7e: {  	v11 =	vadd.s32 v1, v13;
	[tilespmem:v15+s28+$0x0] =	vst.idx.msk $0xffff, v7;
	v7 =	vadd.f32 v16, v9  }
0x7f: {  	[tilespmem:v17+s28+$0x0] =	vst.idx.msk $0xffff, v10;
	v15 =	vld [tilespmem:s10+$0xFFFFFF90]  }
0x80: {  	v10 =	vld [tilespmem:s10+$0xFFFFFFD0];
	[tilespmem:v14+s28+$0x0] =	vst.idx.msk $0xffff, v7  }
0x81: {  	v14 =	vld [tilespmem:s10+$0x10];
	v7 =	vadd.f32 v8, v6  }
0x82: {  	s12 =	simm.s32 $0x380;
	s18 =	simm.s32 $0x7;
	v16 =	vadd.s32 v1, v19  }
0x83: {  	s14 =	simm.s32 $0x4;
	v26 =	vadd.s32 v2, v13;
	v18 =	vld [tilespmem:s12+$0x40];
	v17 =	vadd.s32 v1, v20;
	[tilespmem:v11+s28+$0x0] =	vst.idx.msk $0xffff, v7;
	v7 =	vmov s18  }
0x84: {  	v21 =	vadd.s32 v1, v12;
	v8 =	vmov s14;
	v7 =	vand.u32 $0x7F, v7;
	v22 =	vld [tilespmem:s10+$0x60]  }
0x85: {  	s20 =	simm.s32 $0x5;
	v23 =	vld [tilespmem:s12+$0xFFFFFF80];
	v8 =	vand.u32 $0x7C, v8;
	v10 =	vadd.f32 v10, v6;
	v24 =	vadd.s32 v0, v7  }
0x86: {  	s22 =	simm.s32 $0x6;
	v25 =	vld [tilespmem:s12+$0xFFFFFFC0];
	v15 =	vadd.f32 v15, v6;
	v11 =	vadd.f32 v14, v6;
	v14 =	vmov s20  }
0x87: {  	v27 =	vadd.s32 v0, v8;
	[tilespmem:v16+s28+$0x0] =	vst.idx.msk $0xffff, v10;
	v16 =	vmov s22;
	v10 =	vand.u32 $0x7D, v14;
	v14 =	vld [tilespmem:s12+$0x0]  }
0x88: {  	[tilespmem:v17+s28+$0x0] =	vst.idx.msk $0xffff, v11;
	v17 =	vadd.s32 v0, v10;
	v11 =	vand.u32 $0x7E, v16;
	v16 =	vadd.f32 v18, v9;
	v18 =	vld [tilespmem:s10+$0xFFFFFFE0]  }
0x89: {  	[tilespmem:v21+s28+$0x0] =	vst.idx.msk $0xffff, v15;
	v15 =	vadd.s32 v0, v11;
	v21 =	vld [tilespmem:s10+$0x20];
	v22 =	vadd.f32 v22, v5  }
0x8a: {  	v23 =	vadd.f32 v23, v9;
	[tilespmem:v24+s28+$0x0] =	vst.idx.msk $0xffff, v16;
	v16 =	vld [tilespmem:s10+$0xFFFFFFA0];
	v24 =	vadd.s32 v2, v19  }
0x8b: {  	v29 =	vadd.s32 v2, v20;
	v25 =	vadd.f32 v25, v9;
	v28 =	vld [tilespmem:s12+$0x50];
	[tilespmem:v26+s28+$0x0] =	vst.idx.msk $0xffff, v22  }
0x8c: {  	[tilespmem:v27+s28+$0x0] =	vst.idx.msk $0xffff, v23;
	v23 =	vadd.s32 v2, v12;
	v14 =	vadd.f32 v14, v9;
	v26 =	vld [tilespmem:s10+$0x70]  }
0x8d: {  	v27 =	vld [tilespmem:s12+$0xFFFFFF90];
	[tilespmem:v17+s28+$0x0] =	vst.idx.msk $0xffff, v25;
	v25 =	vadd.s32 v1, v7;
	v18 =	vadd.f32 v18, v5  }
0x8e: {  	v31 =	vadd.s32 v3, v13;
	v30 =	vld [tilespmem:s12+$0xFFFFFFD0];
	[tilespmem:v15+s28+$0x0] =	vst.idx.msk $0xffff, v14;
	v14 =	vadd.f32 v21, v5  }
0x8f: {  	v22 =	vadd.s32 v1, v8;
	v17 =	vld [tilespmem:s12+$0x10];
	v13 =	vadd.f32 v16, v5;
	[tilespmem:v24+s28+$0x0] =	vst.idx.msk $0xffff, v18  }
0x90: {  	s14 =	simm.s32 $0x8;
	v21 =	vadd.s32 v1, v10;
	[tilespmem:v29+s28+$0x0] =	vst.idx.msk $0xffff, v14;
	v18 =	vadd.f32 v28, v6;
	v16 =	vld [tilespmem:s10+$0xFFFFFFF0]  }
0x91: {  	v24 =	vmov s14;
	v14 =	vadd.s32 v1, v11;
	v15 =	vld [tilespmem:s10+$0x30];
	[tilespmem:v23+s28+$0x0] =	vst.idx.msk $0xffff, v13;
	v63 =	vadd.f32 v26, v4  }
0x92: {  	s8 =	simm.s32 $0x480;
	s18 =	simm.s32 $0xB;
	v19 =	vadd.s32 v3, v19;
	v13 =	vand.u32 $0x7C, v24;
	v24 =	vadd.f32 v27, v6;
	[tilespmem:v25+s28+$0x0] =	vst.idx.msk $0xffff, v18;
	v18 =	vld [tilespmem:s10+$0xFFFFFFB0]  }
0x93: {  	v20 =	vadd.s32 v3, v20;
	v26 =	vmov s18;
	v23 =	vld [tilespmem:s8+$0x40];
	s18 =	simm.s32 $0xC;
	s10 =	sor.u32 $0x3, s11;
	v25 =	vadd.f32 v30, v6;
	[tilespmem:v31+s28+$0x0] =	vst.idx.msk $0xffff, v63  }
.LBB2_3:
0x94: {  	p1 =	slt.u32 s18, $0x7C;
	s20 =	sadd.s32 $0x1, s14;
	v26 =	vand.u32 $0x7F, v26;
	[tilespmem:v22+s28+$0x0] =	vst.idx.msk $0xffff, v24;
	v17 =	vadd.f32 v17, v6;
	v22 =	vld [tilespmem:s12+$0x60];
	v24 =	vadd.s32 v3, v12  }
0x95: {  	v30 =	vmovc v11;
	v27 =	vld [tilespmem:s8+$0xFFFFFF80];
	v28 =	vmov s20;
	s20 =	sadd.s32 $0x2, s14;
	v29 =	vadd.s32 v0, v26;
	[tilespmem:v21+s28+$0x0] =	vst.idx.msk $0xffff, v25;
	v16 =	vadd.f32 v16, v4;
	s14 =	smov.u32 s18  }
0x96: {  	v12 =	vmovc v8;
	v21 =	vld [tilespmem:s8+$0xFFFFFFC0];
	v11 =	vmov s20;
	[tilespmem:v14+s28+$0x0] =	vst.idx.msk $0xffff, v17;
	v14 =	vadd.s32 v2, v7;
	v15 =	vadd.f32 v15, v4  }
0x97: {  	v17 =	vadd.s32 v0, v13;
	v28 =	vand.u32 $0x7D, v28;
	v25 =	vld [tilespmem:s8+$0x0];
	v31 =	vadd.f32 v18, v4;
	[tilespmem:v19+s28+$0x0] =	vst.idx.msk $0xffff, v16  }
0x98: {  	v16 =	vadd.s32 v0, v28;
	v11 =	vand.u32 $0x7E, v11;
	v18 =	vadd.f32 v23, v9;
	v19 =	vld [tilespmem:s12+$0xFFFFFFE0];
	[tilespmem:v20+s28+$0x0] =	vst.idx.msk $0xffff, v15  }
0x99: {  	v8 =	vmov v13;
	v15 =	vadd.s32 v0, v11;
	v20 =	vld [tilespmem:s12+$0x20];
	v22 =	vadd.f32 v22, v5;
	[tilespmem:v24+s28+$0x0] =	vst.idx.msk $0xffff, v31  }
0x9a: {  	v23 =	vadd.s32 v2, v10;
	v13 =	vadd.f32 v27, v9;
	[tilespmem:v29+s28+$0x0] =	vst.idx.msk $0xffff, v18;
	v18 =	vld [tilespmem:s12+$0xFFFFFFA0]  }
0x9b: {  	v27 =	vadd.s32 v2, v30;
	v21 =	vadd.f32 v21, v9;
	v24 =	vld [tilespmem:s8+$0x50];
	[tilespmem:v14+s28+$0x0] =	vst.idx.msk $0xffff, v22  }
0x9c: {  	[tilespmem:v17+s28+$0x0] =	vst.idx.msk $0xffff, v13;
	v13 =	vadd.f32 v25, v9;
	v25 =	vadd.s32 v2, v12;
	v29 =	vld [tilespmem:s12+$0x70]  }
0x9d: {  	v32 =	vadd.s32 v1, v26;
	v31 =	vld [tilespmem:s8+$0xFFFFFF90];
	[tilespmem:v16+s28+$0x0] =	vst.idx.msk $0xffff, v21;
	v14 =	vadd.f32 v19, v5  }
0x9e: {  	v34 =	vadd.s32 v3, v7;
	v7 =	vmov v26;
	v33 =	vld [tilespmem:s8+$0xFFFFFFD0];
	[tilespmem:v15+s28+$0x0] =	vst.idx.msk $0xffff, v13;
	v13 =	vadd.f32 v20, v5  }
.Ltmp0:
0x9f: {  	v22 =	vadd.s32 v1, v8;
	v17 =	vld [tilespmem:s8+$0x10];
	v15 =	vadd.f32 v18, v5;
	[tilespmem:v23+s28+$0x0] =	vst.idx.msk $0xffff, v14;
	(pc) =	sbr.rel @p1 .LBB2_3-.Ltmp0, $4  }
0xa0: {  	v21 =	vadd.s32 v1, v28;
	v18 =	vadd.f32 v24, v6;
	v16 =	vld [tilespmem:s12+$0xFFFFFFF0];
	[tilespmem:v27+s28+$0x0] =	vst.idx.msk $0xffff, v13  }
0xa1: {  	v14 =	vadd.s32 v1, v11;
	v13 =	vmov s18;
	[tilespmem:v25+s28+$0x0] =	vst.idx.msk $0xffff, v15;
	v15 =	vld [tilespmem:s12+$0x30];
	v27 =	vadd.f32 v29, v4  }
0xa2: {  	s20 =	sadd.s32 $0x3, s18;
	v19 =	vadd.s32 v3, v10;
	v13 =	vand.u32 $0x7C, v13;
	v24 =	vadd.f32 v31, v6;
	[tilespmem:v32+s28+$0x0] =	vst.idx.msk $0xffff, v18;
	v18 =	vld [tilespmem:s12+$0xFFFFFFB0];
	s12 =	smov.u32 s8;
	s8 =	sadd.s32 $0x100, s8  }
0xa3: {  	v26 =	vmov s20;
	v10 =	vmovc v28;
	v20 =	vadd.s32 v3, v30;
	s18 =	sadd.s32 $0x4, s18;
	v23 =	vld [tilespmem:s8+$0x40];
	v25 =	vadd.f32 v33, v6;
	[tilespmem:v34+s28+$0x0] =	vst.idx.msk $0xffff, v27  }
0xa4: {  	s18 =	sadd.s32 $0x1, s14  }
0xa5: {  	v26 =	vand.u32 $0x7F, v26;
	v28 =	vld [tilespmem:s8+$0xFFFFFFC0];
	v27 =	vmov s18;
	s18 =	sadd.s32 $0x2, s14  }
0xa6: {  	v31 =	vld [tilespmem:s8+$0x0];
	v29 =	vadd.s32 v0, v26;
	v30 =	vmov s18;
	v27 =	vand.u32 $0x7D, v27  }
0xa7: {  	v32 =	vld [tilespmem:s8+$0xFFFFFF80];
	v33 =	vadd.s32 v0, v27;
	v30 =	vand.u32 $0x7E, v30  }
0xa8: {  	v34 =	vadd.s32 v0, v30  }
0xa9: {  	[tilespmem:v22+s28+$0x0] =	vst.idx.msk $0xffff, v24;
	v44 =	vadd.s32 v0, v13;
	v23 =	vadd.f32 v23, v9  }
0xaa: {  	[tilespmem:v21+s28+$0x0] =	vst.idx.msk $0xffff, v25;
	v45 =	vadd.f32 v28, v9  }
0xab: {  	v46 =	vadd.f32 v31, v9;
	[tilespmem:v29+s28+$0x0] =	vst.idx.msk $0xffff, v23  }
0xac: {  	v47 =	vadd.f32 v32, v9;
	v48 =	vld [tilespmem:s8+$0x50];
	[tilespmem:v33+s28+$0x0] =	vst.idx.msk $0xffff, v45  }
0xad: {  	v17 =	vadd.f32 v17, v6;
	v12 =	vadd.s32 v3, v12;
	v21 =	vld [tilespmem:s8+$0xFFFFFFD0];
	[tilespmem:v34+s28+$0x0] =	vst.idx.msk $0xffff, v46  }
0xae: {  	v16 =	vadd.f32 v16, v4;
	v49 =	vadd.s32 v1, v26;
	[tilespmem:v44+s28+$0x0] =	vst.idx.msk $0xffff, v47;
	v50 =	vld [tilespmem:s8+$0x10]  }
0xaf: {  	[tilespmem:v14+s28+$0x0] =	vst.idx.msk $0xffff, v17;
	v51 =	vadd.f32 v15, v4;
	v53 =	vadd.s32 v1, v27;
	v52 =	vld [tilespmem:s8+$0xFFFFFF90]  }
0xb0: {  	v54 =	vld [tilespmem:s12+$0x60];
	v18 =	vadd.f32 v18, v4;
	[tilespmem:v19+s28+$0x0] =	vst.idx.msk $0xffff, v16;
	v55 =	vadd.s32 v1, v30  }
0xb1: {  	v57 =	vadd.s32 v1, v13;
	v60 =	vld [tilespmem:s12+$0x20];
	[tilespmem:v20+s28+$0x0] =	vst.idx.msk $0xffff, v51;
	v58 =	vadd.f32 v48, v6  }
0xb2: {  	v59 =	vadd.s32 v2, v7;
	v56 =	vld [tilespmem:s12+$0xFFFFFFE0];
	[tilespmem:v12+s28+$0x0] =	vst.idx.msk $0xffff, v18;
	v61 =	vadd.f32 v21, v6  }
0xb3: {  	v62 =	vld [tilespmem:s12+$0xFFFFFFA0];
	v29 =	vadd.s32 v2, v11;
	[tilespmem:v49+s28+$0x0] =	vst.idx.msk $0xffff, v58;
	v28 =	vadd.f32 v50, v6  }
0xb4: {  	v63 =	vadd.s32 v2, v10;
	v31 =	vadd.f32 v52, v6;
	v32 =	vld [tilespmem:s8+$0x60];
	[tilespmem:v53+s28+$0x0] =	vst.idx.msk $0xffff, v61  }
0xb5: {  	v33 =	vadd.f32 v54, v5;
	v34 =	vadd.s32 v2, v8;
	[tilespmem:v55+s28+$0x0] =	vst.idx.msk $0xffff, v28;
	v35 =	vld [tilespmem:s8+$0xFFFFFFE0]  }
0xb6: {  	v37 =	vadd.s32 v2, v26;
	v39 =	vadd.f32 v60, v5;
	[tilespmem:v57+s28+$0x0] =	vst.idx.msk $0xffff, v31;
	v38 =	vld [tilespmem:s8+$0x20]  }
0xb7: {  	v41 =	vadd.s32 v2, v27;
	v36 =	vadd.f32 v56, v5;
	[tilespmem:v59+s28+$0x0] =	vst.idx.msk $0xffff, v33;
	v40 =	vld [tilespmem:s8+$0xFFFFFFA0]  }
0xb8: {  	v43 =	vadd.s32 v2, v30;
	v18 =	vadd.f32 v62, v5;
	v42 =	vld [tilespmem:s12+$0x70];
	[tilespmem:v29+s28+$0x0] =	vst.idx.msk $0xffff, v39  }
0xb9: {  	v45 =	vadd.s32 v2, v13;
	[tilespmem:v63+s28+$0x0] =	vst.idx.msk $0xffff, v36;
	v47 =	vld [tilespmem:s12+$0x30];
	v44 =	vadd.f32 v32, v5  }
0xba: {  	v46 =	vadd.s32 v3, v7;
	v21 =	vld [tilespmem:s12+$0xFFFFFFF0];
	[tilespmem:v34+s28+$0x0] =	vst.idx.msk $0xffff, v18;
	v9 =	vadd.f32 v35, v5  }
0xbb: {  	v18 =	vld [tilespmem:s12+$0xFFFFFFB0];
	v50 =	vadd.s32 v3, v11;
	[tilespmem:v37+s28+$0x0] =	vst.idx.msk $0xffff, v44;
	v49 =	vadd.f32 v38, v5  }
0xbc: {  	v48 =	vadd.s32 v3, v10;
	v12 =	vld [tilespmem:s8+$0x70];
	v5 =	vadd.f32 v40, v5;
	[tilespmem:v41+s28+$0x0] =	vst.idx.msk $0xffff, v9  }
0xbd: {  	v52 =	vadd.s32 v3, v8;
	v51 =	vadd.f32 v42, v4;
	v53 =	vld [tilespmem:s8+$0xFFFFFFF0];
	[tilespmem:v43+s28+$0x0] =	vst.idx.msk $0xffff, v49  }
0xbe: {  	v55 =	vadd.s32 v3, v26;
	v56 =	vadd.f32 v47, v4;
	[tilespmem:v45+s28+$0x0] =	vst.idx.msk $0xffff, v5;
	v5 =	vld [tilespmem:s8+$0x30]  }
0xbf: {  	v58 =	vadd.s32 v3, v27;
	[tilespmem:v46+s28+$0x0] =	vst.idx.msk $0xffff, v51;
	v54 =	vadd.f32 v21, v4;
	v57 =	vld [tilespmem:s8+$0xFFFFFFB0]  }
0xc0: {  	v60 =	vadd.s32 v3, v30;
	v59 =	vadd.f32 v18, v4;
	[tilespmem:v50+s28+$0x0] =	vst.idx.msk $0xffff, v56  }
0xc1: {  	v62 =	vadd.s32 v3, v13;
	[tilespmem:v48+s28+$0x0] =	vst.idx.msk $0xffff, v54;
	v61 =	vadd.f32 v12, v4  }
0xc2: {  	[tilespmem:v52+s28+$0x0] =	vst.idx.msk $0xffff, v59;
	v63 =	vadd.f32 v53, v4  }
0xc3: {  	s20 =	sshll.u32 s9, $0x14;
	[tilespmem:v55+s28+$0x0] =	vst.idx.msk $0xffff, v61;
	v5 =	vadd.f32 v5, v4  }
0xc4: {  	s8 =	sor.u32 s5, s20;
	v4 =	vadd.f32 v57, v4;
	[tilespmem:v58+s28+$0x0] =	vst.idx.msk $0xffff, v63  }
0xc5: {  	s8 =	sshrl.u32 s8, $0x3;
	[tilespmem:v60+s28+$0x0] =	vst.idx.msk $0xffff, v5  }
0xc6: {  	s22 =	simm.s32 $0x8200;
	s12 =	sadd.s32 s3, s8;
	[tilespmem:v62+s28+$0x0] =	vst.idx.msk $0xffff, v4  }
0xc7: {  	[hbm4b:s12+s4] =	stream.linear.scatter [tilespmem:s22], [sflag:$0x5], $0x80, $0x38;
	[tilespmem:$0x13C00] =	vst v63  }
0xc8: {  	s14 =	simm.s32 $0x8288;
	s18 =	sadd.s32 $0x10, s12  }
0xc9: {  	[hbm4b:s18+s4] =	stream.linear.scatter [tilespmem:s14], [sflag:$0x5], $0x80, $0x38;
	[tilespmem:$0x13C00] =	vst v63  }
0xca: {  	s20 =	simm.s32 $0x8310;
	s22 =	sadd.s32 $0x20, s12  }
0xcb: {  	[hbm4b:s22+s4] =	stream.linear.scatter [tilespmem:s20], [sflag:$0x5], $0x80, $0x38;
	[tilespmem:$0x13C00] =	vst v63  }
0xcc: {  	s14 =	simm.s32 $0x8398;
	s18 =	sadd.s32 $0x30, s12  }
0xcd: {  	[hbm4b:s18+s4] =	stream.linear.scatter [tilespmem:s14], [sflag:$0x5], $0x80, $0x38;
	[tilespmem:$0x13C00] =	vst v63  }
0xce: {  	s20 =	simm.s32 $0x8420;
	s22 =	sadd.s32 $0x40, s12  }
0xcf: {  	[hbm4b:s22+s4] =	stream.linear.scatter [tilespmem:s20], [sflag:$0x5], $0x80, $0x38;
	[tilespmem:$0x13C00] =	vst v63  }
0xd0: {  	s8 =	simm.s32 $0x440;
	s14 =	simm.s32 $0x84A8;
	s18 =	sadd.s32 $0x50, s12  }
0xd1: {  	[hbm4b:s18+s4] =	stream.linear.scatter [tilespmem:s14], [sflag:$0x5], $0x80, $0x38;
	[tilespmem:$0x13C00] =	vst v63  }
0xd2: {  	s20 =	simm.s32 $0x8530;
	s22 =	sadd.s32 $0x60, s12;
	s14 =	simm.s32 $0x2200  }
0xd3: {  	[hbm4b:s22+s4] =	stream.linear.scatter [tilespmem:s20], [sflag:$0x5], $0x80, $0x38;
	[tilespmem:$0x13C00] =	vst v63  }
0xd4: {  	s18 =	simm.s32 $0x85B8;
	s20 =	sadd.s32 $0x70, s12;
	s12 =	sadd.s32 $0x1000, s12  }
.LBB2_5:
0xd5: {  	[hbm4b:s20+s4] =	stream.linear.scatter [tilespmem:s18], [sflag:$0x5], $0x80, $0x38;
	[tilespmem:$0x13C00] =	vst v63  }
0xd6: {  	s18 =	smov.u32 s8;
	s8 =	smov.u32 s14  }
0xd7: {  	s22 =	sadd.s32 $0x1100, s14;
	s8 =	sshra.s32 s8, $0x2;
	s20 =	sadd.s32 $0x8200, s18  }
0xd8: {  	[hbm4b:s12+s4] =	stream.linear.scatter [tilespmem:s20], [sflag:$0x5], $0x80, $0x38;
	[tilespmem:$0x13C00] =	vst v63  }
0xd9: {  	p1 =	sne.s32 s14, $0x7700;
	s14 =	sadd.s32 $0x8288, s18;
	s20 =	sadd.s32 $0x10, s12  }
0xda: {  	[hbm4b:s20+s4] =	stream.linear.scatter [tilespmem:s14], [sflag:$0x5], $0x80, $0x38;
	[tilespmem:$0x13C00] =	vst v63  }
0xdb: {  	s14 =	sadd.s32 $0x8310, s18;
	s20 =	sadd.s32 $0x20, s12  }
0xdc: {  	[hbm4b:s20+s4] =	stream.linear.scatter [tilespmem:s14], [sflag:$0x5], $0x80, $0x38;
	[tilespmem:$0x13C00] =	vst v63  }
0xdd: {  	s14 =	sadd.s32 $0x8398, s18;
	s20 =	sadd.s32 $0x30, s12  }
0xde: {  	[hbm4b:s20+s4] =	stream.linear.scatter [tilespmem:s14], [sflag:$0x5], $0x80, $0x38;
	[tilespmem:$0x13C00] =	vst v63  }
0xdf: {  	s14 =	sadd.s32 $0x8420, s18;
	s20 =	sadd.s32 $0x40, s12  }
0xe0: {  	[hbm4b:s20+s4] =	stream.linear.scatter [tilespmem:s14], [sflag:$0x5], $0x80, $0x38;
	[tilespmem:$0x13C00] =	vst v63  }
.Ltmp1:
0xe1: {  	s14 =	sadd.s32 $0x84A8, s18;
	s20 =	sadd.s32 $0x50, s12;
	(pc) =	sbr.rel @p1 .LBB2_5-.Ltmp1, $4  }
0xe2: {  	[hbm4b:s20+s4] =	stream.linear.scatter [tilespmem:s14], [sflag:$0x5], $0x80, $0x38;
	[tilespmem:$0x13C00] =	vst v63  }
0xe3: {  	s14 =	sadd.s32 $0x8530, s18;
	s20 =	sadd.s32 $0x60, s12;
	s18 =	sadd.s32 $0x85B8, s18  }
0xe4: {  	[hbm4b:s20+s4] =	stream.linear.scatter [tilespmem:s14], [sflag:$0x5], $0x80, $0x38;
	[tilespmem:$0x13C00] =	vst v63  }
0xe5: {  	s20 =	sadd.s32 $0x70, s12;
	s12 =	sadd.s32 $0x1000, s12;
	s14 =	smov.u32 s22  }
0xe6: {  	[hbm4b:s20+s4] =	stream.linear.scatter [tilespmem:s18], [sflag:$0x5], $0x80, $0x38;
	[tilespmem:$0x13C00] =	vst v63  }
0xe7: {  	s14 =	sadd.s32 $0x8200, s8  }
0xe8: {  	[hbm4b:s12+s4] =	stream.linear.scatter [tilespmem:s14], [sflag:$0x5], $0x80, $0x38;
	[tilespmem:$0x13C00] =	vst v63  }
0xe9: {  	s20 =	sadd.s32 $0x8288, s8;
	s22 =	sadd.s32 $0x10, s12  }
0xea: {  	[hbm4b:s22+s4] =	stream.linear.scatter [tilespmem:s20], [sflag:$0x5], $0x80, $0x38;
	[tilespmem:$0x13C00] =	vst v63  }
0xeb: {  	s20 =	sadd.s32 $0x8310, s8;
	s22 =	sadd.s32 $0x20, s12  }
0xec: {  	[hbm4b:s22+s4] =	stream.linear.scatter [tilespmem:s20], [sflag:$0x5], $0x80, $0x38;
	[tilespmem:$0x13C00] =	vst v63  }
0xed: {  	s20 =	sadd.s32 $0x8398, s8;
	s22 =	sadd.s32 $0x30, s12  }
0xee: {  	[hbm4b:s22+s4] =	stream.linear.scatter [tilespmem:s20], [sflag:$0x5], $0x80, $0x38;
	[tilespmem:$0x13C00] =	vst v63  }
0xef: {  	s20 =	sadd.s32 $0x8420, s8;
	s22 =	sadd.s32 $0x40, s12  }
0xf0: {  	[hbm4b:s22+s4] =	stream.linear.scatter [tilespmem:s20], [sflag:$0x5], $0x80, $0x38;
	[tilespmem:$0x13C00] =	vst v63  }
0xf1: {  	s20 =	sadd.s32 $0x84A8, s8;
	s22 =	sadd.s32 $0x50, s12  }
0xf2: {  	[hbm4b:s22+s4] =	stream.linear.scatter [tilespmem:s20], [sflag:$0x5], $0x80, $0x38;
	[tilespmem:$0x13C00] =	vst v63  }
0xf3: {  	s20 =	sadd.s32 $0x8530, s8;
	s22 =	sadd.s32 $0x60, s12  }
0xf4: {  	[hbm4b:s22+s4] =	stream.linear.scatter [tilespmem:s20], [sflag:$0x5], $0x80, $0x38;
	[tilespmem:$0x13C00] =	vst v63  }
0xf5: {  	s20 =	sadd.s32 $0x85B8, s8;
	s8 =	sadd.s32 @!p0 $0x5, s11  }
0xf6: {  	s22 =	sadd.s32 $0x70, s12;
	s12 =	sshll.u32 @!p0 s8, $0x7;
	s8 =	sshll.u32 @!p0 s8, $0xC  }
0xf7: {  	[hbm4b:s22+s4] =	stream.linear.scatter [tilespmem:s20], [sflag:$0x5], $0x80, $0x38;
	[tilespmem:$0x13C00] =	vst v63  }
0xf8: {  	s12 =	sand.u32 @!p0 $0x280, s12;
	s8 =	sand.u32 @!p0 $0x1F8000, s8  }
0xf9: {  	s8 =	sor.u32 @!p0 s8, s12  }
0xfa: {  	_ =	swait.ge [sflag:s29], $0x2000;
	s8 =	sor.u32 @!p0 s5, s8  }
0xfb: {  	s14 =	simm.s32 @!p0 $0x80;
	[sflag:s29] =	ssyncset.done $0x0;
	s8 =	sshrl.u32 @!p0 s8, $0x3  }
0xfc: {  	s12 =	simm.s32 @!p0 $0x0;
	[sflag:s29] =	ssyncadd.s32 $0xFFFFE000;
	s8 =	sadd.s32 @!p0 s1, s8  }
0xfd: {  	[tilespmem:s14], [sflag:$0xA] =	stream.linear.gather @!p0 [hbm4b:s8+s12], $0x80, $0x38;
	[tilespmem:$0x13C00] =	vst v63  }
0xfe: {  	s8 =	simm.s32 @!p0 $0x9  }
0xff: {  	_ =	swait.ge @!p0 [sflag:s8], $0x80  }
0x100: {  	[sflag:s8] =	ssyncset.done @!p0 $0x0  }
0x101: {  	[sflag:s8] =	ssyncadd.s32 @!p0 $0xFFFFFF80  }
0x102: {  	v4 =	vld @!p0 [tilespmem:$0x0]  }
0x103: {  	v5 =	vld @!p0 [tilespmem:$0x10]  }
0x104: {  	v6 =	vld @!p0 [tilespmem:$0x20]  }
0x105: {  	v7 =	vld @!p0 [tilespmem:$0x30]  }
0x106: {  	v8 =	vld @!p0 [tilespmem:$0x40]  }
0x107: {  	v9 =	vld @!p0 [tilespmem:$0x50];
	v4 =	vshll.u32 @!p0 v4, $0x1  }
0x108: {  	[tilespmem:$0x0] =	vst @!p0 v4;
	v4 =	vshll.u32 @!p0 v5, $0x1;
	v5 =	vld @!p0 [tilespmem:$0x60]  }
0x109: {  	[tilespmem:$0x10] =	vst @!p0 v4;
	v4 =	vshll.u32 @!p0 v6, $0x1;
	v6 =	vld @!p0 [tilespmem:$0x70]  }
0x10a: {  	[tilespmem:$0x20] =	vst @!p0 v4;
	v4 =	vshll.u32 @!p0 v7, $0x1  }
0x10b: {  	[tilespmem:$0x30] =	vst @!p0 v4;
	v4 =	vshll.u32 @!p0 v8, $0x1  }
0x10c: {  	[tilespmem:$0x40] =	vst @!p0 v4;
	v4 =	vshll.u32 @!p0 v9, $0x1  }
0x10d: {  	[tilespmem:$0x50] =	vst @!p0 v4;
	v4 =	vshll.u32 @!p0 v5, $0x1  }
0x10e: {  	p1 =	seq.s32 @!p0 s9, $0x0;
	[tilespmem:$0x60] =	vst @!p0 v4;
	v4 =	vshll.u32 @!p0 v6, $0x1  }
0x10f: {  	p1 =	por p0, !p1;
	s8 =	simm.s32 @!p0 $0x200;
	[tilespmem:$0x70] =	vst @!p0 v4  }
0x110: {  	[tilespmem:s8], [sflag:$0x1] =	stream.indirect.gather @!p0 [hbm4b:s6+s14], $0x40, s12, s14, $0xb8;
	[tilespmem:$0x13C00] =	vst v63  }
0x111: {  	s12 =	sor.u32 $0x1, s11;
	_ =	swait.ge @p1 [sflag:s21], $0x2000  }
0x112: {  	s14 =	sshll.u32 s12, $0x6;
	[sflag:s21] =	ssyncset.done @p1 $0x0  }
0x113: {  	s8 =	sand.u32 $0x3FFFFFC0, s14;
	[sflag:s21] =	ssyncadd.s32 @p1 $0xFFFFE000  }
0x114: {  	s18 =	simm.s32 $0x3;
	s20 =	simm.s32 $0x22F0;
	v9 =	vld [tilespmem:s8+$0x10A00]  }
0x115: {  	v4 =	vmov s18;
	v7 =	vld [tilespmem:s20+$0xFFFFFFD0]  }
0x116: {  	v13 =	vand.u32 $0x7F, v4  }
0x117: {  	s22 =	simm.s32 $0x0;
	v8 =	vadd.s32 v0, v13;
	v6 =	vld [tilespmem:s8+$0x10A10]  }
0x118: {  	s18 =	simm.s32 $0x1;
	v4 =	vmov s22;
	s22 =	simm.s32 $0x2;
	v10 =	vld [tilespmem:s20+$0xFFFFFF10]  }
0x119: {  	v12 =	vand.u32 $0x7C, v4;
	v4 =	vmov s18;
	v14 =	vmov s22;
	v11 =	vld [tilespmem:s20+$0xFFFFFF50]  }
0x11a: {  	v15 =	vadd.s32 v0, v12;
	v19 =	vand.u32 $0x7D, v4;
	v16 =	vld [tilespmem:s20+$0xFFFFFF90];
	v7 =	vadd.f32 v7, v9  }
0x11b: {  	v20 =	vand.u32 $0x7E, v14;
	v17 =	vadd.s32 v0, v19;
	v5 =	vld [tilespmem:s8+$0x10A20]  }
0x11c: {  	v14 =	vadd.s32 v0, v20;
	v4 =	vld [tilespmem:s8+$0x10A30];
	[tilespmem:v8+s30+$0x0] =	vst.idx.msk $0xffff, v7  }
0x11d: {  	v7 =	vadd.f32 v10, v9;
	v8 =	vld [tilespmem:s20+$0xFFFFFFE0]  }
0x11e: {  	v10 =	vadd.f32 v11, v9  }
0x11f: {  	v11 =	vadd.s32 v1, v13;
	[tilespmem:v15+s30+$0x0] =	vst.idx.msk $0xffff, v7;
	v7 =	vadd.f32 v16, v9  }
0x120: {  	[tilespmem:v17+s30+$0x0] =	vst.idx.msk $0xffff, v10;
	v15 =	vld [tilespmem:s20+$0xFFFFFF20]  }
0x121: {  	v10 =	vld [tilespmem:s20+$0xFFFFFF60];
	[tilespmem:v14+s30+$0x0] =	vst.idx.msk $0xffff, v7  }
0x122: {  	v14 =	vld [tilespmem:s20+$0xFFFFFFA0];
	v7 =	vadd.f32 v8, v6  }
0x123: {  	s22 =	simm.s32 $0x7;
	s8 =	simm.s32 $0x23F0;
	v16 =	vadd.s32 v1, v19  }
0x124: {  	s18 =	simm.s32 $0x4;
	v26 =	vadd.s32 v2, v13;
	v18 =	vld [tilespmem:s8+$0xFFFFFFD0];
	v17 =	vadd.s32 v1, v20;
	[tilespmem:v11+s30+$0x0] =	vst.idx.msk $0xffff, v7;
	v7 =	vmov s22  }
0x125: {  	v21 =	vadd.s32 v1, v12;
	v8 =	vmov s18;
	v7 =	vand.u32 $0x7F, v7;
	v22 =	vld [tilespmem:s20+$0xFFFFFFF0]  }
0x126: {  	v23 =	vld [tilespmem:s8+$0xFFFFFF10];
	s18 =	simm.s32 $0x5;
	v8 =	vand.u32 $0x7C, v8;
	v10 =	vadd.f32 v10, v6;
	v24 =	vadd.s32 v0, v7  }
0x127: {  	v25 =	vld [tilespmem:s8+$0xFFFFFF50];
	v15 =	vadd.f32 v15, v6;
	s22 =	simm.s32 $0x6;
	v11 =	vadd.f32 v14, v6;
	v14 =	vmov s18  }
0x128: {  	v27 =	vadd.s32 v0, v8;
	[tilespmem:v16+s30+$0x0] =	vst.idx.msk $0xffff, v10;
	v16 =	vmov s22;
	v10 =	vand.u32 $0x7D, v14;
	v14 =	vld [tilespmem:s8+$0xFFFFFF90]  }
0x129: {  	[tilespmem:v17+s30+$0x0] =	vst.idx.msk $0xffff, v11;
	v17 =	vadd.s32 v0, v10;
	v11 =	vand.u32 $0x7E, v16;
	v16 =	vadd.f32 v18, v9;
	v18 =	vld [tilespmem:s20+$0xFFFFFF70]  }
0x12a: {  	[tilespmem:v21+s30+$0x0] =	vst.idx.msk $0xffff, v15;
	v15 =	vadd.s32 v0, v11;
	v21 =	vld [tilespmem:s20+$0xFFFFFFB0];
	v22 =	vadd.f32 v22, v5  }
0x12b: {  	v23 =	vadd.f32 v23, v9;
	[tilespmem:v24+s30+$0x0] =	vst.idx.msk $0xffff, v16;
	v16 =	vld [tilespmem:s20+$0xFFFFFF30];
	v24 =	vadd.s32 v2, v19  }
0x12c: {  	v29 =	vadd.s32 v2, v20;
	v25 =	vadd.f32 v25, v9;
	v28 =	vld [tilespmem:s8+$0xFFFFFFE0];
	[tilespmem:v26+s30+$0x0] =	vst.idx.msk $0xffff, v22  }
0x12d: {  	[tilespmem:v27+s30+$0x0] =	vst.idx.msk $0xffff, v23;
	v23 =	vadd.s32 v2, v12;
	v14 =	vadd.f32 v14, v9;
	v26 =	vld [tilespmem:s20+$0x0]  }
0x12e: {  	v27 =	vld [tilespmem:s8+$0xFFFFFF20];
	[tilespmem:v17+s30+$0x0] =	vst.idx.msk $0xffff, v25;
	v25 =	vadd.s32 v1, v7;
	v18 =	vadd.f32 v18, v5  }
0x12f: {  	v31 =	vadd.s32 v3, v13;
	v30 =	vld [tilespmem:s8+$0xFFFFFF60];
	[tilespmem:v15+s30+$0x0] =	vst.idx.msk $0xffff, v14;
	v14 =	vadd.f32 v21, v5  }
0x130: {  	v22 =	vadd.s32 v1, v8;
	v17 =	vld [tilespmem:s8+$0xFFFFFFA0];
	v13 =	vadd.f32 v16, v5;
	[tilespmem:v24+s30+$0x0] =	vst.idx.msk $0xffff, v18  }
0x131: {  	s18 =	simm.s32 $0x8;
	v21 =	vadd.s32 v1, v10;
	[tilespmem:v29+s30+$0x0] =	vst.idx.msk $0xffff, v14;
	v18 =	vadd.f32 v28, v6;
	v16 =	vld [tilespmem:s20+$0xFFFFFF80]  }
0x132: {  	v24 =	vmov s18;
	v14 =	vadd.s32 v1, v11;
	v15 =	vld [tilespmem:s20+$0xFFFFFFC0];
	[tilespmem:v23+s30+$0x0] =	vst.idx.msk $0xffff, v13;
	v63 =	vadd.f32 v26, v4  }
0x133: {  	s14 =	simm.s32 $0x24F0;
	s22 =	simm.s32 $0xB;
	v19 =	vadd.s32 v3, v19;
	v13 =	vand.u32 $0x7C, v24;
	v24 =	vadd.f32 v27, v6;
	[tilespmem:v25+s30+$0x0] =	vst.idx.msk $0xffff, v18;
	v18 =	vld [tilespmem:s20+$0xFFFFFF40]  }
0x134: {  	v20 =	vadd.s32 v3, v20;
	v26 =	vmov s22;
	v23 =	vld [tilespmem:s14+$0xFFFFFFD0];
	s20 =	simm.s32 $0xC;
	v25 =	vadd.f32 v30, v6;
	[tilespmem:v31+s30+$0x0] =	vst.idx.msk $0xffff, v63  }
.LBB2_7:
0x135: {  	p2 =	slt.u32 s20, $0x7C;
	s22 =	sadd.s32 $0x1, s18;
	v26 =	vand.u32 $0x7F, v26;
	[tilespmem:v22+s30+$0x0] =	vst.idx.msk $0xffff, v24;
	v17 =	vadd.f32 v17, v6;
	v22 =	vld [tilespmem:s8+$0xFFFFFFF0];
	v24 =	vadd.s32 v3, v12  }
0x136: {  	v30 =	vmovc v11;
	v27 =	vld [tilespmem:s14+$0xFFFFFF10];
	v28 =	vmov s22;
	s22 =	sadd.s32 $0x2, s18;
	v29 =	vadd.s32 v0, v26;
	[tilespmem:v21+s30+$0x0] =	vst.idx.msk $0xffff, v25;
	v16 =	vadd.f32 v16, v4;
	s18 =	smov.u32 s20  }
0x137: {  	v12 =	vmovc v8;
	v21 =	vld [tilespmem:s14+$0xFFFFFF50];
	v11 =	vmov s22;
	[tilespmem:v14+s30+$0x0] =	vst.idx.msk $0xffff, v17;
	v14 =	vadd.s32 v2, v7;
	v15 =	vadd.f32 v15, v4  }
0x138: {  	v17 =	vadd.s32 v0, v13;
	v28 =	vand.u32 $0x7D, v28;
	v25 =	vld [tilespmem:s14+$0xFFFFFF90];
	v31 =	vadd.f32 v18, v4;
	[tilespmem:v19+s30+$0x0] =	vst.idx.msk $0xffff, v16  }
0x139: {  	v16 =	vadd.s32 v0, v28;
	v11 =	vand.u32 $0x7E, v11;
	v18 =	vadd.f32 v23, v9;
	v19 =	vld [tilespmem:s8+$0xFFFFFF70];
	[tilespmem:v20+s30+$0x0] =	vst.idx.msk $0xffff, v15  }
0x13a: {  	v8 =	vmov v13;
	v15 =	vadd.s32 v0, v11;
	v20 =	vld [tilespmem:s8+$0xFFFFFFB0];
	v22 =	vadd.f32 v22, v5;
	[tilespmem:v24+s30+$0x0] =	vst.idx.msk $0xffff, v31  }
0x13b: {  	v23 =	vadd.s32 v2, v10;
	v13 =	vadd.f32 v27, v9;
	[tilespmem:v29+s30+$0x0] =	vst.idx.msk $0xffff, v18;
	v18 =	vld [tilespmem:s8+$0xFFFFFF30]  }
0x13c: {  	v27 =	vadd.s32 v2, v30;
	v21 =	vadd.f32 v21, v9;
	v24 =	vld [tilespmem:s14+$0xFFFFFFE0];
	[tilespmem:v14+s30+$0x0] =	vst.idx.msk $0xffff, v22  }
0x13d: {  	[tilespmem:v17+s30+$0x0] =	vst.idx.msk $0xffff, v13;
	v13 =	vadd.f32 v25, v9;
	v25 =	vadd.s32 v2, v12;
	v29 =	vld [tilespmem:s8+$0x0]  }
0x13e: {  	v32 =	vadd.s32 v1, v26;
	v31 =	vld [tilespmem:s14+$0xFFFFFF20];
	[tilespmem:v16+s30+$0x0] =	vst.idx.msk $0xffff, v21;
	v14 =	vadd.f32 v19, v5  }
0x13f: {  	v34 =	vadd.s32 v3, v7;
	v7 =	vmov v26;
	v33 =	vld [tilespmem:s14+$0xFFFFFF60];
	[tilespmem:v15+s30+$0x0] =	vst.idx.msk $0xffff, v13;
	v13 =	vadd.f32 v20, v5  }
.Ltmp2:
0x140: {  	v22 =	vadd.s32 v1, v8;
	v17 =	vld [tilespmem:s14+$0xFFFFFFA0];
	v15 =	vadd.f32 v18, v5;
	[tilespmem:v23+s30+$0x0] =	vst.idx.msk $0xffff, v14;
	(pc) =	sbr.rel @p2 .LBB2_7-.Ltmp2, $4  }
0x141: {  	v21 =	vadd.s32 v1, v28;
	v18 =	vadd.f32 v24, v6;
	v16 =	vld [tilespmem:s8+$0xFFFFFF80];
	[tilespmem:v27+s30+$0x0] =	vst.idx.msk $0xffff, v13  }
0x142: {  	v14 =	vadd.s32 v1, v11;
	v13 =	vmov s20;
	[tilespmem:v25+s30+$0x0] =	vst.idx.msk $0xffff, v15;
	v15 =	vld [tilespmem:s8+$0xFFFFFFC0];
	v27 =	vadd.f32 v29, v4  }
0x143: {  	s22 =	sadd.s32 $0x3, s20;
	v19 =	vadd.s32 v3, v10;
	v13 =	vand.u32 $0x7C, v13;
	v24 =	vadd.f32 v31, v6;
	[tilespmem:v32+s30+$0x0] =	vst.idx.msk $0xffff, v18;
	v18 =	vld [tilespmem:s8+$0xFFFFFF40];
	s8 =	smov.u32 s14;
	s14 =	sadd.s32 $0x100, s14  }
0x144: {  	v26 =	vmov s22;
	v10 =	vmovc v28;
	v20 =	vadd.s32 v3, v30;
	s20 =	sadd.s32 $0x4, s20;
	v23 =	vld [tilespmem:s14+$0xFFFFFFD0];
	v25 =	vadd.f32 v33, v6;
	[tilespmem:v34+s30+$0x0] =	vst.idx.msk $0xffff, v27  }
0x145: {  	s20 =	sadd.s32 $0x1, s18  }
0x146: {  	v26 =	vand.u32 $0x7F, v26;
	s22 =	sadd.s32 $0x2, s18;
	v28 =	vld [tilespmem:s14+$0xFFFFFF50];
	v27 =	vmov s20  }
0x147: {  	v31 =	vld [tilespmem:s14+$0xFFFFFF90];
	v29 =	vadd.s32 v0, v26;
	v30 =	vmov s22;
	v27 =	vand.u32 $0x7D, v27  }
0x148: {  	v32 =	vld [tilespmem:s14+$0xFFFFFF10];
	v30 =	vand.u32 $0x7E, v30;
	v33 =	vadd.s32 v0, v27  }
0x149: {  	v34 =	vadd.s32 v0, v30  }
0x14a: {  	[tilespmem:v22+s30+$0x0] =	vst.idx.msk $0xffff, v24;
	v44 =	vadd.s32 v0, v13;
	v23 =	vadd.f32 v23, v9  }
0x14b: {  	[tilespmem:v21+s30+$0x0] =	vst.idx.msk $0xffff, v25;
	v45 =	vadd.f32 v28, v9  }
0x14c: {  	v46 =	vadd.f32 v31, v9;
	[tilespmem:v29+s30+$0x0] =	vst.idx.msk $0xffff, v23  }
0x14d: {  	v47 =	vadd.f32 v32, v9;
	v48 =	vld [tilespmem:s14+$0xFFFFFFE0];
	[tilespmem:v33+s30+$0x0] =	vst.idx.msk $0xffff, v45  }
0x14e: {  	v17 =	vadd.f32 v17, v6;
	v12 =	vadd.s32 v3, v12;
	[tilespmem:v34+s30+$0x0] =	vst.idx.msk $0xffff, v46;
	v21 =	vld [tilespmem:s14+$0xFFFFFF60]  }
0x14f: {  	v16 =	vadd.f32 v16, v4;
	v49 =	vadd.s32 v1, v26;
	[tilespmem:v44+s30+$0x0] =	vst.idx.msk $0xffff, v47;
	v50 =	vld [tilespmem:s14+$0xFFFFFFA0]  }
0x150: {  	[tilespmem:v14+s30+$0x0] =	vst.idx.msk $0xffff, v17;
	v51 =	vadd.f32 v15, v4;
	v53 =	vadd.s32 v1, v27;
	v52 =	vld [tilespmem:s14+$0xFFFFFF20]  }
0x151: {  	v54 =	vld [tilespmem:s8+$0xFFFFFFF0];
	v18 =	vadd.f32 v18, v4;
	[tilespmem:v19+s30+$0x0] =	vst.idx.msk $0xffff, v16;
	v55 =	vadd.s32 v1, v30  }
0x152: {  	v57 =	vadd.s32 v1, v13;
	v60 =	vld [tilespmem:s8+$0xFFFFFFB0];
	[tilespmem:v20+s30+$0x0] =	vst.idx.msk $0xffff, v51;
	v58 =	vadd.f32 v48, v6  }
0x153: {  	v59 =	vadd.s32 v2, v7;
	v56 =	vld [tilespmem:s8+$0xFFFFFF70];
	[tilespmem:v12+s30+$0x0] =	vst.idx.msk $0xffff, v18;
	v61 =	vadd.f32 v21, v6  }
0x154: {  	v62 =	vld [tilespmem:s8+$0xFFFFFF30];
	v29 =	vadd.s32 v2, v11;
	[tilespmem:v49+s30+$0x0] =	vst.idx.msk $0xffff, v58;
	v28 =	vadd.f32 v50, v6  }
0x155: {  	v63 =	vadd.s32 v2, v10;
	v31 =	vadd.f32 v52, v6;
	v32 =	vld [tilespmem:s14+$0xFFFFFFF0];
	[tilespmem:v53+s30+$0x0] =	vst.idx.msk $0xffff, v61  }
0x156: {  	v33 =	vadd.f32 v54, v5;
	v34 =	vadd.s32 v2, v8;
	[tilespmem:v55+s30+$0x0] =	vst.idx.msk $0xffff, v28;
	v35 =	vld [tilespmem:s14+$0xFFFFFF70]  }
0x157: {  	v37 =	vadd.s32 v2, v26;
	v39 =	vadd.f32 v60, v5;
	[tilespmem:v57+s30+$0x0] =	vst.idx.msk $0xffff, v31;
	v38 =	vld [tilespmem:s14+$0xFFFFFFB0]  }
0x158: {  	v41 =	vadd.s32 v2, v27;
	v36 =	vadd.f32 v56, v5;
	[tilespmem:v59+s30+$0x0] =	vst.idx.msk $0xffff, v33;
	v40 =	vld [tilespmem:s14+$0xFFFFFF30]  }
0x159: {  	v43 =	vadd.s32 v2, v30;
	v18 =	vadd.f32 v62, v5;
	v42 =	vld [tilespmem:s8+$0x0];
	[tilespmem:v29+s30+$0x0] =	vst.idx.msk $0xffff, v39  }
0x15a: {  	v45 =	vadd.s32 v2, v13;
	[tilespmem:v63+s30+$0x0] =	vst.idx.msk $0xffff, v36;
	v47 =	vld [tilespmem:s8+$0xFFFFFFC0];
	v44 =	vadd.f32 v32, v5  }
0x15b: {  	v46 =	vadd.s32 v3, v7;
	[tilespmem:v34+s30+$0x0] =	vst.idx.msk $0xffff, v18;
	v21 =	vld [tilespmem:s8+$0xFFFFFF80];
	v9 =	vadd.f32 v35, v5  }
0x15c: {  	v18 =	vld [tilespmem:s8+$0xFFFFFF40];
	v50 =	vadd.s32 v3, v11;
	[tilespmem:v37+s30+$0x0] =	vst.idx.msk $0xffff, v44;
	v49 =	vadd.f32 v38, v5  }
0x15d: {  	v48 =	vadd.s32 v3, v10;
	v5 =	vadd.f32 v40, v5;
	v12 =	vld [tilespmem:s14+$0x0];
	[tilespmem:v41+s30+$0x0] =	vst.idx.msk $0xffff, v9  }
0x15e: {  	v52 =	vadd.s32 v3, v8;
	v51 =	vadd.f32 v42, v4;
	[tilespmem:v43+s30+$0x0] =	vst.idx.msk $0xffff, v49;
	v53 =	vld [tilespmem:s14+$0xFFFFFF80]  }
0x15f: {  	v55 =	vadd.s32 v3, v26;
	v56 =	vadd.f32 v47, v4;
	[tilespmem:v45+s30+$0x0] =	vst.idx.msk $0xffff, v5;
	v5 =	vld [tilespmem:s14+$0xFFFFFFC0]  }
0x160: {  	v58 =	vadd.s32 v3, v27;
	[tilespmem:v46+s30+$0x0] =	vst.idx.msk $0xffff, v51;
	v54 =	vadd.f32 v21, v4;
	v57 =	vld [tilespmem:s14+$0xFFFFFF40]  }
0x161: {  	v60 =	vadd.s32 v3, v30;
	v59 =	vadd.f32 v18, v4;
	[tilespmem:v50+s30+$0x0] =	vst.idx.msk $0xffff, v56  }
0x162: {  	v62 =	vadd.s32 v3, v13;
	[tilespmem:v48+s30+$0x0] =	vst.idx.msk $0xffff, v54;
	v61 =	vadd.f32 v12, v4  }
0x163: {  	[tilespmem:v52+s30+$0x0] =	vst.idx.msk $0xffff, v59;
	v63 =	vadd.f32 v53, v4  }
0x164: {  	s20 =	sshll.u32 s12, $0x12;
	[tilespmem:v55+s30+$0x0] =	vst.idx.msk $0xffff, v61;
	v5 =	vadd.f32 v5, v4  }
0x165: {  	s8 =	sor.u32 s5, s20;
	v4 =	vadd.f32 v57, v4;
	[tilespmem:v58+s30+$0x0] =	vst.idx.msk $0xffff, v63  }
0x166: {  	s8 =	sshrl.u32 s8, $0x3;
	[tilespmem:v60+s30+$0x0] =	vst.idx.msk $0xffff, v5  }
0x167: {  	s22 =	simm.s32 $0xA400;
	s12 =	sadd.s32 s3, s8;
	[tilespmem:v62+s30+$0x0] =	vst.idx.msk $0xffff, v4  }
0x168: {  	[hbm4b:s12+s4] =	stream.linear.scatter [tilespmem:s22], [sflag:$0x6], $0x80, $0x38;
	[tilespmem:$0x13C00] =	vst v63  }
0x169: {  	s18 =	sadd.s32 $0x10, s12;
	s14 =	simm.s32 $0xA488  }
0x16a: {  	[hbm4b:s18+s4] =	stream.linear.scatter [tilespmem:s14], [sflag:$0x6], $0x80, $0x38;
	[tilespmem:$0x13C00] =	vst v63  }
0x16b: {  	s20 =	simm.s32 $0xA510;
	s22 =	sadd.s32 $0x20, s12  }
0x16c: {  	[hbm4b:s22+s4] =	stream.linear.scatter [tilespmem:s20], [sflag:$0x6], $0x80, $0x38;
	[tilespmem:$0x13C00] =	vst v63  }
0x16d: {  	s14 =	simm.s32 $0xA598;
	s18 =	sadd.s32 $0x30, s12  }
0x16e: {  	[hbm4b:s18+s4] =	stream.linear.scatter [tilespmem:s14], [sflag:$0x6], $0x80, $0x38;
	[tilespmem:$0x13C00] =	vst v63  }
0x16f: {  	s20 =	simm.s32 $0xA620;
	s22 =	sadd.s32 $0x40, s12  }
0x170: {  	[hbm4b:s22+s4] =	stream.linear.scatter [tilespmem:s20], [sflag:$0x6], $0x80, $0x38;
	[tilespmem:$0x13C00] =	vst v63  }
0x171: {  	s8 =	simm.s32 $0x440;
	s14 =	simm.s32 $0xA6A8;
	s18 =	sadd.s32 $0x50, s12  }
0x172: {  	[hbm4b:s18+s4] =	stream.linear.scatter [tilespmem:s14], [sflag:$0x6], $0x80, $0x38;
	[tilespmem:$0x13C00] =	vst v63  }
0x173: {  	s20 =	simm.s32 $0xA730;
	s22 =	sadd.s32 $0x60, s12;
	s14 =	simm.s32 $0x2200  }
0x174: {  	[hbm4b:s22+s4] =	stream.linear.scatter [tilespmem:s20], [sflag:$0x6], $0x80, $0x38;
	[tilespmem:$0x13C00] =	vst v63  }
0x175: {  	s18 =	simm.s32 $0xA7B8;
	s20 =	sadd.s32 $0x70, s12;
	s12 =	sadd.s32 $0x1000, s12  }
.LBB2_9:
0x176: {  	[hbm4b:s20+s4] =	stream.linear.scatter [tilespmem:s18], [sflag:$0x6], $0x80, $0x38;
	[tilespmem:$0x13C00] =	vst v63  }
0x177: {  	s18 =	smov.u32 s8;
	s8 =	smov.u32 s14  }
0x178: {  	s22 =	sadd.s32 $0x1100, s14;
	s8 =	sshra.s32 s8, $0x2;
	s20 =	sadd.s32 $0xA400, s18  }
0x179: {  	[hbm4b:s12+s4] =	stream.linear.scatter [tilespmem:s20], [sflag:$0x6], $0x80, $0x38;
	[tilespmem:$0x13C00] =	vst v63  }
0x17a: {  	p2 =	sne.s32 s14, $0x7700;
	s14 =	sadd.s32 $0xA488, s18;
	s20 =	sadd.s32 $0x10, s12  }
0x17b: {  	[hbm4b:s20+s4] =	stream.linear.scatter [tilespmem:s14], [sflag:$0x6], $0x80, $0x38;
	[tilespmem:$0x13C00] =	vst v63  }
0x17c: {  	s14 =	sadd.s32 $0xA510, s18;
	s20 =	sadd.s32 $0x20, s12  }
0x17d: {  	[hbm4b:s20+s4] =	stream.linear.scatter [tilespmem:s14], [sflag:$0x6], $0x80, $0x38;
	[tilespmem:$0x13C00] =	vst v63  }
0x17e: {  	s14 =	sadd.s32 $0xA598, s18;
	s20 =	sadd.s32 $0x30, s12  }
0x17f: {  	[hbm4b:s20+s4] =	stream.linear.scatter [tilespmem:s14], [sflag:$0x6], $0x80, $0x38;
	[tilespmem:$0x13C00] =	vst v63  }
0x180: {  	s14 =	sadd.s32 $0xA620, s18;
	s20 =	sadd.s32 $0x40, s12  }
0x181: {  	[hbm4b:s20+s4] =	stream.linear.scatter [tilespmem:s14], [sflag:$0x6], $0x80, $0x38;
	[tilespmem:$0x13C00] =	vst v63  }
.Ltmp3:
0x182: {  	s14 =	sadd.s32 $0xA6A8, s18;
	s20 =	sadd.s32 $0x50, s12;
	(pc) =	sbr.rel @p2 .LBB2_9-.Ltmp3, $4  }
0x183: {  	[hbm4b:s20+s4] =	stream.linear.scatter [tilespmem:s14], [sflag:$0x6], $0x80, $0x38;
	[tilespmem:$0x13C00] =	vst v63  }
0x184: {  	s14 =	sadd.s32 $0xA730, s18;
	s20 =	sadd.s32 $0x60, s12;
	s18 =	sadd.s32 $0xA7B8, s18  }
0x185: {  	[hbm4b:s20+s4] =	stream.linear.scatter [tilespmem:s14], [sflag:$0x6], $0x80, $0x38;
	[tilespmem:$0x13C00] =	vst v63  }
0x186: {  	s20 =	sadd.s32 $0x70, s12;
	s12 =	sadd.s32 $0x1000, s12;
	s14 =	smov.u32 s22  }
0x187: {  	[hbm4b:s20+s4] =	stream.linear.scatter [tilespmem:s18], [sflag:$0x6], $0x80, $0x38;
	[tilespmem:$0x13C00] =	vst v63  }
0x188: {  	s14 =	sadd.s32 $0xA400, s8  }
0x189: {  	[hbm4b:s12+s4] =	stream.linear.scatter [tilespmem:s14], [sflag:$0x6], $0x80, $0x38;
	[tilespmem:$0x13C00] =	vst v63  }
0x18a: {  	s20 =	sadd.s32 $0xA488, s8;
	s22 =	sadd.s32 $0x10, s12  }
0x18b: {  	[hbm4b:s22+s4] =	stream.linear.scatter [tilespmem:s20], [sflag:$0x6], $0x80, $0x38;
	[tilespmem:$0x13C00] =	vst v63  }
0x18c: {  	s20 =	sadd.s32 $0xA510, s8;
	s22 =	sadd.s32 $0x20, s12  }
0x18d: {  	[hbm4b:s22+s4] =	stream.linear.scatter [tilespmem:s20], [sflag:$0x6], $0x80, $0x38;
	[tilespmem:$0x13C00] =	vst v63  }
0x18e: {  	s20 =	sadd.s32 $0xA598, s8;
	s22 =	sadd.s32 $0x30, s12  }
0x18f: {  	[hbm4b:s22+s4] =	stream.linear.scatter [tilespmem:s20], [sflag:$0x6], $0x80, $0x38;
	[tilespmem:$0x13C00] =	vst v63  }
0x190: {  	s20 =	sadd.s32 $0xA620, s8;
	s22 =	sadd.s32 $0x40, s12  }
0x191: {  	[hbm4b:s22+s4] =	stream.linear.scatter [tilespmem:s20], [sflag:$0x6], $0x80, $0x38;
	[tilespmem:$0x13C00] =	vst v63  }
0x192: {  	s20 =	sadd.s32 $0xA6A8, s8;
	s22 =	sadd.s32 $0x50, s12  }
0x193: {  	[hbm4b:s22+s4] =	stream.linear.scatter [tilespmem:s20], [sflag:$0x6], $0x80, $0x38;
	[tilespmem:$0x13C00] =	vst v63  }
0x194: {  	s20 =	sadd.s32 $0xA730, s8;
	s22 =	sadd.s32 $0x60, s12  }
0x195: {  	[hbm4b:s22+s4] =	stream.linear.scatter [tilespmem:s20], [sflag:$0x6], $0x80, $0x38;
	[tilespmem:$0x13C00] =	vst v63  }
0x196: {  	s20 =	sadd.s32 $0xA7B8, s8;
	s8 =	sadd.s32 @!p0 $0x6, s11  }
0x197: {  	s22 =	sadd.s32 $0x70, s12;
	s12 =	sshll.u32 @!p0 s8, $0x7;
	s8 =	sshll.u32 @!p0 s8, $0xC  }
0x198: {  	[hbm4b:s22+s4] =	stream.linear.scatter [tilespmem:s20], [sflag:$0x6], $0x80, $0x38;
	[tilespmem:$0x13C00] =	vst v63  }
0x199: {  	s12 =	sand.u32 @!p0 $0x300, s12;
	s8 =	sand.u32 @!p0 $0x1F8000, s8  }
0x19a: {  	s8 =	sor.u32 @!p0 s8, s12  }
0x19b: {  	_ =	swait.ge [sflag:s31], $0x2000;
	s8 =	sor.u32 @!p0 s5, s8  }
0x19c: {  	s14 =	simm.s32 @!p0 $0x100;
	[sflag:s31] =	ssyncset.done $0x0;
	s8 =	sshrl.u32 @!p0 s8, $0x3  }
0x19d: {  	s12 =	simm.s32 @!p0 $0x0;
	[sflag:s31] =	ssyncadd.s32 $0xFFFFE000;
	s8 =	sadd.s32 @!p0 s1, s8  }
0x19e: {  	[tilespmem:s14], [sflag:$0xB] =	stream.linear.gather @!p0 [hbm4b:s8+s12], $0x80, $0x38;
	[tilespmem:$0x13C00] =	vst v63  }
0x19f: {  	s8 =	simm.s32 @!p0 $0xA  }
0x1a0: {  	_ =	swait.ge @!p0 [sflag:s8], $0x80  }
0x1a1: {  	[sflag:s8] =	ssyncset.done @!p0 $0x0  }
0x1a2: {  	[sflag:s8] =	ssyncadd.s32 @!p0 $0xFFFFFF80  }
0x1a3: {  	v4 =	vld @!p0 [tilespmem:$0x80]  }
0x1a4: {  	v5 =	vld @!p0 [tilespmem:$0x90]  }
0x1a5: {  	v6 =	vld @!p0 [tilespmem:$0xA0]  }
0x1a6: {  	v7 =	vld @!p0 [tilespmem:$0xB0]  }
0x1a7: {  	v8 =	vld @!p0 [tilespmem:$0xC0]  }
0x1a8: {  	v9 =	vld @!p0 [tilespmem:$0xD0];
	v4 =	vshll.u32 @!p0 v4, $0x1  }
0x1a9: {  	[tilespmem:$0x80] =	vst @!p0 v4;
	v4 =	vshll.u32 @!p0 v5, $0x1;
	v5 =	vld @!p0 [tilespmem:$0xE0]  }
0x1aa: {  	[tilespmem:$0x90] =	vst @!p0 v4;
	v4 =	vshll.u32 @!p0 v6, $0x1;
	v6 =	vld @!p0 [tilespmem:$0xF0]  }
0x1ab: {  	[tilespmem:$0xA0] =	vst @!p0 v4;
	v4 =	vshll.u32 @!p0 v7, $0x1  }
0x1ac: {  	[tilespmem:$0xB0] =	vst @!p0 v4;
	v4 =	vshll.u32 @!p0 v8, $0x1  }
0x1ad: {  	[tilespmem:$0xC0] =	vst @!p0 v4;
	v4 =	vshll.u32 @!p0 v9, $0x1  }
0x1ae: {  	[tilespmem:$0xD0] =	vst @!p0 v4;
	v4 =	vshll.u32 @!p0 v5, $0x1  }
0x1af: {  	[tilespmem:$0xE0] =	vst @!p0 v4;
	v4 =	vshll.u32 @!p0 v6, $0x1  }
0x1b0: {  	s12 =	simm.s32 @!p0 $0x2200;
	s8 =	simm.s32 @!p0 $0x80;
	[tilespmem:$0xF0] =	vst @!p0 v4  }
0x1b1: {  	[tilespmem:s12], [sflag:$0x2] =	stream.indirect.gather @!p0 [hbm4b:s6+s8], $0x40, s8, s8, $0xb8;
	[tilespmem:$0x13C00] =	vst v63  }
0x1b2: {  	s12 =	sor.u32 $0x2, s11;
	_ =	swait.ge @p1 [sflag:s23], $0x2000  }
0x1b3: {  	s14 =	sshll.u32 s12, $0x6;
	[sflag:s23] =	ssyncset.done @p1 $0x0  }
0x1b4: {  	s8 =	sand.u32 $0x3FFFFFC0, s14;
	[sflag:s23] =	ssyncadd.s32 @p1 $0xFFFFE000  }
0x1b5: {  	s18 =	simm.s32 $0x3;
	s20 =	simm.s32 $0x42F0;
	v9 =	vld [tilespmem:s8+$0x10A00]  }
0x1b6: {  	v4 =	vmov s18;
	v7 =	vld [tilespmem:s20+$0xFFFFFFD0]  }
0x1b7: {  	v13 =	vand.u32 $0x7F, v4  }
0x1b8: {  	s22 =	simm.s32 $0x0;
	v8 =	vadd.s32 v0, v13;
	v6 =	vld [tilespmem:s8+$0x10A10]  }
0x1b9: {  	s18 =	simm.s32 $0x1;
	v4 =	vmov s22;
	s22 =	simm.s32 $0x2;
	v10 =	vld [tilespmem:s20+$0xFFFFFF10]  }
0x1ba: {  	v12 =	vand.u32 $0x7C, v4;
	v4 =	vmov s18;
	v14 =	vmov s22;
	v11 =	vld [tilespmem:s20+$0xFFFFFF50]  }
0x1bb: {  	v15 =	vadd.s32 v0, v12;
	v19 =	vand.u32 $0x7D, v4;
	v16 =	vld [tilespmem:s20+$0xFFFFFF90];
	v7 =	vadd.f32 v7, v9  }
0x1bc: {  	v20 =	vand.u32 $0x7E, v14;
	v17 =	vadd.s32 v0, v19;
	v5 =	vld [tilespmem:s8+$0x10A20]  }
0x1bd: {  	v14 =	vadd.s32 v0, v20;
	v4 =	vld [tilespmem:s8+$0x10A30];
	[tilespmem:v8+s0+$0x0] =	vst.idx.msk $0xffff, v7  }
0x1be: {  	v7 =	vadd.f32 v10, v9;
	v8 =	vld [tilespmem:s20+$0xFFFFFFE0]  }
0x1bf: {  	v10 =	vadd.f32 v11, v9  }
0x1c0: {  	v11 =	vadd.s32 v1, v13;
	[tilespmem:v15+s0+$0x0] =	vst.idx.msk $0xffff, v7;
	v7 =	vadd.f32 v16, v9  }
0x1c1: {  	[tilespmem:v17+s0+$0x0] =	vst.idx.msk $0xffff, v10;
	v15 =	vld [tilespmem:s20+$0xFFFFFF20]  }
0x1c2: {  	v10 =	vld [tilespmem:s20+$0xFFFFFF60];
	[tilespmem:v14+s0+$0x0] =	vst.idx.msk $0xffff, v7  }
0x1c3: {  	v14 =	vld [tilespmem:s20+$0xFFFFFFA0];
	v7 =	vadd.f32 v8, v6  }
0x1c4: {  	s22 =	simm.s32 $0x7;
	s8 =	simm.s32 $0x43F0;
	v16 =	vadd.s32 v1, v19  }
0x1c5: {  	s18 =	simm.s32 $0x4;
	v26 =	vadd.s32 v2, v13;
	v18 =	vld [tilespmem:s8+$0xFFFFFFD0];
	v17 =	vadd.s32 v1, v20;
	[tilespmem:v11+s0+$0x0] =	vst.idx.msk $0xffff, v7;
	v7 =	vmov s22  }
0x1c6: {  	v21 =	vadd.s32 v1, v12;
	v8 =	vmov s18;
	v7 =	vand.u32 $0x7F, v7;
	v22 =	vld [tilespmem:s20+$0xFFFFFFF0]  }
0x1c7: {  	v23 =	vld [tilespmem:s8+$0xFFFFFF10];
	s18 =	simm.s32 $0x5;
	v8 =	vand.u32 $0x7C, v8;
	v10 =	vadd.f32 v10, v6;
	v24 =	vadd.s32 v0, v7  }
0x1c8: {  	v25 =	vld [tilespmem:s8+$0xFFFFFF50];
	v15 =	vadd.f32 v15, v6;
	s22 =	simm.s32 $0x6;
	v11 =	vadd.f32 v14, v6;
	v14 =	vmov s18  }
0x1c9: {  	v27 =	vadd.s32 v0, v8;
	[tilespmem:v16+s0+$0x0] =	vst.idx.msk $0xffff, v10;
	v16 =	vmov s22;
	v10 =	vand.u32 $0x7D, v14;
	v14 =	vld [tilespmem:s8+$0xFFFFFF90]  }
0x1ca: {  	[tilespmem:v17+s0+$0x0] =	vst.idx.msk $0xffff, v11;
	v17 =	vadd.s32 v0, v10;
	v11 =	vand.u32 $0x7E, v16;
	v16 =	vadd.f32 v18, v9;
	v18 =	vld [tilespmem:s20+$0xFFFFFF70]  }
0x1cb: {  	[tilespmem:v21+s0+$0x0] =	vst.idx.msk $0xffff, v15;
	v15 =	vadd.s32 v0, v11;
	v21 =	vld [tilespmem:s20+$0xFFFFFFB0];
	v22 =	vadd.f32 v22, v5  }
0x1cc: {  	v23 =	vadd.f32 v23, v9;
	[tilespmem:v24+s0+$0x0] =	vst.idx.msk $0xffff, v16;
	v16 =	vld [tilespmem:s20+$0xFFFFFF30];
	v24 =	vadd.s32 v2, v19  }
0x1cd: {  	v29 =	vadd.s32 v2, v20;
	v25 =	vadd.f32 v25, v9;
	v28 =	vld [tilespmem:s8+$0xFFFFFFE0];
	[tilespmem:v26+s0+$0x0] =	vst.idx.msk $0xffff, v22  }
0x1ce: {  	[tilespmem:v27+s0+$0x0] =	vst.idx.msk $0xffff, v23;
	v23 =	vadd.s32 v2, v12;
	v14 =	vadd.f32 v14, v9;
	v26 =	vld [tilespmem:s20+$0x0]  }
0x1cf: {  	v27 =	vld [tilespmem:s8+$0xFFFFFF20];
	[tilespmem:v17+s0+$0x0] =	vst.idx.msk $0xffff, v25;
	v25 =	vadd.s32 v1, v7;
	v18 =	vadd.f32 v18, v5  }
0x1d0: {  	v31 =	vadd.s32 v3, v13;
	v30 =	vld [tilespmem:s8+$0xFFFFFF60];
	[tilespmem:v15+s0+$0x0] =	vst.idx.msk $0xffff, v14;
	v14 =	vadd.f32 v21, v5  }
0x1d1: {  	v22 =	vadd.s32 v1, v8;
	v17 =	vld [tilespmem:s8+$0xFFFFFFA0];
	v13 =	vadd.f32 v16, v5;
	[tilespmem:v24+s0+$0x0] =	vst.idx.msk $0xffff, v18  }
0x1d2: {  	s18 =	simm.s32 $0x8;
	v21 =	vadd.s32 v1, v10;
	[tilespmem:v29+s0+$0x0] =	vst.idx.msk $0xffff, v14;
	v18 =	vadd.f32 v28, v6;
	v16 =	vld [tilespmem:s20+$0xFFFFFF80]  }
0x1d3: {  	v24 =	vmov s18;
	v14 =	vadd.s32 v1, v11;
	v15 =	vld [tilespmem:s20+$0xFFFFFFC0];
	[tilespmem:v23+s0+$0x0] =	vst.idx.msk $0xffff, v13;
	v63 =	vadd.f32 v26, v4  }
0x1d4: {  	s14 =	simm.s32 $0x44F0;
	s22 =	simm.s32 $0xB;
	v19 =	vadd.s32 v3, v19;
	v13 =	vand.u32 $0x7C, v24;
	v24 =	vadd.f32 v27, v6;
	[tilespmem:v25+s0+$0x0] =	vst.idx.msk $0xffff, v18;
	v18 =	vld [tilespmem:s20+$0xFFFFFF40]  }
0x1d5: {  	v20 =	vadd.s32 v3, v20;
	v26 =	vmov s22;
	v23 =	vld [tilespmem:s14+$0xFFFFFFD0];
	s20 =	simm.s32 $0xC;
	v25 =	vadd.f32 v30, v6;
	[tilespmem:v31+s0+$0x0] =	vst.idx.msk $0xffff, v63  }
.LBB2_11:
0x1d6: {  	p2 =	slt.u32 s20, $0x7C;
	s22 =	sadd.s32 $0x1, s18;
	v26 =	vand.u32 $0x7F, v26;
	[tilespmem:v22+s0+$0x0] =	vst.idx.msk $0xffff, v24;
	v17 =	vadd.f32 v17, v6;
	v22 =	vld [tilespmem:s8+$0xFFFFFFF0];
	v24 =	vadd.s32 v3, v12  }
0x1d7: {  	v30 =	vmovc v11;
	v27 =	vld [tilespmem:s14+$0xFFFFFF10];
	v28 =	vmov s22;
	s22 =	sadd.s32 $0x2, s18;
	v29 =	vadd.s32 v0, v26;
	[tilespmem:v21+s0+$0x0] =	vst.idx.msk $0xffff, v25;
	v16 =	vadd.f32 v16, v4;
	s18 =	smov.u32 s20  }
0x1d8: {  	v12 =	vmovc v8;
	v21 =	vld [tilespmem:s14+$0xFFFFFF50];
	v11 =	vmov s22;
	[tilespmem:v14+s0+$0x0] =	vst.idx.msk $0xffff, v17;
	v14 =	vadd.s32 v2, v7;
	v15 =	vadd.f32 v15, v4  }
0x1d9: {  	v17 =	vadd.s32 v0, v13;
	v28 =	vand.u32 $0x7D, v28;
	v25 =	vld [tilespmem:s14+$0xFFFFFF90];
	v31 =	vadd.f32 v18, v4;
	[tilespmem:v19+s0+$0x0] =	vst.idx.msk $0xffff, v16  }
0x1da: {  	v16 =	vadd.s32 v0, v28;
	v11 =	vand.u32 $0x7E, v11;
	v18 =	vadd.f32 v23, v9;
	v19 =	vld [tilespmem:s8+$0xFFFFFF70];
	[tilespmem:v20+s0+$0x0] =	vst.idx.msk $0xffff, v15  }
0x1db: {  	v8 =	vmov v13;
	v15 =	vadd.s32 v0, v11;
	v20 =	vld [tilespmem:s8+$0xFFFFFFB0];
	v22 =	vadd.f32 v22, v5;
	[tilespmem:v24+s0+$0x0] =	vst.idx.msk $0xffff, v31  }
0x1dc: {  	v23 =	vadd.s32 v2, v10;
	v13 =	vadd.f32 v27, v9;
	[tilespmem:v29+s0+$0x0] =	vst.idx.msk $0xffff, v18;
	v18 =	vld [tilespmem:s8+$0xFFFFFF30]  }
0x1dd: {  	v27 =	vadd.s32 v2, v30;
	v21 =	vadd.f32 v21, v9;
	v24 =	vld [tilespmem:s14+$0xFFFFFFE0];
	[tilespmem:v14+s0+$0x0] =	vst.idx.msk $0xffff, v22  }
0x1de: {  	[tilespmem:v17+s0+$0x0] =	vst.idx.msk $0xffff, v13;
	v13 =	vadd.f32 v25, v9;
	v25 =	vadd.s32 v2, v12;
	v29 =	vld [tilespmem:s8+$0x0]  }
0x1df: {  	v32 =	vadd.s32 v1, v26;
	v31 =	vld [tilespmem:s14+$0xFFFFFF20];
	[tilespmem:v16+s0+$0x0] =	vst.idx.msk $0xffff, v21;
	v14 =	vadd.f32 v19, v5  }
0x1e0: {  	v34 =	vadd.s32 v3, v7;
	v7 =	vmov v26;
	v33 =	vld [tilespmem:s14+$0xFFFFFF60];
	[tilespmem:v15+s0+$0x0] =	vst.idx.msk $0xffff, v13;
	v13 =	vadd.f32 v20, v5  }
.Ltmp4:
0x1e1: {  	v22 =	vadd.s32 v1, v8;
	v17 =	vld [tilespmem:s14+$0xFFFFFFA0];
	v15 =	vadd.f32 v18, v5;
	[tilespmem:v23+s0+$0x0] =	vst.idx.msk $0xffff, v14;
	(pc) =	sbr.rel @p2 .LBB2_11-.Ltmp4, $4  }
0x1e2: {  	v21 =	vadd.s32 v1, v28;
	v18 =	vadd.f32 v24, v6;
	v16 =	vld [tilespmem:s8+$0xFFFFFF80];
	[tilespmem:v27+s0+$0x0] =	vst.idx.msk $0xffff, v13  }
0x1e3: {  	v14 =	vadd.s32 v1, v11;
	v13 =	vmov s20;
	[tilespmem:v25+s0+$0x0] =	vst.idx.msk $0xffff, v15;
	v15 =	vld [tilespmem:s8+$0xFFFFFFC0];
	v27 =	vadd.f32 v29, v4  }
0x1e4: {  	s22 =	sadd.s32 $0x3, s20;
	v19 =	vadd.s32 v3, v10;
	v13 =	vand.u32 $0x7C, v13;
	v24 =	vadd.f32 v31, v6;
	[tilespmem:v32+s0+$0x0] =	vst.idx.msk $0xffff, v18;
	v18 =	vld [tilespmem:s8+$0xFFFFFF40];
	s8 =	smov.u32 s14;
	s14 =	sadd.s32 $0x100, s14  }
0x1e5: {  	v26 =	vmov s22;
	v10 =	vmovc v28;
	v20 =	vadd.s32 v3, v30;
	s20 =	sadd.s32 $0x4, s20;
	v23 =	vld [tilespmem:s14+$0xFFFFFFD0];
	v25 =	vadd.f32 v33, v6;
	[tilespmem:v34+s0+$0x0] =	vst.idx.msk $0xffff, v27  }
0x1e6: {  	s20 =	sadd.s32 $0x1, s18  }
0x1e7: {  	v26 =	vand.u32 $0x7F, v26;
	s22 =	sadd.s32 $0x2, s18;
	v28 =	vld [tilespmem:s14+$0xFFFFFF50];
	v27 =	vmov s20  }
0x1e8: {  	v31 =	vld [tilespmem:s14+$0xFFFFFF90];
	v29 =	vadd.s32 v0, v26;
	v30 =	vmov s22;
	v27 =	vand.u32 $0x7D, v27  }
0x1e9: {  	v32 =	vld [tilespmem:s14+$0xFFFFFF10];
	v30 =	vand.u32 $0x7E, v30;
	v33 =	vadd.s32 v0, v27  }
0x1ea: {  	v34 =	vadd.s32 v0, v30  }
0x1eb: {  	[tilespmem:v22+s0+$0x0] =	vst.idx.msk $0xffff, v24;
	v44 =	vadd.s32 v0, v13;
	v23 =	vadd.f32 v23, v9  }
0x1ec: {  	[tilespmem:v21+s0+$0x0] =	vst.idx.msk $0xffff, v25;
	v45 =	vadd.f32 v28, v9  }
0x1ed: {  	v46 =	vadd.f32 v31, v9;
	[tilespmem:v29+s0+$0x0] =	vst.idx.msk $0xffff, v23  }
0x1ee: {  	v47 =	vadd.f32 v32, v9;
	v48 =	vld [tilespmem:s14+$0xFFFFFFE0];
	[tilespmem:v33+s0+$0x0] =	vst.idx.msk $0xffff, v45  }
0x1ef: {  	v17 =	vadd.f32 v17, v6;
	v12 =	vadd.s32 v3, v12;
	[tilespmem:v34+s0+$0x0] =	vst.idx.msk $0xffff, v46;
	v21 =	vld [tilespmem:s14+$0xFFFFFF60]  }
0x1f0: {  	v16 =	vadd.f32 v16, v4;
	v49 =	vadd.s32 v1, v26;
	[tilespmem:v44+s0+$0x0] =	vst.idx.msk $0xffff, v47;
	v50 =	vld [tilespmem:s14+$0xFFFFFFA0]  }
0x1f1: {  	[tilespmem:v14+s0+$0x0] =	vst.idx.msk $0xffff, v17;
	v51 =	vadd.f32 v15, v4;
	v53 =	vadd.s32 v1, v27;
	v52 =	vld [tilespmem:s14+$0xFFFFFF20]  }
0x1f2: {  	v54 =	vld [tilespmem:s8+$0xFFFFFFF0];
	v18 =	vadd.f32 v18, v4;
	[tilespmem:v19+s0+$0x0] =	vst.idx.msk $0xffff, v16;
	v55 =	vadd.s32 v1, v30  }
0x1f3: {  	v57 =	vadd.s32 v1, v13;
	v60 =	vld [tilespmem:s8+$0xFFFFFFB0];
	[tilespmem:v20+s0+$0x0] =	vst.idx.msk $0xffff, v51;
	v58 =	vadd.f32 v48, v6  }
0x1f4: {  	v59 =	vadd.s32 v2, v7;
	v56 =	vld [tilespmem:s8+$0xFFFFFF70];
	[tilespmem:v12+s0+$0x0] =	vst.idx.msk $0xffff, v18;
	v61 =	vadd.f32 v21, v6  }
0x1f5: {  	v62 =	vld [tilespmem:s8+$0xFFFFFF30];
	v29 =	vadd.s32 v2, v11;
	[tilespmem:v49+s0+$0x0] =	vst.idx.msk $0xffff, v58;
	v28 =	vadd.f32 v50, v6  }
0x1f6: {  	v63 =	vadd.s32 v2, v10;
	v31 =	vadd.f32 v52, v6;
	v32 =	vld [tilespmem:s14+$0xFFFFFFF0];
	[tilespmem:v53+s0+$0x0] =	vst.idx.msk $0xffff, v61  }
0x1f7: {  	v33 =	vadd.f32 v54, v5;
	v34 =	vadd.s32 v2, v8;
	[tilespmem:v55+s0+$0x0] =	vst.idx.msk $0xffff, v28;
	v35 =	vld [tilespmem:s14+$0xFFFFFF70]  }
0x1f8: {  	v37 =	vadd.s32 v2, v26;
	v39 =	vadd.f32 v60, v5;
	[tilespmem:v57+s0+$0x0] =	vst.idx.msk $0xffff, v31;
	v38 =	vld [tilespmem:s14+$0xFFFFFFB0]  }
0x1f9: {  	v41 =	vadd.s32 v2, v27;
	v36 =	vadd.f32 v56, v5;
	[tilespmem:v59+s0+$0x0] =	vst.idx.msk $0xffff, v33;
	v40 =	vld [tilespmem:s14+$0xFFFFFF30]  }
0x1fa: {  	v43 =	vadd.s32 v2, v30;
	v18 =	vadd.f32 v62, v5;
	v42 =	vld [tilespmem:s8+$0x0];
	[tilespmem:v29+s0+$0x0] =	vst.idx.msk $0xffff, v39  }
0x1fb: {  	v45 =	vadd.s32 v2, v13;
	[tilespmem:v63+s0+$0x0] =	vst.idx.msk $0xffff, v36;
	v47 =	vld [tilespmem:s8+$0xFFFFFFC0];
	v44 =	vadd.f32 v32, v5  }
0x1fc: {  	v46 =	vadd.s32 v3, v7;
	[tilespmem:v34+s0+$0x0] =	vst.idx.msk $0xffff, v18;
	v21 =	vld [tilespmem:s8+$0xFFFFFF80];
	v9 =	vadd.f32 v35, v5  }
0x1fd: {  	v18 =	vld [tilespmem:s8+$0xFFFFFF40];
	v50 =	vadd.s32 v3, v11;
	[tilespmem:v37+s0+$0x0] =	vst.idx.msk $0xffff, v44;
	v49 =	vadd.f32 v38, v5  }
0x1fe: {  	v48 =	vadd.s32 v3, v10;
	v5 =	vadd.f32 v40, v5;
	v12 =	vld [tilespmem:s14+$0x0];
	[tilespmem:v41+s0+$0x0] =	vst.idx.msk $0xffff, v9  }
0x1ff: {  	v52 =	vadd.s32 v3, v8;
	v51 =	vadd.f32 v42, v4;
	[tilespmem:v43+s0+$0x0] =	vst.idx.msk $0xffff, v49;
	v53 =	vld [tilespmem:s14+$0xFFFFFF80]  }
0x200: {  	v55 =	vadd.s32 v3, v26;
	v56 =	vadd.f32 v47, v4;
	[tilespmem:v45+s0+$0x0] =	vst.idx.msk $0xffff, v5;
	v5 =	vld [tilespmem:s14+$0xFFFFFFC0]  }
0x201: {  	v58 =	vadd.s32 v3, v27;
	[tilespmem:v46+s0+$0x0] =	vst.idx.msk $0xffff, v51;
	v54 =	vadd.f32 v21, v4;
	v57 =	vld [tilespmem:s14+$0xFFFFFF40]  }
0x202: {  	v60 =	vadd.s32 v3, v30;
	v59 =	vadd.f32 v18, v4;
	[tilespmem:v50+s0+$0x0] =	vst.idx.msk $0xffff, v56  }
0x203: {  	v62 =	vadd.s32 v3, v13;
	[tilespmem:v48+s0+$0x0] =	vst.idx.msk $0xffff, v54;
	v61 =	vadd.f32 v12, v4  }
0x204: {  	[tilespmem:v52+s0+$0x0] =	vst.idx.msk $0xffff, v59;
	v63 =	vadd.f32 v53, v4  }
0x205: {  	s20 =	sshll.u32 s12, $0x12;
	[tilespmem:v55+s0+$0x0] =	vst.idx.msk $0xffff, v61;
	v5 =	vadd.f32 v5, v4  }
0x206: {  	s8 =	sor.u32 s5, s20;
	v4 =	vadd.f32 v57, v4;
	[tilespmem:v58+s0+$0x0] =	vst.idx.msk $0xffff, v63  }
0x207: {  	s8 =	sshrl.u32 s8, $0x3;
	[tilespmem:v60+s0+$0x0] =	vst.idx.msk $0xffff, v5  }
0x208: {  	s22 =	simm.s32 $0xC600;
	s12 =	sadd.s32 s3, s8;
	[tilespmem:v62+s0+$0x0] =	vst.idx.msk $0xffff, v4  }
0x209: {  	[hbm4b:s12+s4] =	stream.linear.scatter [tilespmem:s22], [sflag:$0x7], $0x80, $0x38;
	[tilespmem:$0x13C00] =	vst v63  }
0x20a: {  	s18 =	sadd.s32 $0x10, s12;
	s14 =	simm.s32 $0xC688  }
0x20b: {  	[hbm4b:s18+s4] =	stream.linear.scatter [tilespmem:s14], [sflag:$0x7], $0x80, $0x38;
	[tilespmem:$0x13C00] =	vst v63  }
0x20c: {  	s20 =	simm.s32 $0xC710;
	s22 =	sadd.s32 $0x20, s12  }
0x20d: {  	[hbm4b:s22+s4] =	stream.linear.scatter [tilespmem:s20], [sflag:$0x7], $0x80, $0x38;
	[tilespmem:$0x13C00] =	vst v63  }
0x20e: {  	s14 =	simm.s32 $0xC798;
	s18 =	sadd.s32 $0x30, s12  }
0x20f: {  	[hbm4b:s18+s4] =	stream.linear.scatter [tilespmem:s14], [sflag:$0x7], $0x80, $0x38;
	[tilespmem:$0x13C00] =	vst v63  }
0x210: {  	s20 =	simm.s32 $0xC820;
	s22 =	sadd.s32 $0x40, s12  }
0x211: {  	[hbm4b:s22+s4] =	stream.linear.scatter [tilespmem:s20], [sflag:$0x7], $0x80, $0x38;
	[tilespmem:$0x13C00] =	vst v63  }
0x212: {  	s8 =	simm.s32 $0x440;
	s14 =	simm.s32 $0xC8A8;
	s18 =	sadd.s32 $0x50, s12  }
0x213: {  	[hbm4b:s18+s4] =	stream.linear.scatter [tilespmem:s14], [sflag:$0x7], $0x80, $0x38;
	[tilespmem:$0x13C00] =	vst v63  }
0x214: {  	s20 =	simm.s32 $0xC930;
	s22 =	sadd.s32 $0x60, s12;
	s14 =	simm.s32 $0x2200  }
0x215: {  	[hbm4b:s22+s4] =	stream.linear.scatter [tilespmem:s20], [sflag:$0x7], $0x80, $0x38;
	[tilespmem:$0x13C00] =	vst v63  }
0x216: {  	s18 =	simm.s32 $0xC9B8;
	s20 =	sadd.s32 $0x70, s12;
	s12 =	sadd.s32 $0x1000, s12  }
.LBB2_13:
0x217: {  	[hbm4b:s20+s4] =	stream.linear.scatter [tilespmem:s18], [sflag:$0x7], $0x80, $0x38;
	[tilespmem:$0x13C00] =	vst v63  }
0x218: {  	s18 =	smov.u32 s8;
	s8 =	smov.u32 s14  }
0x219: {  	s22 =	sadd.s32 $0x1100, s14;
	s8 =	sshra.s32 s8, $0x2;
	s20 =	sadd.s32 $0xC600, s18  }
0x21a: {  	[hbm4b:s12+s4] =	stream.linear.scatter [tilespmem:s20], [sflag:$0x7], $0x80, $0x38;
	[tilespmem:$0x13C00] =	vst v63  }
0x21b: {  	p2 =	sne.s32 s14, $0x7700;
	s14 =	sadd.s32 $0xC688, s18;
	s20 =	sadd.s32 $0x10, s12  }
0x21c: {  	[hbm4b:s20+s4] =	stream.linear.scatter [tilespmem:s14], [sflag:$0x7], $0x80, $0x38;
	[tilespmem:$0x13C00] =	vst v63  }
0x21d: {  	s14 =	sadd.s32 $0xC710, s18;
	s20 =	sadd.s32 $0x20, s12  }
0x21e: {  	[hbm4b:s20+s4] =	stream.linear.scatter [tilespmem:s14], [sflag:$0x7], $0x80, $0x38;
	[tilespmem:$0x13C00] =	vst v63  }
0x21f: {  	s14 =	sadd.s32 $0xC798, s18;
	s20 =	sadd.s32 $0x30, s12  }
0x220: {  	[hbm4b:s20+s4] =	stream.linear.scatter [tilespmem:s14], [sflag:$0x7], $0x80, $0x38;
	[tilespmem:$0x13C00] =	vst v63  }
0x221: {  	s14 =	sadd.s32 $0xC820, s18;
	s20 =	sadd.s32 $0x40, s12  }
0x222: {  	[hbm4b:s20+s4] =	stream.linear.scatter [tilespmem:s14], [sflag:$0x7], $0x80, $0x38;
	[tilespmem:$0x13C00] =	vst v63  }
.Ltmp5:
0x223: {  	s14 =	sadd.s32 $0xC8A8, s18;
	s20 =	sadd.s32 $0x50, s12;
	(pc) =	sbr.rel @p2 .LBB2_13-.Ltmp5, $4  }
0x224: {  	[hbm4b:s20+s4] =	stream.linear.scatter [tilespmem:s14], [sflag:$0x7], $0x80, $0x38;
	[tilespmem:$0x13C00] =	vst v63  }
0x225: {  	s14 =	sadd.s32 $0xC930, s18;
	s20 =	sadd.s32 $0x60, s12;
	s18 =	sadd.s32 $0xC9B8, s18  }
0x226: {  	[hbm4b:s20+s4] =	stream.linear.scatter [tilespmem:s14], [sflag:$0x7], $0x80, $0x38;
	[tilespmem:$0x13C00] =	vst v63  }
0x227: {  	s20 =	sadd.s32 $0x70, s12;
	s12 =	sadd.s32 $0x1000, s12;
	s14 =	smov.u32 s22  }
0x228: {  	[hbm4b:s20+s4] =	stream.linear.scatter [tilespmem:s18], [sflag:$0x7], $0x80, $0x38;
	[tilespmem:$0x13C00] =	vst v63  }
0x229: {  	s14 =	sadd.s32 $0xC600, s8  }
0x22a: {  	[hbm4b:s12+s4] =	stream.linear.scatter [tilespmem:s14], [sflag:$0x7], $0x80, $0x38;
	[tilespmem:$0x13C00] =	vst v63  }
0x22b: {  	s20 =	sadd.s32 $0xC688, s8;
	s22 =	sadd.s32 $0x10, s12  }
0x22c: {  	[hbm4b:s22+s4] =	stream.linear.scatter [tilespmem:s20], [sflag:$0x7], $0x80, $0x38;
	[tilespmem:$0x13C00] =	vst v63  }
0x22d: {  	s20 =	sadd.s32 $0xC710, s8;
	s22 =	sadd.s32 $0x20, s12  }
0x22e: {  	[hbm4b:s22+s4] =	stream.linear.scatter [tilespmem:s20], [sflag:$0x7], $0x80, $0x38;
	[tilespmem:$0x13C00] =	vst v63  }
0x22f: {  	s20 =	sadd.s32 $0xC798, s8;
	s22 =	sadd.s32 $0x30, s12  }
0x230: {  	[hbm4b:s22+s4] =	stream.linear.scatter [tilespmem:s20], [sflag:$0x7], $0x80, $0x38;
	[tilespmem:$0x13C00] =	vst v63  }
0x231: {  	s20 =	sadd.s32 $0xC820, s8;
	s22 =	sadd.s32 $0x40, s12  }
0x232: {  	[hbm4b:s22+s4] =	stream.linear.scatter [tilespmem:s20], [sflag:$0x7], $0x80, $0x38;
	[tilespmem:$0x13C00] =	vst v63  }
0x233: {  	s20 =	sadd.s32 $0xC8A8, s8;
	s22 =	sadd.s32 $0x50, s12  }
0x234: {  	[hbm4b:s22+s4] =	stream.linear.scatter [tilespmem:s20], [sflag:$0x7], $0x80, $0x38;
	[tilespmem:$0x13C00] =	vst v63  }
0x235: {  	s18 =	sadd.s32 $0xC930, s8;
	s22 =	sadd.s32 $0xC9B8, s8;
	s8 =	sadd.s32 @!p0 $0x7, s11  }
0x236: {  	s20 =	sadd.s32 $0x60, s12;
	s11 =	sshll.u32 @!p0 s8, $0x7;
	s8 =	sshll.u32 @!p0 s8, $0xC  }
0x237: {  	[hbm4b:s20+s4] =	stream.linear.scatter [tilespmem:s18], [sflag:$0x7], $0x80, $0x38;
	[tilespmem:$0x13C00] =	vst v63  }
0x238: {  	s11 =	sand.u32 @!p0 $0x380, s11;
	s8 =	sand.u32 @!p0 $0x1F8000, s8  }
0x239: {  	s14 =	sadd.s32 $0x70, s12;
	s8 =	sor.u32 @!p0 s8, s11  }
0x23a: {  	[hbm4b:s14+s4] =	stream.linear.scatter [tilespmem:s22], [sflag:$0x7], $0x80, $0x38;
	[tilespmem:$0x13C00] =	vst v63  }
0x23b: {  	s8 =	sor.u32 @!p0 s5, s8;
	_ =	swait.ge [sflag:s2], $0x2000  }
0x23c: {  	s12 =	simm.s32 @!p0 $0x180;
	s8 =	sshrl.u32 @!p0 s8, $0x3;
	[sflag:s2] =	ssyncset.done $0x0  }
0x23d: {  	s11 =	simm.s32 @!p0 $0x0;
	s8 =	sadd.s32 @!p0 s1, s8;
	[sflag:s2] =	ssyncadd.s32 $0xFFFFE000  }
0x23e: {  	[tilespmem:s12], [sflag:$0xC] =	stream.linear.gather @!p0 [hbm4b:s8+s11], $0x80, $0x38;
	[tilespmem:$0x13C00] =	vst v63  }
0x23f: {  	s8 =	simm.s32 @!p0 $0xB  }
0x240: {  	_ =	swait.ge @!p0 [sflag:s8], $0x80  }
0x241: {  	[sflag:s8] =	ssyncset.done @!p0 $0x0  }
0x242: {  	[sflag:s8] =	ssyncadd.s32 @!p0 $0xFFFFFF80  }
0x243: {  	v4 =	vld @!p0 [tilespmem:$0x100]  }
0x244: {  	v5 =	vld @!p0 [tilespmem:$0x110]  }
0x245: {  	v6 =	vld @!p0 [tilespmem:$0x120]  }
0x246: {  	v7 =	vld @!p0 [tilespmem:$0x130]  }
0x247: {  	v8 =	vld @!p0 [tilespmem:$0x140]  }
0x248: {  	v9 =	vld @!p0 [tilespmem:$0x150];
	v4 =	vshll.u32 @!p0 v4, $0x1  }
0x249: {  	[tilespmem:$0x100] =	vst @!p0 v4;
	v4 =	vshll.u32 @!p0 v5, $0x1;
	v5 =	vld @!p0 [tilespmem:$0x160]  }
0x24a: {  	[tilespmem:$0x110] =	vst @!p0 v4;
	v4 =	vshll.u32 @!p0 v6, $0x1;
	v6 =	vld @!p0 [tilespmem:$0x170]  }
0x24b: {  	[tilespmem:$0x120] =	vst @!p0 v4;
	v4 =	vshll.u32 @!p0 v7, $0x1  }
0x24c: {  	[tilespmem:$0x130] =	vst @!p0 v4;
	v4 =	vshll.u32 @!p0 v8, $0x1  }
0x24d: {  	[tilespmem:$0x140] =	vst @!p0 v4;
	v4 =	vshll.u32 @!p0 v9, $0x1  }
0x24e: {  	[tilespmem:$0x150] =	vst @!p0 v4;
	v4 =	vshll.u32 @!p0 v5, $0x1  }
0x24f: {  	[tilespmem:$0x160] =	vst @!p0 v4;
	v4 =	vshll.u32 @!p0 v6, $0x1  }
0x250: {  	s11 =	simm.s32 @!p0 $0x100;
	s12 =	simm.s32 @!p0 $0x4200;
	s8 =	simm.s32 @!p0 $0x80;
	[tilespmem:$0x170] =	vst @!p0 v4  }
0x251: {  	[tilespmem:s12], [sflag:$0x3] =	stream.indirect.gather @!p0 [hbm4b:s6+s8], $0x40, s11, s8, $0xb8;
	[tilespmem:$0x13C00] =	vst v63  }
0x252: {  	_ =	swait.ge @p1 [sflag:s16], $0x2000  }
0x253: {  	s18 =	sshll.u32 s10, $0x6;
	[sflag:s16] =	ssyncset.done @p1 $0x0  }
0x254: {  	s8 =	sand.u32 $0x3FFFFFC0, s18;
	[sflag:s16] =	ssyncadd.s32 @p1 $0xFFFFE000  }
0x255: {  	s20 =	simm.s32 $0x3;
	s14 =	simm.s32 $0x62F0;
	v9 =	vld [tilespmem:s8+$0x10A00]  }
0x256: {  	v4 =	vmov s20;
	v7 =	vld [tilespmem:s14+$0xFFFFFFD0]  }
0x257: {  	v13 =	vand.u32 $0x7F, v4  }
0x258: {  	s22 =	simm.s32 $0x0;
	v8 =	vadd.s32 v0, v13;
	v6 =	vld [tilespmem:s8+$0x10A10]  }
0x259: {  	v4 =	vmov s22;
	s12 =	simm.s32 $0x1;
	s18 =	simm.s32 $0x2;
	v10 =	vld [tilespmem:s14+$0xFFFFFF10]  }
0x25a: {  	v12 =	vand.u32 $0x7C, v4;
	v4 =	vmov s12;
	v14 =	vmov s18;
	v11 =	vld [tilespmem:s14+$0xFFFFFF50]  }
0x25b: {  	v15 =	vadd.s32 v0, v12;
	v19 =	vand.u32 $0x7D, v4;
	v16 =	vld [tilespmem:s14+$0xFFFFFF90];
	v7 =	vadd.f32 v7, v9  }
0x25c: {  	v20 =	vand.u32 $0x7E, v14;
	v17 =	vadd.s32 v0, v19;
	v5 =	vld [tilespmem:s8+$0x10A20]  }
0x25d: {  	v14 =	vadd.s32 v0, v20;
	v4 =	vld [tilespmem:s8+$0x10A30];
	[tilespmem:v8+s13+$0x0] =	vst.idx.msk $0xffff, v7  }
0x25e: {  	v7 =	vadd.f32 v10, v9;
	v8 =	vld [tilespmem:s14+$0xFFFFFFE0]  }
0x25f: {  	v10 =	vadd.f32 v11, v9  }
0x260: {  	v11 =	vadd.s32 v1, v13;
	[tilespmem:v15+s13+$0x0] =	vst.idx.msk $0xffff, v7;
	v7 =	vadd.f32 v16, v9  }
0x261: {  	[tilespmem:v17+s13+$0x0] =	vst.idx.msk $0xffff, v10;
	v15 =	vld [tilespmem:s14+$0xFFFFFF20]  }
0x262: {  	v10 =	vld [tilespmem:s14+$0xFFFFFF60];
	[tilespmem:v14+s13+$0x0] =	vst.idx.msk $0xffff, v7  }
0x263: {  	v14 =	vld [tilespmem:s14+$0xFFFFFFA0];
	v7 =	vadd.f32 v8, v6  }
0x264: {  	s22 =	simm.s32 $0x7;
	s8 =	simm.s32 $0x63F0;
	v16 =	vadd.s32 v1, v19  }
0x265: {  	s20 =	simm.s32 $0x4;
	v26 =	vadd.s32 v2, v13;
	v18 =	vld [tilespmem:s8+$0xFFFFFFD0];
	v17 =	vadd.s32 v1, v20;
	[tilespmem:v11+s13+$0x0] =	vst.idx.msk $0xffff, v7;
	v7 =	vmov s22  }
0x266: {  	v21 =	vadd.s32 v1, v12;
	v8 =	vmov s20;
	v7 =	vand.u32 $0x7F, v7;
	v22 =	vld [tilespmem:s14+$0xFFFFFFF0]  }
0x267: {  	s18 =	simm.s32 $0x5;
	v23 =	vld [tilespmem:s8+$0xFFFFFF10];
	v8 =	vand.u32 $0x7C, v8;
	v10 =	vadd.f32 v10, v6;
	v24 =	vadd.s32 v0, v7  }
0x268: {  	v25 =	vld [tilespmem:s8+$0xFFFFFF50];
	s20 =	simm.s32 $0x6;
	v15 =	vadd.f32 v15, v6;
	v11 =	vadd.f32 v14, v6;
	v14 =	vmov s18  }
0x269: {  	v27 =	vadd.s32 v0, v8;
	[tilespmem:v16+s13+$0x0] =	vst.idx.msk $0xffff, v10;
	v16 =	vmov s20;
	v10 =	vand.u32 $0x7D, v14;
	v14 =	vld [tilespmem:s8+$0xFFFFFF90]  }
0x26a: {  	[tilespmem:v17+s13+$0x0] =	vst.idx.msk $0xffff, v11;
	v17 =	vadd.s32 v0, v10;
	v11 =	vand.u32 $0x7E, v16;
	v16 =	vadd.f32 v18, v9;
	v18 =	vld [tilespmem:s14+$0xFFFFFF70]  }
0x26b: {  	[tilespmem:v21+s13+$0x0] =	vst.idx.msk $0xffff, v15;
	v15 =	vadd.s32 v0, v11;
	v21 =	vld [tilespmem:s14+$0xFFFFFFB0];
	v22 =	vadd.f32 v22, v5  }
0x26c: {  	v23 =	vadd.f32 v23, v9;
	[tilespmem:v24+s13+$0x0] =	vst.idx.msk $0xffff, v16;
	v16 =	vld [tilespmem:s14+$0xFFFFFF30];
	v24 =	vadd.s32 v2, v19  }
0x26d: {  	v29 =	vadd.s32 v2, v20;
	v25 =	vadd.f32 v25, v9;
	v28 =	vld [tilespmem:s8+$0xFFFFFFE0];
	[tilespmem:v26+s13+$0x0] =	vst.idx.msk $0xffff, v22  }
0x26e: {  	[tilespmem:v27+s13+$0x0] =	vst.idx.msk $0xffff, v23;
	v23 =	vadd.s32 v2, v12;
	v14 =	vadd.f32 v14, v9;
	v26 =	vld [tilespmem:s14+$0x0]  }
0x26f: {  	v27 =	vld [tilespmem:s8+$0xFFFFFF20];
	[tilespmem:v17+s13+$0x0] =	vst.idx.msk $0xffff, v25;
	v25 =	vadd.s32 v1, v7;
	v18 =	vadd.f32 v18, v5  }
0x270: {  	v31 =	vadd.s32 v3, v13;
	v30 =	vld [tilespmem:s8+$0xFFFFFF60];
	[tilespmem:v15+s13+$0x0] =	vst.idx.msk $0xffff, v14;
	v14 =	vadd.f32 v21, v5  }
0x271: {  	v22 =	vadd.s32 v1, v8;
	v17 =	vld [tilespmem:s8+$0xFFFFFFA0];
	v13 =	vadd.f32 v16, v5;
	[tilespmem:v24+s13+$0x0] =	vst.idx.msk $0xffff, v18  }
0x272: {  	s12 =	simm.s32 $0x8;
	v21 =	vadd.s32 v1, v10;
	[tilespmem:v29+s13+$0x0] =	vst.idx.msk $0xffff, v14;
	v18 =	vadd.f32 v28, v6;
	v16 =	vld [tilespmem:s14+$0xFFFFFF80]  }
0x273: {  	v24 =	vmov s12;
	v14 =	vadd.s32 v1, v11;
	v15 =	vld [tilespmem:s14+$0xFFFFFFC0];
	[tilespmem:v23+s13+$0x0] =	vst.idx.msk $0xffff, v13;
	v63 =	vadd.f32 v26, v4  }
0x274: {  	s11 =	simm.s32 $0x64F0;
	s22 =	simm.s32 $0xB;
	v19 =	vadd.s32 v3, v19;
	v13 =	vand.u32 $0x7C, v24;
	v24 =	vadd.f32 v27, v6;
	[tilespmem:v25+s13+$0x0] =	vst.idx.msk $0xffff, v18;
	v18 =	vld [tilespmem:s14+$0xFFFFFF40]  }
0x275: {  	v20 =	vadd.s32 v3, v20;
	v26 =	vmov s22;
	v23 =	vld [tilespmem:s11+$0xFFFFFFD0];
	s14 =	simm.s32 $0xC;
	v25 =	vadd.f32 v30, v6;
	[tilespmem:v31+s13+$0x0] =	vst.idx.msk $0xffff, v63  }
.LBB2_15:
0x276: {  	p0 =	slt.u32 s14, $0x7C;
	s18 =	sadd.s32 $0x1, s12;
	v26 =	vand.u32 $0x7F, v26;
	[tilespmem:v22+s13+$0x0] =	vst.idx.msk $0xffff, v24;
	v17 =	vadd.f32 v17, v6;
	v22 =	vld [tilespmem:s8+$0xFFFFFFF0];
	v24 =	vadd.s32 v3, v12  }
0x277: {  	v30 =	vmovc v11;
	v27 =	vld [tilespmem:s11+$0xFFFFFF10];
	v28 =	vmov s18;
	s18 =	sadd.s32 $0x2, s12;
	v29 =	vadd.s32 v0, v26;
	[tilespmem:v21+s13+$0x0] =	vst.idx.msk $0xffff, v25;
	v16 =	vadd.f32 v16, v4;
	s12 =	smov.u32 s14  }
0x278: {  	v12 =	vmovc v8;
	v21 =	vld [tilespmem:s11+$0xFFFFFF50];
	v11 =	vmov s18;
	[tilespmem:v14+s13+$0x0] =	vst.idx.msk $0xffff, v17;
	v14 =	vadd.s32 v2, v7;
	v15 =	vadd.f32 v15, v4  }
0x279: {  	v17 =	vadd.s32 v0, v13;
	v28 =	vand.u32 $0x7D, v28;
	v25 =	vld [tilespmem:s11+$0xFFFFFF90];
	v31 =	vadd.f32 v18, v4;
	[tilespmem:v19+s13+$0x0] =	vst.idx.msk $0xffff, v16  }
0x27a: {  	v16 =	vadd.s32 v0, v28;
	v11 =	vand.u32 $0x7E, v11;
	v18 =	vadd.f32 v23, v9;
	v19 =	vld [tilespmem:s8+$0xFFFFFF70];
	[tilespmem:v20+s13+$0x0] =	vst.idx.msk $0xffff, v15  }
0x27b: {  	v8 =	vmov v13;
	v15 =	vadd.s32 v0, v11;
	v20 =	vld [tilespmem:s8+$0xFFFFFFB0];
	v22 =	vadd.f32 v22, v5;
	[tilespmem:v24+s13+$0x0] =	vst.idx.msk $0xffff, v31  }
0x27c: {  	v23 =	vadd.s32 v2, v10;
	v13 =	vadd.f32 v27, v9;
	[tilespmem:v29+s13+$0x0] =	vst.idx.msk $0xffff, v18;
	v18 =	vld [tilespmem:s8+$0xFFFFFF30]  }
0x27d: {  	v27 =	vadd.s32 v2, v30;
	v21 =	vadd.f32 v21, v9;
	v24 =	vld [tilespmem:s11+$0xFFFFFFE0];
	[tilespmem:v14+s13+$0x0] =	vst.idx.msk $0xffff, v22  }
0x27e: {  	[tilespmem:v17+s13+$0x0] =	vst.idx.msk $0xffff, v13;
	v13 =	vadd.f32 v25, v9;
	v25 =	vadd.s32 v2, v12;
	v29 =	vld [tilespmem:s8+$0x0]  }
0x27f: {  	v32 =	vadd.s32 v1, v26;
	v31 =	vld [tilespmem:s11+$0xFFFFFF20];
	[tilespmem:v16+s13+$0x0] =	vst.idx.msk $0xffff, v21;
	v14 =	vadd.f32 v19, v5  }
0x280: {  	v34 =	vadd.s32 v3, v7;
	v7 =	vmov v26;
	v33 =	vld [tilespmem:s11+$0xFFFFFF60];
	[tilespmem:v15+s13+$0x0] =	vst.idx.msk $0xffff, v13;
	v13 =	vadd.f32 v20, v5  }
.Ltmp6:
0x281: {  	v22 =	vadd.s32 v1, v8;
	v17 =	vld [tilespmem:s11+$0xFFFFFFA0];
	v15 =	vadd.f32 v18, v5;
	[tilespmem:v23+s13+$0x0] =	vst.idx.msk $0xffff, v14;
	(pc) =	sbr.rel @p0 .LBB2_15-.Ltmp6, $4  }
0x282: {  	v21 =	vadd.s32 v1, v28;
	v18 =	vadd.f32 v24, v6;
	v16 =	vld [tilespmem:s8+$0xFFFFFF80];
	[tilespmem:v27+s13+$0x0] =	vst.idx.msk $0xffff, v13  }
0x283: {  	v14 =	vadd.s32 v1, v11;
	v13 =	vmov s14;
	[tilespmem:v25+s13+$0x0] =	vst.idx.msk $0xffff, v15;
	v15 =	vld [tilespmem:s8+$0xFFFFFFC0];
	v27 =	vadd.f32 v29, v4  }
0x284: {  	s18 =	sadd.s32 $0x3, s14;
	v19 =	vadd.s32 v3, v10;
	v13 =	vand.u32 $0x7C, v13;
	v24 =	vadd.f32 v31, v6;
	[tilespmem:v32+s13+$0x0] =	vst.idx.msk $0xffff, v18;
	v18 =	vld [tilespmem:s8+$0xFFFFFF40];
	s8 =	smov.u32 s11;
	s11 =	sadd.s32 $0x100, s11  }
0x285: {  	v26 =	vmov s18;
	v10 =	vmovc v28;
	v20 =	vadd.s32 v3, v30;
	s14 =	sadd.s32 $0x4, s14;
	v23 =	vld [tilespmem:s11+$0xFFFFFFD0];
	v25 =	vadd.f32 v33, v6;
	[tilespmem:v34+s13+$0x0] =	vst.idx.msk $0xffff, v27  }
0x286: {  	s14 =	sadd.s32 $0x1, s12  }
0x287: {  	v26 =	vand.u32 $0x7F, v26;
	s18 =	sadd.s32 $0x2, s12;
	v28 =	vld [tilespmem:s11+$0xFFFFFF50];
	v27 =	vmov s14  }
0x288: {  	v31 =	vld [tilespmem:s11+$0xFFFFFF90];
	v29 =	vadd.s32 v0, v26;
	v30 =	vmov s18;
	v27 =	vand.u32 $0x7D, v27  }
0x289: {  	v32 =	vld [tilespmem:s11+$0xFFFFFF10];
	v30 =	vand.u32 $0x7E, v30;
	v33 =	vadd.s32 v0, v27  }
0x28a: {  	v34 =	vadd.s32 v0, v30  }
0x28b: {  	[tilespmem:v22+s13+$0x0] =	vst.idx.msk $0xffff, v24;
	v44 =	vadd.s32 v0, v13;
	v23 =	vadd.f32 v23, v9  }
0x28c: {  	[tilespmem:v21+s13+$0x0] =	vst.idx.msk $0xffff, v25;
	v45 =	vadd.f32 v28, v9  }
0x28d: {  	v46 =	vadd.f32 v31, v9;
	[tilespmem:v29+s13+$0x0] =	vst.idx.msk $0xffff, v23  }
0x28e: {  	v47 =	vadd.f32 v32, v9;
	v48 =	vld [tilespmem:s11+$0xFFFFFFE0];
	[tilespmem:v33+s13+$0x0] =	vst.idx.msk $0xffff, v45  }
0x28f: {  	v17 =	vadd.f32 v17, v6;
	v12 =	vadd.s32 v3, v12;
	[tilespmem:v34+s13+$0x0] =	vst.idx.msk $0xffff, v46;
	v21 =	vld [tilespmem:s11+$0xFFFFFF60]  }
0x290: {  	v16 =	vadd.f32 v16, v4;
	v49 =	vadd.s32 v1, v26;
	[tilespmem:v44+s13+$0x0] =	vst.idx.msk $0xffff, v47;
	v50 =	vld [tilespmem:s11+$0xFFFFFFA0]  }
0x291: {  	[tilespmem:v14+s13+$0x0] =	vst.idx.msk $0xffff, v17;
	v51 =	vadd.f32 v15, v4;
	v53 =	vadd.s32 v1, v27;
	v52 =	vld [tilespmem:s11+$0xFFFFFF20]  }
0x292: {  	v54 =	vld [tilespmem:s8+$0xFFFFFFF0];
	v18 =	vadd.f32 v18, v4;
	[tilespmem:v19+s13+$0x0] =	vst.idx.msk $0xffff, v16;
	v55 =	vadd.s32 v1, v30  }
0x293: {  	v57 =	vadd.s32 v1, v13;
	v60 =	vld [tilespmem:s8+$0xFFFFFFB0];
	[tilespmem:v20+s13+$0x0] =	vst.idx.msk $0xffff, v51;
	v58 =	vadd.f32 v48, v6  }
0x294: {  	v59 =	vadd.s32 v2, v7;
	v56 =	vld [tilespmem:s8+$0xFFFFFF70];
	[tilespmem:v12+s13+$0x0] =	vst.idx.msk $0xffff, v18;
	v61 =	vadd.f32 v21, v6  }
0x295: {  	v62 =	vld [tilespmem:s8+$0xFFFFFF30];
	v29 =	vadd.s32 v2, v11;
	[tilespmem:v49+s13+$0x0] =	vst.idx.msk $0xffff, v58;
	v28 =	vadd.f32 v50, v6  }
0x296: {  	v63 =	vadd.s32 v2, v10;
	v31 =	vadd.f32 v52, v6;
	v32 =	vld [tilespmem:s11+$0xFFFFFFF0];
	[tilespmem:v53+s13+$0x0] =	vst.idx.msk $0xffff, v61  }
0x297: {  	v33 =	vadd.f32 v54, v5;
	v34 =	vadd.s32 v2, v8;
	[tilespmem:v55+s13+$0x0] =	vst.idx.msk $0xffff, v28;
	v35 =	vld [tilespmem:s11+$0xFFFFFF70]  }
0x298: {  	v37 =	vadd.s32 v2, v26;
	v39 =	vadd.f32 v60, v5;
	[tilespmem:v57+s13+$0x0] =	vst.idx.msk $0xffff, v31;
	v38 =	vld [tilespmem:s11+$0xFFFFFFB0]  }
0x299: {  	v41 =	vadd.s32 v2, v27;
	v36 =	vadd.f32 v56, v5;
	[tilespmem:v59+s13+$0x0] =	vst.idx.msk $0xffff, v33;
	v40 =	vld [tilespmem:s11+$0xFFFFFF30]  }
0x29a: {  	v43 =	vadd.s32 v2, v30;
	v18 =	vadd.f32 v62, v5;
	v42 =	vld [tilespmem:s8+$0x0];
	[tilespmem:v29+s13+$0x0] =	vst.idx.msk $0xffff, v39  }
0x29b: {  	v45 =	vadd.s32 v2, v13;
	[tilespmem:v63+s13+$0x0] =	vst.idx.msk $0xffff, v36;
	v47 =	vld [tilespmem:s8+$0xFFFFFFC0];
	v44 =	vadd.f32 v32, v5  }
0x29c: {  	v46 =	vadd.s32 v3, v7;
	[tilespmem:v34+s13+$0x0] =	vst.idx.msk $0xffff, v18;
	v21 =	vld [tilespmem:s8+$0xFFFFFF80];
	v9 =	vadd.f32 v35, v5  }
0x29d: {  	v18 =	vld [tilespmem:s8+$0xFFFFFF40];
	v50 =	vadd.s32 v3, v11;
	[tilespmem:v37+s13+$0x0] =	vst.idx.msk $0xffff, v44;
	v49 =	vadd.f32 v38, v5  }
0x29e: {  	v48 =	vadd.s32 v3, v10;
	v5 =	vadd.f32 v40, v5;
	v12 =	vld [tilespmem:s11+$0x0];
	[tilespmem:v41+s13+$0x0] =	vst.idx.msk $0xffff, v9  }
0x29f: {  	v52 =	vadd.s32 v3, v8;
	v51 =	vadd.f32 v42, v4;
	[tilespmem:v43+s13+$0x0] =	vst.idx.msk $0xffff, v49;
	v53 =	vld [tilespmem:s11+$0xFFFFFF80]  }
0x2a0: {  	v55 =	vadd.s32 v3, v26;
	v56 =	vadd.f32 v47, v4;
	[tilespmem:v45+s13+$0x0] =	vst.idx.msk $0xffff, v5;
	v5 =	vld [tilespmem:s11+$0xFFFFFFC0]  }
0x2a1: {  	v58 =	vadd.s32 v3, v27;
	[tilespmem:v46+s13+$0x0] =	vst.idx.msk $0xffff, v51;
	v54 =	vadd.f32 v21, v4;
	v57 =	vld [tilespmem:s11+$0xFFFFFF40]  }
0x2a2: {  	v60 =	vadd.s32 v3, v30;
	v59 =	vadd.f32 v18, v4;
	[tilespmem:v50+s13+$0x0] =	vst.idx.msk $0xffff, v56  }
0x2a3: {  	v62 =	vadd.s32 v3, v13;
	[tilespmem:v48+s13+$0x0] =	vst.idx.msk $0xffff, v54;
	v61 =	vadd.f32 v12, v4  }
0x2a4: {  	[tilespmem:v52+s13+$0x0] =	vst.idx.msk $0xffff, v59;
	v63 =	vadd.f32 v53, v4  }
0x2a5: {  	s20 =	sshll.u32 s10, $0x12;
	[tilespmem:v55+s13+$0x0] =	vst.idx.msk $0xffff, v61;
	v5 =	vadd.f32 v5, v4  }
0x2a6: {  	s8 =	sor.u32 s5, s20;
	v4 =	vadd.f32 v57, v4;
	[tilespmem:v58+s13+$0x0] =	vst.idx.msk $0xffff, v63  }
0x2a7: {  	s8 =	sshrl.u32 s8, $0x3;
	[tilespmem:v60+s13+$0x0] =	vst.idx.msk $0xffff, v5  }
0x2a8: {  	s22 =	simm.s32 $0xE800;
	s10 =	sadd.s32 s3, s8;
	[tilespmem:v62+s13+$0x0] =	vst.idx.msk $0xffff, v4  }
0x2a9: {  	[hbm4b:s10+s4] =	stream.linear.scatter [tilespmem:s22], [sflag:$0x8], $0x80, $0x38;
	[tilespmem:$0x13C00] =	vst v63  }
0x2aa: {  	s12 =	sadd.s32 $0x10, s10;
	s11 =	simm.s32 $0xE888  }
0x2ab: {  	[hbm4b:s12+s4] =	stream.linear.scatter [tilespmem:s11], [sflag:$0x8], $0x80, $0x38;
	[tilespmem:$0x13C00] =	vst v63  }
0x2ac: {  	s14 =	simm.s32 $0xE910;
	s20 =	simm.s32 $0xE998;
	s18 =	sadd.s32 $0x20, s10  }
0x2ad: {  	[hbm4b:s18+s4] =	stream.linear.scatter [tilespmem:s14], [sflag:$0x8], $0x80, $0x38;
	[tilespmem:$0x13C00] =	vst v63  }
0x2ae: {  	s8 =	simm.s32 $0x440;
	s22 =	sadd.s32 $0x30, s10;
	s11 =	simm.s32 $0xEA20  }
0x2af: {  	[hbm4b:s22+s4] =	stream.linear.scatter [tilespmem:s20], [sflag:$0x8], $0x80, $0x38;
	[tilespmem:$0x13C00] =	vst v63  }
0x2b0: {  	s12 =	sadd.s32 $0x40, s10;
	s14 =	simm.s32 $0xEAA8;
	s18 =	sadd.s32 $0x50, s10  }
0x2b1: {  	[hbm4b:s12+s4] =	stream.linear.scatter [tilespmem:s11], [sflag:$0x8], $0x80, $0x38;
	[tilespmem:$0x13C00] =	vst v63  }
0x2b2: {  	s20 =	simm.s32 $0xEB30;
	s22 =	sadd.s32 $0x60, s10;
	s11 =	simm.s32 $0x2200  }
0x2b3: {  	[hbm4b:s18+s4] =	stream.linear.scatter [tilespmem:s14], [sflag:$0x8], $0x80, $0x38;
	[tilespmem:$0x13C00] =	vst v63  }
0x2b4: {  	s12 =	simm.s32 $0xEBB8;
	s14 =	sadd.s32 $0x70, s10;
	s10 =	sadd.s32 $0x1000, s10  }
0x2b5: {  	[hbm4b:s22+s4] =	stream.linear.scatter [tilespmem:s20], [sflag:$0x8], $0x80, $0x38;
	[tilespmem:$0x13C00] =	vst v63  }
.LBB2_17:
0x2b6: {  	[hbm4b:s14+s4] =	stream.linear.scatter [tilespmem:s12], [sflag:$0x8], $0x80, $0x38;
	[tilespmem:$0x13C00] =	vst v63  }
0x2b7: {  	s12 =	smov.u32 s8;
	s8 =	smov.u32 s11  }
0x2b8: {  	s18 =	sadd.s32 $0x1100, s11;
	s8 =	sshra.s32 s8, $0x2;
	s14 =	sadd.s32 $0xE800, s12  }
0x2b9: {  	[hbm4b:s10+s4] =	stream.linear.scatter [tilespmem:s14], [sflag:$0x8], $0x80, $0x38;
	[tilespmem:$0x13C00] =	vst v63  }
0x2ba: {  	p0 =	sne.s32 s11, $0x7700;
	s11 =	sadd.s32 $0xE888, s12;
	s14 =	sadd.s32 $0x10, s10  }
0x2bb: {  	[hbm4b:s14+s4] =	stream.linear.scatter [tilespmem:s11], [sflag:$0x8], $0x80, $0x38;
	[tilespmem:$0x13C00] =	vst v63  }
0x2bc: {  	s11 =	sadd.s32 $0xE910, s12;
	s14 =	sadd.s32 $0x20, s10  }
0x2bd: {  	[hbm4b:s14+s4] =	stream.linear.scatter [tilespmem:s11], [sflag:$0x8], $0x80, $0x38;
	[tilespmem:$0x13C00] =	vst v63  }
0x2be: {  	s11 =	sadd.s32 $0xE998, s12;
	s14 =	sadd.s32 $0x30, s10  }
0x2bf: {  	[hbm4b:s14+s4] =	stream.linear.scatter [tilespmem:s11], [sflag:$0x8], $0x80, $0x38;
	[tilespmem:$0x13C00] =	vst v63  }
0x2c0: {  	s11 =	sadd.s32 $0xEA20, s12;
	s14 =	sadd.s32 $0x40, s10  }
0x2c1: {  	[hbm4b:s14+s4] =	stream.linear.scatter [tilespmem:s11], [sflag:$0x8], $0x80, $0x38;
	[tilespmem:$0x13C00] =	vst v63  }
.Ltmp7:
0x2c2: {  	s11 =	sadd.s32 $0xEAA8, s12;
	s14 =	sadd.s32 $0x50, s10;
	(pc) =	sbr.rel @p0 .LBB2_17-.Ltmp7, $4  }
0x2c3: {  	[hbm4b:s14+s4] =	stream.linear.scatter [tilespmem:s11], [sflag:$0x8], $0x80, $0x38;
	[tilespmem:$0x13C00] =	vst v63  }
0x2c4: {  	s11 =	sadd.s32 $0xEB30, s12;
	s14 =	sadd.s32 $0x60, s10;
	s12 =	sadd.s32 $0xEBB8, s12  }
0x2c5: {  	[hbm4b:s14+s4] =	stream.linear.scatter [tilespmem:s11], [sflag:$0x8], $0x80, $0x38;
	[tilespmem:$0x13C00] =	vst v63  }
0x2c6: {  	s14 =	sadd.s32 $0x70, s10;
	s10 =	sadd.s32 $0x1000, s10;
	s11 =	smov.u32 s18  }
0x2c7: {  	[hbm4b:s14+s4] =	stream.linear.scatter [tilespmem:s12], [sflag:$0x8], $0x80, $0x38;
	[tilespmem:$0x13C00] =	vst v63  }
0x2c8: {  	s11 =	sadd.s32 $0xE800, s8  }
0x2c9: {  	[hbm4b:s10+s4] =	stream.linear.scatter [tilespmem:s11], [sflag:$0x8], $0x80, $0x38;
	[tilespmem:$0x13C00] =	vst v63  }
0x2ca: {  	s20 =	sadd.s32 $0xE888, s8;
	s22 =	sadd.s32 $0x10, s10  }
0x2cb: {  	[hbm4b:s22+s4] =	stream.linear.scatter [tilespmem:s20], [sflag:$0x8], $0x80, $0x38;
	[tilespmem:$0x13C00] =	vst v63  }
0x2cc: {  	s14 =	sadd.s32 $0xE910, s8;
	s18 =	sadd.s32 $0x20, s10  }
0x2cd: {  	[hbm4b:s18+s4] =	stream.linear.scatter [tilespmem:s14], [sflag:$0x8], $0x80, $0x38;
	[tilespmem:$0x13C00] =	vst v63  }
0x2ce: {  	s20 =	sadd.s32 $0xE998, s8;
	s22 =	sadd.s32 $0x30, s10  }
0x2cf: {  	[hbm4b:s22+s4] =	stream.linear.scatter [tilespmem:s20], [sflag:$0x8], $0x80, $0x38;
	[tilespmem:$0x13C00] =	vst v63  }
0x2d0: {  	s9 =	sadd.s32 $0x1, s9;
	s14 =	sadd.s32 $0xEA20, s8;
	s18 =	sadd.s32 $0x40, s10  }
0x2d1: {  	[hbm4b:s18+s4] =	stream.linear.scatter [tilespmem:s14], [sflag:$0x8], $0x80, $0x38;
	[tilespmem:$0x13C00] =	vst v63  }
0x2d2: {  	p0 =	sne.s32 s9, $0x32;
	s20 =	sadd.s32 $0xEAA8, s8;
	s22 =	sadd.s32 $0x50, s10  }
0x2d3: {  	[hbm4b:s22+s4] =	stream.linear.scatter [tilespmem:s20], [sflag:$0x8], $0x80, $0x38;
	[tilespmem:$0x13C00] =	vst v63  }
.Ltmp8:
0x2d4: {  	_ = 	snop;
	(pc) =	sbr.rel @p0 .LBB2_2-.Ltmp8, $4  }
0x2d5: {  	s14 =	sadd.s32 $0xEB30, s8;
	s18 =	sadd.s32 $0x60, s10  }
0x2d6: {  	[hbm4b:s18+s4] =	stream.linear.scatter [tilespmem:s14], [sflag:$0x8], $0x80, $0x38;
	[tilespmem:$0x13C00] =	vst v63  }
0x2d7: {  	s20 =	sadd.s32 $0xEBB8, s8;
	s22 =	sadd.s32 $0x70, s10  }
0x2d8: {  	[hbm4b:s22+s4] =	stream.linear.scatter [tilespmem:s20], [sflag:$0x8], $0x80, $0x38;
	[tilespmem:$0x13C00] =	vst v63  }
0x2d9: {  	_ =	swait.ge [sflag:s19], $0x2000  }
0x2da: {  	[sflag:s19] =	ssyncset.done $0x0  }
0x2db: {  	[sflag:s19] =	ssyncadd.s32 $0xFFFFE000  }
0x2dc: {  	_ =	swait.ge [sflag:s21], $0x2000  }
0x2dd: {  	[sflag:s21] =	ssyncset.done $0x0  }
0x2de: {  	[sflag:s21] =	ssyncadd.s32 $0xFFFFE000  }
0x2df: {  	_ =	swait.ge [sflag:s23], $0x2000  }
0x2e0: {  	[sflag:s23] =	ssyncset.done $0x0  }
0x2e1: {  	[sflag:s23] =	ssyncadd.s32 $0xFFFFE000  }
0x2e2: {  	_ =	swait.ge [sflag:s16], $0x2000  }
0x2e3: {  	s7 =	sadd.s32 $0x1, s7;
	s8 =	rddreg [dreg:$0x9]  }
0x2e4: {  	p0 =	sne.s32 s7, s8  }
.Ltmp9:
0x2e5: {  	_ = 	snop;
	(pc) =	sbr.rel @p0 .LBB2_1-.Ltmp9, $3  }
0x2e6: {  	_ =	sdelay $0x1  }
0x2e7: {  	[sflag:s16] =	ssyncset.done $0x0  }
0x2e8: {  	[sflag:s16] =	ssyncadd.s32 $0xFFFFE000  }
0x2e9: {  	_ =	sfence.sel $0x180000  }
0x2ea: {  	[bflag:$0x0] =	sbarrier.arrive $0xFFFF  }
0x2eb: {  	_ =	strace $0x90000047  }
0x2ec: {  	s0 =	stileid.u32;
	[bflag:$0x2] =	sbarrier.arrive $0xFFFF  }
0x2ed: {  	p0 =	sne.s32 s0, $0x0;
	s0 =	rddreg [dreg:$0x3]  }
0x2ee: {  	s0 =	sadd.s32 @!p0 $0x100000, s0  }
0x2ef: {  	[sflag:s0] =	ssyncadd.tile.s32 @!p0 $0x1;
	_ =	shalt  }
.Lfunc_end2:
_tile_overlayer_lowered:
.L_overlay_start_2:
0x2f0: {  	(tag) =	ssettag $0x2  }
0x2f1: {  	s0 =	rddreg [dreg:$0x0];
	s2 =	stileid.u32  }
0x2f2: {  	s1 =	rddreg [dreg:$0x1];
	p0 =	sne.s32 s2, $0x0  }
0x2f3: {  	s3 =	rddreg [dreg:$0x2];
	[bflag:$0x3] =	sbarrier.arrive $0xFFFF;
	s2 =	simm.s32 @!p0 $0x1C0D  }
0x2f4: {  	[timem:s3], [sflag:s2] =	dma.local @!p0 [hbm:s0], s1  }
0x2f5: {  	s0 =	simm.s32 @!p0 $0xD  }
0x2f6: {  	_ =	swait.ge @!p0 [sflag:s0], s1  }
0x2f7: {  	s1 =	ssub.s32 @!p0 $0x0, s1;
	[sflag:s0] =	ssyncset.done @!p0 $0x0  }
0x2f8: {  	[sflag:s0] =	ssyncadd.s32 @!p0 s1  }
0x2f9: {  	[bflag:$0x3] =	sbarrier.arrive $0xFFFF  }
0x2fa: {  	_ =	shalt  }

</sc_bundles>
